<compile_context>
chip_gen: v7x
topology: tpu7x:2x2x1
jax: 0.10.2.dev20260603
libtpu: 0.0.44.dev20260713+nightly
codegen_flags: <defaults>
</compile_context>

<pallas_src>
import functools

import jax
import jax.numpy as jnp
from jax import lax
from jax.experimental import pallas as pl
from jax.experimental.pallas import tpu as pltpu
from jax.experimental.pallas import tpu_sc as plsc


def _make_sc_gather(V, D, B):
    info = plsc.get_sparse_core_info()
    NC, NS = info.num_cores, info.num_subcores
    NW = NC * NS
    assert B % NW == 0
    b_per_w = B // NW
    CH = 32
    assert b_per_w % CH == 0
    n_chunks = b_per_w // CH

    mesh = plsc.VectorSubcoreMesh(core_axis_name="c", subcore_axis_name="s")

    @functools.partial(
        pl.kernel,
        mesh=mesh,
        out_type=jax.ShapeDtypeStruct((B, D), jnp.float32),
        scratch_types=[
            pltpu.VMEM((b_per_w,), jnp.int32),
            pltpu.VMEM((CH, D), jnp.float32),
            pltpu.VMEM((CH, D), jnp.float32),
            pltpu.SemaphoreType.DMA,
            pltpu.SemaphoreType.DMA,
        ],
    )
    def gather_kernel(table_hbm, ids_hbm, out_hbm, idx_v, buf0, buf1, g0, g1):
        wid = lax.axis_index("s") * NC + lax.axis_index("c")
        base = wid * b_per_w
        pltpu.sync_copy(ids_hbm.at[pl.ds(base, b_per_w)], idx_v)
        bufs = (buf0, buf1)
        sems = (g0, g1)
        pltpu.async_copy(table_hbm.at[idx_v.at[pl.ds(0, CH)]], bufs[0], sems[0])
        for c in range(n_chunks):
            cur = bufs[c % 2]
            if c + 1 < n_chunks:
                pltpu.async_copy(
                    table_hbm.at[idx_v.at[pl.ds((c + 1) * CH, CH)]],
                    bufs[(c + 1) % 2],
                    sems[(c + 1) % 2],
                )
            pltpu.make_async_copy(
                table_hbm.at[idx_v.at[pl.ds(c * CH, CH)]], cur, sems[c % 2]
            ).wait()
            pltpu.sync_copy(cur, out_hbm.at[pl.ds(base + c * CH, CH)])

    return gather_kernel


def _mm_compute(x_ref, w_ref, b_ref, o_ref):
    o_ref[...] = (
        lax.dot_general(
            x_ref[...],
            w_ref[...],
            dimension_numbers=(((1,), (1,)), ((), ())),
            preferred_element_type=jnp.float32,
        )
        + b_ref[...]
    )


def _mm_body(x_ref, w_ref, b_ref, o_ref):
    _mm_compute(x_ref, w_ref, b_ref, o_ref)


def _mm_body_aliased(y_ref, x_ref, w_ref, b_ref, o_ref):
    del y_ref
    _mm_compute(x_ref, w_ref, b_ref, o_ref)


def _make_tc_matmul_chunk(B, D, CB, off_rows, aliased, BB=1024):
    base_blk = off_rows // BB
    xwb_specs = [
        pl.BlockSpec((BB, D), lambda j: (j, 0)),
        pl.BlockSpec((D, D), lambda j: (0, 0)),
        pl.BlockSpec((1, D), lambda j: (0, 0)),
    ]
    if aliased:
        in_specs = [pl.BlockSpec(memory_space=pl.ANY)] + xwb_specs
        body = _mm_body_aliased
    else:
        in_specs = xwb_specs
        body = _mm_body
    return pl.pallas_call(
        body,
        grid=(CB // BB,),
        in_specs=in_specs,
        out_specs=pl.BlockSpec((BB, D), lambda j: (base_blk + j, 0)),
        out_shape=jax.ShapeDtypeStruct((B, D), jnp.float32),
        input_output_aliases={0: 0} if aliased else {},
    )


def kernel(user_ids, embedding_table, W, b):
    B = user_ids.shape[0]
    V, D = embedding_table.shape
    ids = user_ids.astype(jnp.int32)
    b2 = b.reshape(1, D)
    NCH = 4
    CB = B // NCH
    gather = _make_sc_gather(V, D, CB)
    chunks = [
        gather(embedding_table, lax.slice(ids, (i * CB,), ((i + 1) * CB,)))
        for i in range(NCH)
    ]
    y = _make_tc_matmul_chunk(B, D, CB, 0, aliased=False)(chunks[0], W, b2)
    for i in range(1, NCH):
        y = _make_tc_matmul_chunk(B, D, CB, i * CB, aliased=True)(
            y, chunks[i], W, b2
        )
    return y

# --- scband reference (transcript-rebuilt; emitter-appended) ---
"""Pipeline reference for scband-user-condition-encoder-58832462021365 (READ-ONLY COPY).

The authoritative reference and input builder live on the scoring server;
editing this copy changes nothing except your own understanding.
"""

import jax, jax.numpy as jnp
import numpy as np

NUM_USERS = 100000
EMBED_DIM = 1152
BATCH = 16384

def setup_inputs(seed: int = 0) -> dict:
    key = jax.random.key(seed)
    k_idx, k_tab, k_w, k_b = jax.random.split(key, 4)
    user_ids = jax.random.randint(k_idx, (BATCH,), 0, NUM_USERS, dtype=jnp.int64 if jax.config.jax_enable_x64 else jnp.int32)
    embedding_table = jax.random.normal(k_tab, (NUM_USERS, EMBED_DIM), dtype=jnp.float32)
    bound = 1.0 / np.sqrt(EMBED_DIM)
    W = jax.random.uniform(k_w, (EMBED_DIM, EMBED_DIM), minval=-bound, maxval=bound, dtype=jnp.float32)
    b = jax.random.uniform(k_b, (EMBED_DIM,), minval=-bound, maxval=bound, dtype=jnp.float32)
    return {"user_ids": user_ids, "embedding_table": embedding_table, "W": W, "b": b}

def reference(user_ids, embedding_table, W, b):
    # nn.Embedding lookup
    embeddings = jnp.take(embedding_table, user_ids, axis=0)
    # nn.Linear: x @ W.T + b
    return embeddings @ W.T + b

if __name__ == "__main__":
    import jax
    _d = setup_inputs()
    print(jax.jit(kernel)(*tuple(_d.values())))

</pallas_src>

<mosaic_0001>
#map = affine_map<(d0, d1) -> (0, 0)>
#map1 = affine_map<(d0, d1) -> (0)>
module attributes {stable_mosaic.version = 14 : i64} {
  func.func @gather_kernel(%arg0: i32, %arg1: i32, %arg2: memref<100000x1152xf32, #tpu.memory_space<hbm>>, %arg3: memref<4096xi32, #tpu.memory_space<hbm>>, %arg4: memref<4096x1152xf32, #tpu.memory_space<hbm>>, %arg5: memref<128xi32, #tpu.memory_space<vmem>>, %arg6: memref<32x1152xf32, #tpu.memory_space<vmem>>, %arg7: memref<32x1152xf32, #tpu.memory_space<vmem>>, %arg8: memref<!tpu.dma_semaphore, #tpu.memory_space<semaphore_mem>>, %arg9: memref<!tpu.dma_semaphore, #tpu.memory_space<semaphore_mem>>) attributes {dimension_semantics = [#tpu.dimension_semantics<core_parallel>, #tpu.dimension_semantics<subcore_parallel>], iteration_bounds = array<i64: 2, 16>, scalar_prefetch = 0 : i64, scratch_operands = 5 : i64, tpu.core_type = #tpu.core_type<sc_vector_subcore>, window_params = [{transform_indices = #map}, {transform_indices = #map1}, {transform_indices = #map}]} {
    %mul3A = arith.constant 2 : i32
    %mul3A_0 = arith.muli %arg1, %mul3A : i32
    %add3A = arith.addi %mul3A_0, %arg0 : i32
    %mul3A_1 = arith.constant 128 : i32
    %mul3A_2 = arith.muli %add3A, %mul3A_1 : i32
    "tpu.region"() ({
      %run_scoped3A = tpu.sem_alloc : memref<!tpu.dma_semaphore, #tpu.memory_space<semaphore_mem>>
      %dma_start3A_49 = tpu.memref_slice %arg3[%mul3A_2] : memref<4096xi32, #tpu.memory_space<hbm>> -> memref<128xi32, #tpu.memory_space<hbm>>
      %dma_start3A_50 = tpu.memref_slice %arg3[%mul3A_2] : memref<4096xi32, #tpu.memory_space<hbm>> -> memref<128xi32, #tpu.memory_space<hbm>>
      tpu.enqueue_dma source(%dma_start3A_50 : memref<128xi32, #tpu.memory_space<hbm>>) target(%arg5 : memref<128xi32, #tpu.memory_space<vmem>>) target_semaphore(%run_scoped3A : memref<!tpu.dma_semaphore, #tpu.memory_space<semaphore_mem>>)
      %dma_wait3A_51 = tpu.memref_slice %arg3[%mul3A_2] : memref<4096xi32, #tpu.memory_space<hbm>> -> memref<128xi32, #tpu.memory_space<hbm>>
      %dma_wait3A_52 = tpu.memref_slice %arg3[%mul3A_2] : memref<4096xi32, #tpu.memory_space<hbm>> -> memref<128xi32, #tpu.memory_space<hbm>>
      tpu.wait_dma2 semaphore(%run_scoped3A : memref<!tpu.dma_semaphore, #tpu.memory_space<semaphore_mem>>) src(%dma_wait3A_52 : memref<128xi32, #tpu.memory_space<hbm>>) dst(%arg5 : memref<128xi32, #tpu.memory_space<vmem>>)
      tpu.yield
    }) : () -> ()
    %dma_start3A = arith.constant 0 : i32
    %dma_start3A_3 = tpu.memref_slice %arg5[%dma_start3A] : memref<128xi32, #tpu.memory_space<vmem>> -> memref<32xi32, #tpu.memory_space<vmem>>
    %dma_start3A_4 = arith.constant 0 : i32
    %dma_start3A_5 = arith.constant 0 : i32
    %dma_start3A_6 = tpu.memref_slice %arg2[%dma_start3A_4, %dma_start3A_5] : memref<100000x1152xf32, #tpu.memory_space<hbm>> -> memref<100000x1152xf32, #tpu.memory_space<hbm>>
    tpu.enqueue_indirect_dma source(%dma_start3A_6 : memref<100000x1152xf32, #tpu.memory_space<hbm>>) target(%arg6 : memref<32x1152xf32, #tpu.memory_space<vmem>>) offsets(%dma_start3A_3 : memref<32xi32, #tpu.memory_space<vmem>>) semaphore(%arg8 : memref<!tpu.dma_semaphore, #tpu.memory_space<semaphore_mem>>)
    %dma_start3A_7 = arith.constant 32 : i32
    %dma_start3A_8 = tpu.memref_slice %arg5[%dma_start3A_7] : memref<128xi32, #tpu.memory_space<vmem>> -> memref<32xi32, #tpu.memory_space<vmem>>
    %dma_start3A_9 = arith.constant 0 : i32
    %dma_start3A_10 = arith.constant 0 : i32
    %dma_start3A_11 = tpu.memref_slice %arg2[%dma_start3A_9, %dma_start3A_10] : memref<100000x1152xf32, #tpu.memory_space<hbm>> -> memref<100000x1152xf32, #tpu.memory_space<hbm>>
    tpu.enqueue_indirect_dma source(%dma_start3A_11 : memref<100000x1152xf32, #tpu.memory_space<hbm>>) target(%arg7 : memref<32x1152xf32, #tpu.memory_space<vmem>>) offsets(%dma_start3A_8 : memref<32xi32, #tpu.memory_space<vmem>>) semaphore(%arg9 : memref<!tpu.dma_semaphore, #tpu.memory_space<semaphore_mem>>)
    %dma_wait3A = arith.constant 0 : i32
    %dma_wait3A_12 = tpu.memref_slice %arg5[%dma_wait3A] : memref<128xi32, #tpu.memory_space<vmem>> -> memref<32xi32, #tpu.memory_space<vmem>>
    %dma_wait3A_13 = arith.constant 0 : i32
    %dma_wait3A_14 = arith.constant 0 : i32
    %dma_wait3A_15 = tpu.memref_slice %arg2[%dma_wait3A_13, %dma_wait3A_14] : memref<100000x1152xf32, #tpu.memory_space<hbm>> -> memref<100000x1152xf32, #tpu.memory_space<hbm>>
    tpu.wait_indirect_dma semaphore(%arg8 : memref<!tpu.dma_semaphore, #tpu.memory_space<semaphore_mem>>) src(%dma_wait3A_15 : memref<100000x1152xf32, #tpu.memory_space<hbm>>) dst(%arg6 : memref<32x1152xf32, #tpu.memory_space<vmem>>)
    %add3A_16 = arith.constant 0 : i32
    %add3A_17 = arith.addi %mul3A_2, %add3A_16 : i32
    "tpu.region"() ({
      %run_scoped3A = tpu.sem_alloc : memref<!tpu.dma_semaphore, #tpu.memory_space<semaphore_mem>>
      %dma_start3A_49 = arith.constant 0 : i32
      %dma_start3A_50 = tpu.memref_slice %arg4[%add3A_17, %dma_start3A_49] : memref<4096x1152xf32, #tpu.memory_space<hbm>> -> memref<32x1152xf32, #tpu.memory_space<hbm>>
      %dma_start3A_51 = arith.constant 0 : i32
      %dma_start3A_52 = tpu.memref_slice %arg4[%add3A_17, %dma_start3A_51] : memref<4096x1152xf32, #tpu.memory_space<hbm>> -> memref<32x1152xf32, #tpu.memory_space<hbm>>
      tpu.enqueue_dma source(%arg6 : memref<32x1152xf32, #tpu.memory_space<vmem>>) target(%dma_start3A_52 : memref<32x1152xf32, #tpu.memory_space<hbm>>) target_semaphore(%run_scoped3A : memref<!tpu.dma_semaphore, #tpu.memory_space<semaphore_mem>>)
      %dma_wait3A_53 = arith.constant 0 : i32
      %dma_wait3A_54 = tpu.memref_slice %arg4[%add3A_17, %dma_wait3A_53] : memref<4096x1152xf32, #tpu.memory_space<hbm>> -> memref<32x1152xf32, #tpu.memory_space<hbm>>
      %dma_wait3A_55 = arith.constant 0 : i32
      %dma_wait3A_56 = tpu.memref_slice %arg4[%add3A_17, %dma_wait3A_55] : memref<4096x1152xf32, #tpu.memory_space<hbm>> -> memref<32x1152xf32, #tpu.memory_space<hbm>>
      tpu.wait_dma2 semaphore(%run_scoped3A : memref<!tpu.dma_semaphore, #tpu.memory_space<semaphore_mem>>) src(%arg6 : memref<32x1152xf32, #tpu.memory_space<vmem>>) dst(%dma_wait3A_56 : memref<32x1152xf32, #tpu.memory_space<hbm>>)
      tpu.yield
    }) : () -> ()
    %dma_start3A_18 = arith.constant 64 : i32
    %dma_start3A_19 = tpu.memref_slice %arg5[%dma_start3A_18] : memref<128xi32, #tpu.memory_space<vmem>> -> memref<32xi32, #tpu.memory_space<vmem>>
    %dma_start3A_20 = arith.constant 0 : i32
    %dma_start3A_21 = arith.constant 0 : i32
    %dma_start3A_22 = tpu.memref_slice %arg2[%dma_start3A_20, %dma_start3A_21] : memref<100000x1152xf32, #tpu.memory_space<hbm>> -> memref<100000x1152xf32, #tpu.memory_space<hbm>>
    tpu.enqueue_indirect_dma source(%dma_start3A_22 : memref<100000x1152xf32, #tpu.memory_space<hbm>>) target(%arg6 : memref<32x1152xf32, #tpu.memory_space<vmem>>) offsets(%dma_start3A_19 : memref<32xi32, #tpu.memory_space<vmem>>) semaphore(%arg8 : memref<!tpu.dma_semaphore, #tpu.memory_space<semaphore_mem>>)
    %dma_wait3A_23 = arith.constant 32 : i32
    %dma_wait3A_24 = tpu.memref_slice %arg5[%dma_wait3A_23] : memref<128xi32, #tpu.memory_space<vmem>> -> memref<32xi32, #tpu.memory_space<vmem>>
    %dma_wait3A_25 = arith.constant 0 : i32
    %dma_wait3A_26 = arith.constant 0 : i32
    %dma_wait3A_27 = tpu.memref_slice %arg2[%dma_wait3A_25, %dma_wait3A_26] : memref<100000x1152xf32, #tpu.memory_space<hbm>> -> memref<100000x1152xf32, #tpu.memory_space<hbm>>
    tpu.wait_indirect_dma semaphore(%arg9 : memref<!tpu.dma_semaphore, #tpu.memory_space<semaphore_mem>>) src(%dma_wait3A_27 : memref<100000x1152xf32, #tpu.memory_space<hbm>>) dst(%arg7 : memref<32x1152xf32, #tpu.memory_space<vmem>>)
    %add3A_28 = arith.constant 32 : i32
    %add3A_29 = arith.addi %mul3A_2, %add3A_28 : i32
    "tpu.region"() ({
      %run_scoped3A = tpu.sem_alloc : memref<!tpu.dma_semaphore, #tpu.memory_space<semaphore_mem>>
      %dma_start3A_49 = arith.constant 0 : i32
      %dma_start3A_50 = tpu.memref_slice %arg4[%add3A_29, %dma_start3A_49] : memref<4096x1152xf32, #tpu.memory_space<hbm>> -> memref<32x1152xf32, #tpu.memory_space<hbm>>
      %dma_start3A_51 = arith.constant 0 : i32
      %dma_start3A_52 = tpu.memref_slice %arg4[%add3A_29, %dma_start3A_51] : memref<4096x1152xf32, #tpu.memory_space<hbm>> -> memref<32x1152xf32, #tpu.memory_space<hbm>>
      tpu.enqueue_dma source(%arg7 : memref<32x1152xf32, #tpu.memory_space<vmem>>) target(%dma_start3A_52 : memref<32x1152xf32, #tpu.memory_space<hbm>>) target_semaphore(%run_scoped3A : memref<!tpu.dma_semaphore, #tpu.memory_space<semaphore_mem>>)
      %dma_wait3A_53 = arith.constant 0 : i32
      %dma_wait3A_54 = tpu.memref_slice %arg4[%add3A_29, %dma_wait3A_53] : memref<4096x1152xf32, #tpu.memory_space<hbm>> -> memref<32x1152xf32, #tpu.memory_space<hbm>>
      %dma_wait3A_55 = arith.constant 0 : i32
      %dma_wait3A_56 = tpu.memref_slice %arg4[%add3A_29, %dma_wait3A_55] : memref<4096x1152xf32, #tpu.memory_space<hbm>> -> memref<32x1152xf32, #tpu.memory_space<hbm>>
      tpu.wait_dma2 semaphore(%run_scoped3A : memref<!tpu.dma_semaphore, #tpu.memory_space<semaphore_mem>>) src(%arg7 : memref<32x1152xf32, #tpu.memory_space<vmem>>) dst(%dma_wait3A_56 : memref<32x1152xf32, #tpu.memory_space<hbm>>)
      tpu.yield
    }) : () -> ()
    %dma_start3A_30 = arith.constant 96 : i32
    %dma_start3A_31 = tpu.memref_slice %arg5[%dma_start3A_30] : memref<128xi32, #tpu.memory_space<vmem>> -> memref<32xi32, #tpu.memory_space<vmem>>
    %dma_start3A_32 = arith.constant 0 : i32
    %dma_start3A_33 = arith.constant 0 : i32
    %dma_start3A_34 = tpu.memref_slice %arg2[%dma_start3A_32, %dma_start3A_33] : memref<100000x1152xf32, #tpu.memory_space<hbm>> -> memref<100000x1152xf32, #tpu.memory_space<hbm>>
    tpu.enqueue_indirect_dma source(%dma_start3A_34 : memref<100000x1152xf32, #tpu.memory_space<hbm>>) target(%arg7 : memref<32x1152xf32, #tpu.memory_space<vmem>>) offsets(%dma_start3A_31 : memref<32xi32, #tpu.memory_space<vmem>>) semaphore(%arg9 : memref<!tpu.dma_semaphore, #tpu.memory_space<semaphore_mem>>)
    %dma_wait3A_35 = arith.constant 64 : i32
    %dma_wait3A_36 = tpu.memref_slice %arg5[%dma_wait3A_35] : memref<128xi32, #tpu.memory_space<vmem>> -> memref<32xi32, #tpu.memory_space<vmem>>
    %dma_wait3A_37 = arith.constant 0 : i32
    %dma_wait3A_38 = arith.constant 0 : i32
    %dma_wait3A_39 = tpu.memref_slice %arg2[%dma_wait3A_37, %dma_wait3A_38] : memref<100000x1152xf32, #tpu.memory_space<hbm>> -> memref<100000x1152xf32, #tpu.memory_space<hbm>>
    tpu.wait_indirect_dma semaphore(%arg8 : memref<!tpu.dma_semaphore, #tpu.memory_space<semaphore_mem>>) src(%dma_wait3A_39 : memref<100000x1152xf32, #tpu.memory_space<hbm>>) dst(%arg6 : memref<32x1152xf32, #tpu.memory_space<vmem>>)
    %add3A_40 = arith.constant 64 : i32
    %add3A_41 = arith.addi %mul3A_2, %add3A_40 : i32
    "tpu.region"() ({
      %run_scoped3A = tpu.sem_alloc : memref<!tpu.dma_semaphore, #tpu.memory_space<semaphore_mem>>
      %dma_start3A_49 = arith.constant 0 : i32
      %dma_start3A_50 = tpu.memref_slice %arg4[%add3A_41, %dma_start3A_49] : memref<4096x1152xf32, #tpu.memory_space<hbm>> -> memref<32x1152xf32, #tpu.memory_space<hbm>>
      %dma_start3A_51 = arith.constant 0 : i32
      %dma_start3A_52 = tpu.memref_slice %arg4[%add3A_41, %dma_start3A_51] : memref<4096x1152xf32, #tpu.memory_space<hbm>> -> memref<32x1152xf32, #tpu.memory_space<hbm>>
      tpu.enqueue_dma source(%arg6 : memref<32x1152xf32, #tpu.memory_space<vmem>>) target(%dma_start3A_52 : memref<32x1152xf32, #tpu.memory_space<hbm>>) target_semaphore(%run_scoped3A : memref<!tpu.dma_semaphore, #tpu.memory_space<semaphore_mem>>)
      %dma_wait3A_53 = arith.constant 0 : i32
      %dma_wait3A_54 = tpu.memref_slice %arg4[%add3A_41, %dma_wait3A_53] : memref<4096x1152xf32, #tpu.memory_space<hbm>> -> memref<32x1152xf32, #tpu.memory_space<hbm>>
      %dma_wait3A_55 = arith.constant 0 : i32
      %dma_wait3A_56 = tpu.memref_slice %arg4[%add3A_41, %dma_wait3A_55] : memref<4096x1152xf32, #tpu.memory_space<hbm>> -> memref<32x1152xf32, #tpu.memory_space<hbm>>
      tpu.wait_dma2 semaphore(%run_scoped3A : memref<!tpu.dma_semaphore, #tpu.memory_space<semaphore_mem>>) src(%arg6 : memref<32x1152xf32, #tpu.memory_space<vmem>>) dst(%dma_wait3A_56 : memref<32x1152xf32, #tpu.memory_space<hbm>>)
      tpu.yield
    }) : () -> ()
    %dma_wait3A_42 = arith.constant 96 : i32
    %dma_wait3A_43 = tpu.memref_slice %arg5[%dma_wait3A_42] : memref<128xi32, #tpu.memory_space<vmem>> -> memref<32xi32, #tpu.memory_space<vmem>>
    %dma_wait3A_44 = arith.constant 0 : i32
    %dma_wait3A_45 = arith.constant 0 : i32
    %dma_wait3A_46 = tpu.memref_slice %arg2[%dma_wait3A_44, %dma_wait3A_45] : memref<100000x1152xf32, #tpu.memory_space<hbm>> -> memref<100000x1152xf32, #tpu.memory_space<hbm>>
    tpu.wait_indirect_dma semaphore(%arg9 : memref<!tpu.dma_semaphore, #tpu.memory_space<semaphore_mem>>) src(%dma_wait3A_46 : memref<100000x1152xf32, #tpu.memory_space<hbm>>) dst(%arg7 : memref<32x1152xf32, #tpu.memory_space<vmem>>)
    %add3A_47 = arith.constant 96 : i32
    %add3A_48 = arith.addi %mul3A_2, %add3A_47 : i32
    "tpu.region"() ({
      %run_scoped3A = tpu.sem_alloc : memref<!tpu.dma_semaphore, #tpu.memory_space<semaphore_mem>>
      %dma_start3A_49 = arith.constant 0 : i32
      %dma_start3A_50 = tpu.memref_slice %arg4[%add3A_48, %dma_start3A_49] : memref<4096x1152xf32, #tpu.memory_space<hbm>> -> memref<32x1152xf32, #tpu.memory_space<hbm>>
      %dma_start3A_51 = arith.constant 0 : i32
      %dma_start3A_52 = tpu.memref_slice %arg4[%add3A_48, %dma_start3A_51] : memref<4096x1152xf32, #tpu.memory_space<hbm>> -> memref<32x1152xf32, #tpu.memory_space<hbm>>
      tpu.enqueue_dma source(%arg7 : memref<32x1152xf32, #tpu.memory_space<vmem>>) target(%dma_start3A_52 : memref<32x1152xf32, #tpu.memory_space<hbm>>) target_semaphore(%run_scoped3A : memref<!tpu.dma_semaphore, #tpu.memory_space<semaphore_mem>>)
      %dma_wait3A_53 = arith.constant 0 : i32
      %dma_wait3A_54 = tpu.memref_slice %arg4[%add3A_48, %dma_wait3A_53] : memref<4096x1152xf32, #tpu.memory_space<hbm>> -> memref<32x1152xf32, #tpu.memory_space<hbm>>
      %dma_wait3A_55 = arith.constant 0 : i32
      %dma_wait3A_56 = tpu.memref_slice %arg4[%add3A_48, %dma_wait3A_55] : memref<4096x1152xf32, #tpu.memory_space<hbm>> -> memref<32x1152xf32, #tpu.memory_space<hbm>>
      tpu.wait_dma2 semaphore(%run_scoped3A : memref<!tpu.dma_semaphore, #tpu.memory_space<semaphore_mem>>) src(%arg7 : memref<32x1152xf32, #tpu.memory_space<vmem>>) dst(%dma_wait3A_56 : memref<32x1152xf32, #tpu.memory_space<hbm>>)
      tpu.yield
    }) : () -> ()
    return
  }
}

#map = affine_map<(d0, d1) -> (0, 0)>
#map1 = affine_map<(d0, d1) -> (0)>
module attributes {stable_mosaic.version = 14 : i64} {
  func.func @gather_kernel(%arg0: i32, %arg1: i32, %arg2: memref<100000x1152xf32, #tpu.memory_space<hbm>>, %arg3: memref<4096xi32, #tpu.memory_space<hbm>>, %arg4: memref<4096x1152xf32, #tpu.memory_space<hbm>>, %arg5: memref<128xi32, #tpu.memory_space<vmem>>, %arg6: memref<32x1152xf32, #tpu.memory_space<vmem>>, %arg7: memref<32x1152xf32, #tpu.memory_space<vmem>>, %arg8: memref<!tpu.dma_semaphore, #tpu.memory_space<semaphore_mem>>, %arg9: memref<!tpu.dma_semaphore, #tpu.memory_space<semaphore_mem>>) attributes {dimension_semantics = [#tpu.dimension_semantics<core_parallel>, #tpu.dimension_semantics<subcore_parallel>], iteration_bounds = array<i64: 2, 16>, scalar_prefetch = 0 : i64, scratch_operands = 5 : i64, tpu.core_type = #tpu.core_type<sc_vector_subcore>, window_params = [{transform_indices = #map}, {transform_indices = #map1}, {transform_indices = #map}]} {
    %mul3A = arith.constant 2 : i32
    %mul3A_0 = arith.muli %arg1, %mul3A : i32
    %add3A = arith.addi %mul3A_0, %arg0 : i32
    %mul3A_1 = arith.constant 128 : i32
    %mul3A_2 = arith.muli %add3A, %mul3A_1 : i32
    "tpu.region"() ({
      %run_scoped3A = tpu.sem_alloc : memref<!tpu.dma_semaphore, #tpu.memory_space<semaphore_mem>>
      %dma_start3A_49 = tpu.memref_slice %arg3[%mul3A_2] : memref<4096xi32, #tpu.memory_space<hbm>> -> memref<128xi32, #tpu.memory_space<hbm>>
      %dma_start3A_50 = tpu.memref_slice %arg3[%mul3A_2] : memref<4096xi32, #tpu.memory_space<hbm>> -> memref<128xi32, #tpu.memory_space<hbm>>
      tpu.enqueue_dma source(%dma_start3A_50 : memref<128xi32, #tpu.memory_space<hbm>>) target(%arg5 : memref<128xi32, #tpu.memory_space<vmem>>) target_semaphore(%run_scoped3A : memref<!tpu.dma_semaphore, #tpu.memory_space<semaphore_mem>>)
      %dma_wait3A_51 = tpu.memref_slice %arg3[%mul3A_2] : memref<4096xi32, #tpu.memory_space<hbm>> -> memref<128xi32, #tpu.memory_space<hbm>>
      %dma_wait3A_52 = tpu.memref_slice %arg3[%mul3A_2] : memref<4096xi32, #tpu.memory_space<hbm>> -> memref<128xi32, #tpu.memory_space<hbm>>
      tpu.wait_dma2 semaphore(%run_scoped3A : memref<!tpu.dma_semaphore, #tpu.memory_space<semaphore_mem>>) src(%dma_wait3A_52 : memref<128xi32, #tpu.memory_space<hbm>>) dst(%arg5 : memref<128xi32, #tpu.memory_space<vmem>>)
      tpu.yield
    }) : () -> ()
    %dma_start3A = arith.constant 0 : i32
    %dma_start3A_3 = tpu.memref_slice %arg5[%dma_start3A] : memref<128xi32, #tpu.memory_space<vmem>> -> memref<32xi32, #tpu.memory_space<vmem>>
    %dma_start3A_4 = arith.constant 0 : i32
    %dma_start3A_5 = arith.constant 0 : i32
    %dma_start3A_6 = tpu.memref_slice %arg2[%dma_start3A_4, %dma_start3A_5] : memref<100000x1152xf32, #tpu.memory_space<hbm>> -> memref<100000x1152xf32, #tpu.memory_space<hbm>>
    tpu.enqueue_indirect_dma source(%dma_start3A_6 : memref<100000x1152xf32, #tpu.memory_space<hbm>>) target(%arg6 : memref<32x1152xf32, #tpu.memory_space<vmem>>) offsets(%dma_start3A_3 : memref<32xi32, #tpu.memory_space<vmem>>) semaphore(%arg8 : memref<!tpu.dma_semaphore, #tpu.memory_space<semaphore_mem>>)
    %dma_start3A_7 = arith.constant 32 : i32
    %dma_start3A_8 = tpu.memref_slice %arg5[%dma_start3A_7] : memref<128xi32, #tpu.memory_space<vmem>> -> memref<32xi32, #tpu.memory_space<vmem>>
    %dma_start3A_9 = arith.constant 0 : i32
    %dma_start3A_10 = arith.constant 0 : i32
    %dma_start3A_11 = tpu.memref_slice %arg2[%dma_start3A_9, %dma_start3A_10] : memref<100000x1152xf32, #tpu.memory_space<hbm>> -> memref<100000x1152xf32, #tpu.memory_space<hbm>>
    tpu.enqueue_indirect_dma source(%dma_start3A_11 : memref<100000x1152xf32, #tpu.memory_space<hbm>>) target(%arg7 : memref<32x1152xf32, #tpu.memory_space<vmem>>) offsets(%dma_start3A_8 : memref<32xi32, #tpu.memory_space<vmem>>) semaphore(%arg9 : memref<!tpu.dma_semaphore, #tpu.memory_space<semaphore_mem>>)
    %dma_wait3A = arith.constant 0 : i32
    %dma_wait3A_12 = tpu.memref_slice %arg5[%dma_wait3A] : memref<128xi32, #tpu.memory_space<vmem>> -> memref<32xi32, #tpu.memory_space<vmem>>
    %dma_wait3A_13 = arith.constant 0 : i32
    %dma_wait3A_14 = arith.constant 0 : i32
    %dma_wait3A_15 = tpu.memref_slice %arg2[%dma_wait3A_13, %dma_wait3A_14] : memref<100000x1152xf32, #tpu.memory_space<hbm>> -> memref<100000x1152xf32, #tpu.memory_space<hbm>>
    tpu.wait_indirect_dma semaphore(%arg8 : memref<!tpu.dma_semaphore, #tpu.memory_space<semaphore_mem>>) src(%dma_wait3A_15 : memref<100000x1152xf32, #tpu.memory_space<hbm>>) dst(%arg6 : memref<32x1152xf32, #tpu.memory_space<vmem>>)
    %add3A_16 = arith.constant 0 : i32
    %add3A_17 = arith.addi %mul3A_2, %add3A_16 : i32
    "tpu.region"() ({
      %run_scoped3A = tpu.sem_alloc : memref<!tpu.dma_semaphore, #tpu.memory_space<semaphore_mem>>
      %dma_start3A_49 = arith.constant 0 : i32
      %dma_start3A_50 = tpu.memref_slice %arg4[%add3A_17, %dma_start3A_49] : memref<4096x1152xf32, #tpu.memory_space<hbm>> -> memref<32x1152xf32, #tpu.memory_space<hbm>>
      %dma_start3A_51 = arith.constant 0 : i32
      %dma_start3A_52 = tpu.memref_slice %arg4[%add3A_17, %dma_start3A_51] : memref<4096x1152xf32, #tpu.memory_space<hbm>> -> memref<32x1152xf32, #tpu.memory_space<hbm>>
      tpu.enqueue_dma source(%arg6 : memref<32x1152xf32, #tpu.memory_space<vmem>>) target(%dma_start3A_52 : memref<32x1152xf32, #tpu.memory_space<hbm>>) target_semaphore(%run_scoped3A : memref<!tpu.dma_semaphore, #tpu.memory_space<semaphore_mem>>)
      %dma_wait3A_53 = arith.constant 0 : i32
      %dma_wait3A_54 = tpu.memref_slice %arg4[%add3A_17, %dma_wait3A_53] : memref<4096x1152xf32, #tpu.memory_space<hbm>> -> memref<32x1152xf32, #tpu.memory_space<hbm>>
      %dma_wait3A_55 = arith.constant 0 : i32
      %dma_wait3A_56 = tpu.memref_slice %arg4[%add3A_17, %dma_wait3A_55] : memref<4096x1152xf32, #tpu.memory_space<hbm>> -> memref<32x1152xf32, #tpu.memory_space<hbm>>
      tpu.wait_dma2 semaphore(%run_scoped3A : memref<!tpu.dma_semaphore, #tpu.memory_space<semaphore_mem>>) src(%arg6 : memref<32x1152xf32, #tpu.memory_space<vmem>>) dst(%dma_wait3A_56 : memref<32x1152xf32, #tpu.memory_space<hbm>>)
      tpu.yield
    }) : () -> ()
    %dma_start3A_18 = arith.constant 64 : i32
    %dma_start3A_19 = tpu.memref_slice %arg5[%dma_start3A_18] : memref<128xi32, #tpu.memory_space<vmem>> -> memref<32xi32, #tpu.memory_space<vmem>>
    %dma_start3A_20 = arith.constant 0 : i32
    %dma_start3A_21 = arith.constant 0 : i32
    %dma_start3A_22 = tpu.memref_slice %arg2[%dma_start3A_20, %dma_start3A_21] : memref<100000x1152xf32, #tpu.memory_space<hbm>> -> memref<100000x1152xf32, #tpu.memory_space<hbm>>
    tpu.enqueue_indirect_dma source(%dma_start3A_22 : memref<100000x1152xf32, #tpu.memory_space<hbm>>) target(%arg6 : memref<32x1152xf32, #tpu.memory_space<vmem>>) offsets(%dma_start3A_19 : memref<32xi32, #tpu.memory_space<vmem>>) semaphore(%arg8 : memref<!tpu.dma_semaphore, #tpu.memory_space<semaphore_mem>>)
    %dma_wait3A_23 = arith.constant 32 : i32
    %dma_wait3A_24 = tpu.memref_slice %arg5[%dma_wait3A_23] : memref<128xi32, #tpu.memory_space<vmem>> -> memref<32xi32, #tpu.memory_space<vmem>>
    %dma_wait3A_25 = arith.constant 0 : i32
    %dma_wait3A_26 = arith.constant 0 : i32
    %dma_wait3A_27 = tpu.memref_slice %arg2[%dma_wait3A_25, %dma_wait3A_26] : memref<100000x1152xf32, #tpu.memory_space<hbm>> -> memref<100000x1152xf32, #tpu.memory_space<hbm>>
    tpu.wait_indirect_dma semaphore(%arg9 : memref<!tpu.dma_semaphore, #tpu.memory_space<semaphore_mem>>) src(%dma_wait3A_27 : memref<100000x1152xf32, #tpu.memory_space<hbm>>) dst(%arg7 : memref<32x1152xf32, #tpu.memory_space<vmem>>)
    %add3A_28 = arith.constant 32 : i32
    %add3A_29 = arith.addi %mul3A_2, %add3A_28 : i32
    "tpu.region"() ({
      %run_scoped3A = tpu.sem_alloc : memref<!tpu.dma_semaphore, #tpu.memory_space<semaphore_mem>>
      %dma_start3A_49 = arith.constant 0 : i32
      %dma_start3A_50 = tpu.memref_slice %arg4[%add3A_29, %dma_start3A_49] : memref<4096x1152xf32, #tpu.memory_space<hbm>> -> memref<32x1152xf32, #tpu.memory_space<hbm>>
      %dma_start3A_51 = arith.constant 0 : i32
      %dma_start3A_52 = tpu.memref_slice %arg4[%add3A_29, %dma_start3A_51] : memref<4096x1152xf32, #tpu.memory_space<hbm>> -> memref<32x1152xf32, #tpu.memory_space<hbm>>
      tpu.enqueue_dma source(%arg7 : memref<32x1152xf32, #tpu.memory_space<vmem>>) target(%dma_start3A_52 : memref<32x1152xf32, #tpu.memory_space<hbm>>) target_semaphore(%run_scoped3A : memref<!tpu.dma_semaphore, #tpu.memory_space<semaphore_mem>>)
      %dma_wait3A_53 = arith.constant 0 : i32
      %dma_wait3A_54 = tpu.memref_slice %arg4[%add3A_29, %dma_wait3A_53] : memref<4096x1152xf32, #tpu.memory_space<hbm>> -> memref<32x1152xf32, #tpu.memory_space<hbm>>
      %dma_wait3A_55 = arith.constant 0 : i32
      %dma_wait3A_56 = tpu.memref_slice %arg4[%add3A_29, %dma_wait3A_55] : memref<4096x1152xf32, #tpu.memory_space<hbm>> -> memref<32x1152xf32, #tpu.memory_space<hbm>>
      tpu.wait_dma2 semaphore(%run_scoped3A : memref<!tpu.dma_semaphore, #tpu.memory_space<semaphore_mem>>) src(%arg7 : memref<32x1152xf32, #tpu.memory_space<vmem>>) dst(%dma_wait3A_56 : memref<32x1152xf32, #tpu.memory_space<hbm>>)
      tpu.yield
    }) : () -> ()
    %dma_start3A_30 = arith.constant 96 : i32
    %dma_start3A_31 = tpu.memref_slice %arg5[%dma_start3A_30] : memref<128xi32, #tpu.memory_space<vmem>> -> memref<32xi32, #tpu.memory_space<vmem>>
    %dma_start3A_32 = arith.constant 0 : i32
    %dma_start3A_33 = arith.constant 0 : i32
    %dma_start3A_34 = tpu.memref_slice %arg2[%dma_start3A_32, %dma_start3A_33] : memref<100000x1152xf32, #tpu.memory_space<hbm>> -> memref<100000x1152xf32, #tpu.memory_space<hbm>>
    tpu.enqueue_indirect_dma source(%dma_start3A_34 : memref<100000x1152xf32, #tpu.memory_space<hbm>>) target(%arg7 : memref<32x1152xf32, #tpu.memory_space<vmem>>) offsets(%dma_start3A_31 : memref<32xi32, #tpu.memory_space<vmem>>) semaphore(%arg9 : memref<!tpu.dma_semaphore, #tpu.memory_space<semaphore_mem>>)
    %dma_wait3A_35 = arith.constant 64 : i32
    %dma_wait3A_36 = tpu.memref_slice %arg5[%dma_wait3A_35] : memref<128xi32, #tpu.memory_space<vmem>> -> memref<32xi32, #tpu.memory_space<vmem>>
    %dma_wait3A_37 = arith.constant 0 : i32
    %dma_wait3A_38 = arith.constant 0 : i32
    %dma_wait3A_39 = tpu.memref_slice %arg2[%dma_wait3A_37, %dma_wait3A_38] : memref<100000x1152xf32, #tpu.memory_space<hbm>> -> memref<100000x1152xf32, #tpu.memory_space<hbm>>
    tpu.wait_indirect_dma semaphore(%arg8 : memref<!tpu.dma_semaphore, #tpu.memory_space<semaphore_mem>>) src(%dma_wait3A_39 : memref<100000x1152xf32, #tpu.memory_space<hbm>>) dst(%arg6 : memref<32x1152xf32, #tpu.memory_space<vmem>>)
    %add3A_40 = arith.constant 64 : i32
    %add3A_41 = arith.addi %mul3A_2, %add3A_40 : i32
    "tpu.region"() ({
      %run_scoped3A = tpu.sem_alloc : memref<!tpu.dma_semaphore, #tpu.memory_space<semaphore_mem>>
      %dma_start3A_49 = arith.constant 0 : i32
      %dma_start3A_50 = tpu.memref_slice %arg4[%add3A_41, %dma_start3A_49] : memref<4096x1152xf32, #tpu.memory_space<hbm>> -> memref<32x1152xf32, #tpu.memory_space<hbm>>
      %dma_start3A_51 = arith.constant 0 : i32
      %dma_start3A_52 = tpu.memref_slice %arg4[%add3A_41, %dma_start3A_51] : memref<4096x1152xf32, #tpu.memory_space<hbm>> -> memref<32x1152xf32, #tpu.memory_space<hbm>>
      tpu.enqueue_dma source(%arg6 : memref<32x1152xf32, #tpu.memory_space<vmem>>) target(%dma_start3A_52 : memref<32x1152xf32, #tpu.memory_space<hbm>>) target_semaphore(%run_scoped3A : memref<!tpu.dma_semaphore, #tpu.memory_space<semaphore_mem>>)
      %dma_wait3A_53 = arith.constant 0 : i32
      %dma_wait3A_54 = tpu.memref_slice %arg4[%add3A_41, %dma_wait3A_53] : memref<4096x1152xf32, #tpu.memory_space<hbm>> -> memref<32x1152xf32, #tpu.memory_space<hbm>>
      %dma_wait3A_55 = arith.constant 0 : i32
      %dma_wait3A_56 = tpu.memref_slice %arg4[%add3A_41, %dma_wait3A_55] : memref<4096x1152xf32, #tpu.memory_space<hbm>> -> memref<32x1152xf32, #tpu.memory_space<hbm>>
      tpu.wait_dma2 semaphore(%run_scoped3A : memref<!tpu.dma_semaphore, #tpu.memory_space<semaphore_mem>>) src(%arg6 : memref<32x1152xf32, #tpu.memory_space<vmem>>) dst(%dma_wait3A_56 : memref<32x1152xf32, #tpu.memory_space<hbm>>)
      tpu.yield
    }) : () -> ()
    %dma_wait3A_42 = arith.constant 96 : i32
    %dma_wait3A_43 = tpu.memref_slice %arg5[%dma_wait3A_42] : memref<128xi32, #tpu.memory_space<vmem>> -> memref<32xi32, #tpu.memory_space<vmem>>
    %dma_wait3A_44 = arith.constant 0 : i32
    %dma_wait3A_45 = arith.constant 0 : i32
    %dma_wait3A_46 = tpu.memref_slice %arg2[%dma_wait3A_44, %dma_wait3A_45] : memref<100000x1152xf32, #tpu.memory_space<hbm>> -> memref<100000x1152xf32, #tpu.memory_space<hbm>>
    tpu.wait_indirect_dma semaphore(%arg9 : memref<!tpu.dma_semaphore, #tpu.memory_space<semaphore_mem>>) src(%dma_wait3A_46 : memref<100000x1152xf32, #tpu.memory_space<hbm>>) dst(%arg7 : memref<32x1152xf32, #tpu.memory_space<vmem>>)
    %add3A_47 = arith.constant 96 : i32
    %add3A_48 = arith.addi %mul3A_2, %add3A_47 : i32
    "tpu.region"() ({
      %run_scoped3A = tpu.sem_alloc : memref<!tpu.dma_semaphore, #tpu.memory_space<semaphore_mem>>
      %dma_start3A_49 = arith.constant 0 : i32
      %dma_start3A_50 = tpu.memref_slice %arg4[%add3A_48, %dma_start3A_49] : memref<4096x1152xf32, #tpu.memory_space<hbm>> -> memref<32x1152xf32, #tpu.memory_space<hbm>>
      %dma_start3A_51 = arith.constant 0 : i32
      %dma_start3A_52 = tpu.memref_slice %arg4[%add3A_48, %dma_start3A_51] : memref<4096x1152xf32, #tpu.memory_space<hbm>> -> memref<32x1152xf32, #tpu.memory_space<hbm>>
      tpu.enqueue_dma source(%arg7 : memref<32x1152xf32, #tpu.memory_space<vmem>>) target(%dma_start3A_52 : memref<32x1152xf32, #tpu.memory_space<hbm>>) target_semaphore(%run_scoped3A : memref<!tpu.dma_semaphore, #tpu.memory_space<semaphore_mem>>)
      %dma_wait3A_53 = arith.constant 0 : i32
      %dma_wait3A_54 = tpu.memref_slice %arg4[%add3A_48, %dma_wait3A_53] : memref<4096x1152xf32, #tpu.memory_space<hbm>> -> memref<32x1152xf32, #tpu.memory_space<hbm>>
      %dma_wait3A_55 = arith.constant 0 : i32
      %dma_wait3A_56 = tpu.memref_slice %arg4[%add3A_48, %dma_wait3A_55] : memref<4096x1152xf32, #tpu.memory_space<hbm>> -> memref<32x1152xf32, #tpu.memory_space<hbm>>
      tpu.wait_dma2 semaphore(%run_scoped3A : memref<!tpu.dma_semaphore, #tpu.memory_space<semaphore_mem>>) src(%arg7 : memref<32x1152xf32, #tpu.memory_space<vmem>>) dst(%dma_wait3A_56 : memref<32x1152xf32, #tpu.memory_space<hbm>>)
      tpu.yield
    }) : () -> ()
    return
  }
}

#map = affine_map<(d0, d1) -> (0, 0)>
#map1 = affine_map<(d0, d1) -> (0)>
module attributes {stable_mosaic.version = 14 : i64} {
  func.func @gather_kernel(%arg0: i32, %arg1: i32, %arg2: memref<100000x1152xf32, #tpu.memory_space<hbm>>, %arg3: memref<4096xi32, #tpu.memory_space<hbm>>, %arg4: memref<4096x1152xf32, #tpu.memory_space<hbm>>, %arg5: memref<128xi32, #tpu.memory_space<vmem>>, %arg6: memref<32x1152xf32, #tpu.memory_space<vmem>>, %arg7: memref<32x1152xf32, #tpu.memory_space<vmem>>, %arg8: memref<!tpu.dma_semaphore, #tpu.memory_space<semaphore_mem>>, %arg9: memref<!tpu.dma_semaphore, #tpu.memory_space<semaphore_mem>>) attributes {dimension_semantics = [#tpu.dimension_semantics<core_parallel>, #tpu.dimension_semantics<subcore_parallel>], iteration_bounds = array<i64: 2, 16>, scalar_prefetch = 0 : i64, scratch_operands = 5 : i64, tpu.core_type = #tpu.core_type<sc_vector_subcore>, window_params = [{transform_indices = #map}, {transform_indices = #map1}, {transform_indices = #map}]} {
    %mul3A = arith.constant 2 : i32
    %mul3A_0 = arith.muli %arg1, %mul3A : i32
    %add3A = arith.addi %mul3A_0, %arg0 : i32
    %mul3A_1 = arith.constant 128 : i32
    %mul3A_2 = arith.muli %add3A, %mul3A_1 : i32
    "tpu.region"() ({
      %run_scoped3A = tpu.sem_alloc : memref<!tpu.dma_semaphore, #tpu.memory_space<semaphore_mem>>
      %dma_start3A_49 = tpu.memref_slice %arg3[%mul3A_2] : memref<4096xi32, #tpu.memory_space<hbm>> -> memref<128xi32, #tpu.memory_space<hbm>>
      %dma_start3A_50 = tpu.memref_slice %arg3[%mul3A_2] : memref<4096xi32, #tpu.memory_space<hbm>> -> memref<128xi32, #tpu.memory_space<hbm>>
      tpu.enqueue_dma source(%dma_start3A_50 : memref<128xi32, #tpu.memory_space<hbm>>) target(%arg5 : memref<128xi32, #tpu.memory_space<vmem>>) target_semaphore(%run_scoped3A : memref<!tpu.dma_semaphore, #tpu.memory_space<semaphore_mem>>)
      %dma_wait3A_51 = tpu.memref_slice %arg3[%mul3A_2] : memref<4096xi32, #tpu.memory_space<hbm>> -> memref<128xi32, #tpu.memory_space<hbm>>
      %dma_wait3A_52 = tpu.memref_slice %arg3[%mul3A_2] : memref<4096xi32, #tpu.memory_space<hbm>> -> memref<128xi32, #tpu.memory_space<hbm>>
      tpu.wait_dma2 semaphore(%run_scoped3A : memref<!tpu.dma_semaphore, #tpu.memory_space<semaphore_mem>>) src(%dma_wait3A_52 : memref<128xi32, #tpu.memory_space<hbm>>) dst(%arg5 : memref<128xi32, #tpu.memory_space<vmem>>)
      tpu.yield
    }) : () -> ()
    %dma_start3A = arith.constant 0 : i32
    %dma_start3A_3 = tpu.memref_slice %arg5[%dma_start3A] : memref<128xi32, #tpu.memory_space<vmem>> -> memref<32xi32, #tpu.memory_space<vmem>>
    %dma_start3A_4 = arith.constant 0 : i32
    %dma_start3A_5 = arith.constant 0 : i32
    %dma_start3A_6 = tpu.memref_slice %arg2[%dma_start3A_4, %dma_start3A_5] : memref<100000x1152xf32, #tpu.memory_space<hbm>> -> memref<100000x1152xf32, #tpu.memory_space<hbm>>
    tpu.enqueue_indirect_dma source(%dma_start3A_6 : memref<100000x1152xf32, #tpu.memory_space<hbm>>) target(%arg6 : memref<32x1152xf32, #tpu.memory_space<vmem>>) offsets(%dma_start3A_3 : memref<32xi32, #tpu.memory_space<vmem>>) semaphore(%arg8 : memref<!tpu.dma_semaphore, #tpu.memory_space<semaphore_mem>>)
    %dma_start3A_7 = arith.constant 32 : i32
    %dma_start3A_8 = tpu.memref_slice %arg5[%dma_start3A_7] : memref<128xi32, #tpu.memory_space<vmem>> -> memref<32xi32, #tpu.memory_space<vmem>>
    %dma_start3A_9 = arith.constant 0 : i32
    %dma_start3A_10 = arith.constant 0 : i32
    %dma_start3A_11 = tpu.memref_slice %arg2[%dma_start3A_9, %dma_start3A_10] : memref<100000x1152xf32, #tpu.memory_space<hbm>> -> memref<100000x1152xf32, #tpu.memory_space<hbm>>
    tpu.enqueue_indirect_dma source(%dma_start3A_11 : memref<100000x1152xf32, #tpu.memory_space<hbm>>) target(%arg7 : memref<32x1152xf32, #tpu.memory_space<vmem>>) offsets(%dma_start3A_8 : memref<32xi32, #tpu.memory_space<vmem>>) semaphore(%arg9 : memref<!tpu.dma_semaphore, #tpu.memory_space<semaphore_mem>>)
    %dma_wait3A = arith.constant 0 : i32
    %dma_wait3A_12 = tpu.memref_slice %arg5[%dma_wait3A] : memref<128xi32, #tpu.memory_space<vmem>> -> memref<32xi32, #tpu.memory_space<vmem>>
    %dma_wait3A_13 = arith.constant 0 : i32
    %dma_wait3A_14 = arith.constant 0 : i32
    %dma_wait3A_15 = tpu.memref_slice %arg2[%dma_wait3A_13, %dma_wait3A_14] : memref<100000x1152xf32, #tpu.memory_space<hbm>> -> memref<100000x1152xf32, #tpu.memory_space<hbm>>
    tpu.wait_indirect_dma semaphore(%arg8 : memref<!tpu.dma_semaphore, #tpu.memory_space<semaphore_mem>>) src(%dma_wait3A_15 : memref<100000x1152xf32, #tpu.memory_space<hbm>>) dst(%arg6 : memref<32x1152xf32, #tpu.memory_space<vmem>>)
    %add3A_16 = arith.constant 0 : i32
    %add3A_17 = arith.addi %mul3A_2, %add3A_16 : i32
    "tpu.region"() ({
      %run_scoped3A = tpu.sem_alloc : memref<!tpu.dma_semaphore, #tpu.memory_space<semaphore_mem>>
      %dma_start3A_49 = arith.constant 0 : i32
      %dma_start3A_50 = tpu.memref_slice %arg4[%add3A_17, %dma_start3A_49] : memref<4096x1152xf32, #tpu.memory_space<hbm>> -> memref<32x1152xf32, #tpu.memory_space<hbm>>
      %dma_start3A_51 = arith.constant 0 : i32
      %dma_start3A_52 = tpu.memref_slice %arg4[%add3A_17, %dma_start3A_51] : memref<4096x1152xf32, #tpu.memory_space<hbm>> -> memref<32x1152xf32, #tpu.memory_space<hbm>>
      tpu.enqueue_dma source(%arg6 : memref<32x1152xf32, #tpu.memory_space<vmem>>) target(%dma_start3A_52 : memref<32x1152xf32, #tpu.memory_space<hbm>>) target_semaphore(%run_scoped3A : memref<!tpu.dma_semaphore, #tpu.memory_space<semaphore_mem>>)
      %dma_wait3A_53 = arith.constant 0 : i32
      %dma_wait3A_54 = tpu.memref_slice %arg4[%add3A_17, %dma_wait3A_53] : memref<4096x1152xf32, #tpu.memory_space<hbm>> -> memref<32x1152xf32, #tpu.memory_space<hbm>>
      %dma_wait3A_55 = arith.constant 0 : i32
      %dma_wait3A_56 = tpu.memref_slice %arg4[%add3A_17, %dma_wait3A_55] : memref<4096x1152xf32, #tpu.memory_space<hbm>> -> memref<32x1152xf32, #tpu.memory_space<hbm>>
      tpu.wait_dma2 semaphore(%run_scoped3A : memref<!tpu.dma_semaphore, #tpu.memory_space<semaphore_mem>>) src(%arg6 : memref<32x1152xf32, #tpu.memory_space<vmem>>) dst(%dma_wait3A_56 : memref<32x1152xf32, #tpu.memory_space<hbm>>)
      tpu.yield
    }) : () -> ()
    %dma_start3A_18 = arith.constant 64 : i32
    %dma_start3A_19 = tpu.memref_slice %arg5[%dma_start3A_18] : memref<128xi32, #tpu.memory_space<vmem>> -> memref<32xi32, #tpu.memory_space<vmem>>
    %dma_start3A_20 = arith.constant 0 : i32
    %dma_start3A_21 = arith.constant 0 : i32
    %dma_start3A_22 = tpu.memref_slice %arg2[%dma_start3A_20, %dma_start3A_21] : memref<100000x1152xf32, #tpu.memory_space<hbm>> -> memref<100000x1152xf32, #tpu.memory_space<hbm>>
    tpu.enqueue_indirect_dma source(%dma_start3A_22 : memref<100000x1152xf32, #tpu.memory_space<hbm>>) target(%arg6 : memref<32x1152xf32, #tpu.memory_space<vmem>>) offsets(%dma_start3A_19 : memref<32xi32, #tpu.memory_space<vmem>>) semaphore(%arg8 : memref<!tpu.dma_semaphore, #tpu.memory_space<semaphore_mem>>)
    %dma_wait3A_23 = arith.constant 32 : i32
    %dma_wait3A_24 = tpu.memref_slice %arg5[%dma_wait3A_23] : memref<128xi32, #tpu.memory_space<vmem>> -> memref<32xi32, #tpu.memory_space<vmem>>
    %dma_wait3A_25 = arith.constant 0 : i32
    %dma_wait3A_26 = arith.constant 0 : i32
    %dma_wait3A_27 = tpu.memref_slice %arg2[%dma_wait3A_25, %dma_wait3A_26] : memref<100000x1152xf32, #tpu.memory_space<hbm>> -> memref<100000x1152xf32, #tpu.memory_space<hbm>>
    tpu.wait_indirect_dma semaphore(%arg9 : memref<!tpu.dma_semaphore, #tpu.memory_space<semaphore_mem>>) src(%dma_wait3A_27 : memref<100000x1152xf32, #tpu.memory_space<hbm>>) dst(%arg7 : memref<32x1152xf32, #tpu.memory_space<vmem>>)
    %add3A_28 = arith.constant 32 : i32
    %add3A_29 = arith.addi %mul3A_2, %add3A_28 : i32
    "tpu.region"() ({
      %run_scoped3A = tpu.sem_alloc : memref<!tpu.dma_semaphore, #tpu.memory_space<semaphore_mem>>
      %dma_start3A_49 = arith.constant 0 : i32
      %dma_start3A_50 = tpu.memref_slice %arg4[%add3A_29, %dma_start3A_49] : memref<4096x1152xf32, #tpu.memory_space<hbm>> -> memref<32x1152xf32, #tpu.memory_space<hbm>>
      %dma_start3A_51 = arith.constant 0 : i32
      %dma_start3A_52 = tpu.memref_slice %arg4[%add3A_29, %dma_start3A_51] : memref<4096x1152xf32, #tpu.memory_space<hbm>> -> memref<32x1152xf32, #tpu.memory_space<hbm>>
      tpu.enqueue_dma source(%arg7 : memref<32x1152xf32, #tpu.memory_space<vmem>>) target(%dma_start3A_52 : memref<32x1152xf32, #tpu.memory_space<hbm>>) target_semaphore(%run_scoped3A : memref<!tpu.dma_semaphore, #tpu.memory_space<semaphore_mem>>)
      %dma_wait3A_53 = arith.constant 0 : i32
      %dma_wait3A_54 = tpu.memref_slice %arg4[%add3A_29, %dma_wait3A_53] : memref<4096x1152xf32, #tpu.memory_space<hbm>> -> memref<32x1152xf32, #tpu.memory_space<hbm>>
      %dma_wait3A_55 = arith.constant 0 : i32
      %dma_wait3A_56 = tpu.memref_slice %arg4[%add3A_29, %dma_wait3A_55] : memref<4096x1152xf32, #tpu.memory_space<hbm>> -> memref<32x1152xf32, #tpu.memory_space<hbm>>
      tpu.wait_dma2 semaphore(%run_scoped3A : memref<!tpu.dma_semaphore, #tpu.memory_space<semaphore_mem>>) src(%arg7 : memref<32x1152xf32, #tpu.memory_space<vmem>>) dst(%dma_wait3A_56 : memref<32x1152xf32, #tpu.memory_space<hbm>>)
      tpu.yield
    }) : () -> ()
    %dma_start3A_30 = arith.constant 96 : i32
    %dma_start3A_31 = tpu.memref_slice %arg5[%dma_start3A_30] : memref<128xi32, #tpu.memory_space<vmem>> -> memref<32xi32, #tpu.memory_space<vmem>>
    %dma_start3A_32 = arith.constant 0 : i32
    %dma_start3A_33 = arith.constant 0 : i32
    %dma_start3A_34 = tpu.memref_slice %arg2[%dma_start3A_32, %dma_start3A_33] : memref<100000x1152xf32, #tpu.memory_space<hbm>> -> memref<100000x1152xf32, #tpu.memory_space<hbm>>
    tpu.enqueue_indirect_dma source(%dma_start3A_34 : memref<100000x1152xf32, #tpu.memory_space<hbm>>) target(%arg7 : memref<32x1152xf32, #tpu.memory_space<vmem>>) offsets(%dma_start3A_31 : memref<32xi32, #tpu.memory_space<vmem>>) semaphore(%arg9 : memref<!tpu.dma_semaphore, #tpu.memory_space<semaphore_mem>>)
    %dma_wait3A_35 = arith.constant 64 : i32
    %dma_wait3A_36 = tpu.memref_slice %arg5[%dma_wait3A_35] : memref<128xi32, #tpu.memory_space<vmem>> -> memref<32xi32, #tpu.memory_space<vmem>>
    %dma_wait3A_37 = arith.constant 0 : i32
    %dma_wait3A_38 = arith.constant 0 : i32
    %dma_wait3A_39 = tpu.memref_slice %arg2[%dma_wait3A_37, %dma_wait3A_38] : memref<100000x1152xf32, #tpu.memory_space<hbm>> -> memref<100000x1152xf32, #tpu.memory_space<hbm>>
    tpu.wait_indirect_dma semaphore(%arg8 : memref<!tpu.dma_semaphore, #tpu.memory_space<semaphore_mem>>) src(%dma_wait3A_39 : memref<100000x1152xf32, #tpu.memory_space<hbm>>) dst(%arg6 : memref<32x1152xf32, #tpu.memory_space<vmem>>)
    %add3A_40 = arith.constant 64 : i32
    %add3A_41 = arith.addi %mul3A_2, %add3A_40 : i32
    "tpu.region"() ({
      %run_scoped3A = tpu.sem_alloc : memref<!tpu.dma_semaphore, #tpu.memory_space<semaphore_mem>>
      %dma_start3A_49 = arith.constant 0 : i32
      %dma_start3A_50 = tpu.memref_slice %arg4[%add3A_41, %dma_start3A_49] : memref<4096x1152xf32, #tpu.memory_space<hbm>> -> memref<32x1152xf32, #tpu.memory_space<hbm>>
      %dma_start3A_51 = arith.constant 0 : i32
      %dma_start3A_52 = tpu.memref_slice %arg4[%add3A_41, %dma_start3A_51] : memref<4096x1152xf32, #tpu.memory_space<hbm>> -> memref<32x1152xf32, #tpu.memory_space<hbm>>
      tpu.enqueue_dma source(%arg6 : memref<32x1152xf32, #tpu.memory_space<vmem>>) target(%dma_start3A_52 : memref<32x1152xf32, #tpu.memory_space<hbm>>) target_semaphore(%run_scoped3A : memref<!tpu.dma_semaphore, #tpu.memory_space<semaphore_mem>>)
      %dma_wait3A_53 = arith.constant 0 : i32
      %dma_wait3A_54 = tpu.memref_slice %arg4[%add3A_41, %dma_wait3A_53] : memref<4096x1152xf32, #tpu.memory_space<hbm>> -> memref<32x1152xf32, #tpu.memory_space<hbm>>
      %dma_wait3A_55 = arith.constant 0 : i32
      %dma_wait3A_56 = tpu.memref_slice %arg4[%add3A_41, %dma_wait3A_55] : memref<4096x1152xf32, #tpu.memory_space<hbm>> -> memref<32x1152xf32, #tpu.memory_space<hbm>>
      tpu.wait_dma2 semaphore(%run_scoped3A : memref<!tpu.dma_semaphore, #tpu.memory_space<semaphore_mem>>) src(%arg6 : memref<32x1152xf32, #tpu.memory_space<vmem>>) dst(%dma_wait3A_56 : memref<32x1152xf32, #tpu.memory_space<hbm>>)
      tpu.yield
    }) : () -> ()
    %dma_wait3A_42 = arith.constant 96 : i32
    %dma_wait3A_43 = tpu.memref_slice %arg5[%dma_wait3A_42] : memref<128xi32, #tpu.memory_space<vmem>> -> memref<32xi32, #tpu.memory_space<vmem>>
    %dma_wait3A_44 = arith.constant 0 : i32
    %dma_wait3A_45 = arith.constant 0 : i32
    %dma_wait3A_46 = tpu.memref_slice %arg2[%dma_wait3A_44, %dma_wait3A_45] : memref<100000x1152xf32, #tpu.memory_space<hbm>> -> memref<100000x1152xf32, #tpu.memory_space<hbm>>
    tpu.wait_indirect_dma semaphore(%arg9 : memref<!tpu.dma_semaphore, #tpu.memory_space<semaphore_mem>>) src(%dma_wait3A_46 : memref<100000x1152xf32, #tpu.memory_space<hbm>>) dst(%arg7 : memref<32x1152xf32, #tpu.memory_space<vmem>>)
    %add3A_47 = arith.constant 96 : i32
    %add3A_48 = arith.addi %mul3A_2, %add3A_47 : i32
    "tpu.region"() ({
      %run_scoped3A = tpu.sem_alloc : memref<!tpu.dma_semaphore, #tpu.memory_space<semaphore_mem>>
      %dma_start3A_49 = arith.constant 0 : i32
      %dma_start3A_50 = tpu.memref_slice %arg4[%add3A_48, %dma_start3A_49] : memref<4096x1152xf32, #tpu.memory_space<hbm>> -> memref<32x1152xf32, #tpu.memory_space<hbm>>
      %dma_start3A_51 = arith.constant 0 : i32
      %dma_start3A_52 = tpu.memref_slice %arg4[%add3A_48, %dma_start3A_51] : memref<4096x1152xf32, #tpu.memory_space<hbm>> -> memref<32x1152xf32, #tpu.memory_space<hbm>>
      tpu.enqueue_dma source(%arg7 : memref<32x1152xf32, #tpu.memory_space<vmem>>) target(%dma_start3A_52 : memref<32x1152xf32, #tpu.memory_space<hbm>>) target_semaphore(%run_scoped3A : memref<!tpu.dma_semaphore, #tpu.memory_space<semaphore_mem>>)
      %dma_wait3A_53 = arith.constant 0 : i32
      %dma_wait3A_54 = tpu.memref_slice %arg4[%add3A_48, %dma_wait3A_53] : memref<4096x1152xf32, #tpu.memory_space<hbm>> -> memref<32x1152xf32, #tpu.memory_space<hbm>>
      %dma_wait3A_55 = arith.constant 0 : i32
      %dma_wait3A_56 = tpu.memref_slice %arg4[%add3A_48, %dma_wait3A_55] : memref<4096x1152xf32, #tpu.memory_space<hbm>> -> memref<32x1152xf32, #tpu.memory_space<hbm>>
      tpu.wait_dma2 semaphore(%run_scoped3A : memref<!tpu.dma_semaphore, #tpu.memory_space<semaphore_mem>>) src(%arg7 : memref<32x1152xf32, #tpu.memory_space<vmem>>) dst(%dma_wait3A_56 : memref<32x1152xf32, #tpu.memory_space<hbm>>)
      tpu.yield
    }) : () -> ()
    return
  }
}

#map = affine_map<(d0, d1) -> (0, 0)>
#map1 = affine_map<(d0, d1) -> (0)>
module attributes {stable_mosaic.version = 14 : i64} {
  func.func @gather_kernel(%arg0: i32, %arg1: i32, %arg2: memref<100000x1152xf32, #tpu.memory_space<hbm>>, %arg3: memref<4096xi32, #tpu.memory_space<hbm>>, %arg4: memref<4096x1152xf32, #tpu.memory_space<hbm>>, %arg5: memref<128xi32, #tpu.memory_space<vmem>>, %arg6: memref<32x1152xf32, #tpu.memory_space<vmem>>, %arg7: memref<32x1152xf32, #tpu.memory_space<vmem>>, %arg8: memref<!tpu.dma_semaphore, #tpu.memory_space<semaphore_mem>>, %arg9: memref<!tpu.dma_semaphore, #tpu.memory_space<semaphore_mem>>) attributes {dimension_semantics = [#tpu.dimension_semantics<core_parallel>, #tpu.dimension_semantics<subcore_parallel>], iteration_bounds = array<i64: 2, 16>, scalar_prefetch = 0 : i64, scratch_operands = 5 : i64, tpu.core_type = #tpu.core_type<sc_vector_subcore>, window_params = [{transform_indices = #map}, {transform_indices = #map1}, {transform_indices = #map}]} {
    %mul3A = arith.constant 2 : i32
    %mul3A_0 = arith.muli %arg1, %mul3A : i32
    %add3A = arith.addi %mul3A_0, %arg0 : i32
    %mul3A_1 = arith.constant 128 : i32
    %mul3A_2 = arith.muli %add3A, %mul3A_1 : i32
    "tpu.region"() ({
      %run_scoped3A = tpu.sem_alloc : memref<!tpu.dma_semaphore, #tpu.memory_space<semaphore_mem>>
      %dma_start3A_49 = tpu.memref_slice %arg3[%mul3A_2] : memref<4096xi32, #tpu.memory_space<hbm>> -> memref<128xi32, #tpu.memory_space<hbm>>
      %dma_start3A_50 = tpu.memref_slice %arg3[%mul3A_2] : memref<4096xi32, #tpu.memory_space<hbm>> -> memref<128xi32, #tpu.memory_space<hbm>>
      tpu.enqueue_dma source(%dma_start3A_50 : memref<128xi32, #tpu.memory_space<hbm>>) target(%arg5 : memref<128xi32, #tpu.memory_space<vmem>>) target_semaphore(%run_scoped3A : memref<!tpu.dma_semaphore, #tpu.memory_space<semaphore_mem>>)
      %dma_wait3A_51 = tpu.memref_slice %arg3[%mul3A_2] : memref<4096xi32, #tpu.memory_space<hbm>> -> memref<128xi32, #tpu.memory_space<hbm>>
      %dma_wait3A_52 = tpu.memref_slice %arg3[%mul3A_2] : memref<4096xi32, #tpu.memory_space<hbm>> -> memref<128xi32, #tpu.memory_space<hbm>>
      tpu.wait_dma2 semaphore(%run_scoped3A : memref<!tpu.dma_semaphore, #tpu.memory_space<semaphore_mem>>) src(%dma_wait3A_52 : memref<128xi32, #tpu.memory_space<hbm>>) dst(%arg5 : memref<128xi32, #tpu.memory_space<vmem>>)
      tpu.yield
    }) : () -> ()
    %dma_start3A = arith.constant 0 : i32
    %dma_start3A_3 = tpu.memref_slice %arg5[%dma_start3A] : memref<128xi32, #tpu.memory_space<vmem>> -> memref<32xi32, #tpu.memory_space<vmem>>
    %dma_start3A_4 = arith.constant 0 : i32
    %dma_start3A_5 = arith.constant 0 : i32
    %dma_start3A_6 = tpu.memref_slice %arg2[%dma_start3A_4, %dma_start3A_5] : memref<100000x1152xf32, #tpu.memory_space<hbm>> -> memref<100000x1152xf32, #tpu.memory_space<hbm>>
    tpu.enqueue_indirect_dma source(%dma_start3A_6 : memref<100000x1152xf32, #tpu.memory_space<hbm>>) target(%arg6 : memref<32x1152xf32, #tpu.memory_space<vmem>>) offsets(%dma_start3A_3 : memref<32xi32, #tpu.memory_space<vmem>>) semaphore(%arg8 : memref<!tpu.dma_semaphore, #tpu.memory_space<semaphore_mem>>)
    %dma_start3A_7 = arith.constant 32 : i32
    %dma_start3A_8 = tpu.memref_slice %arg5[%dma_start3A_7] : memref<128xi32, #tpu.memory_space<vmem>> -> memref<32xi32, #tpu.memory_space<vmem>>
    %dma_start3A_9 = arith.constant 0 : i32
    %dma_start3A_10 = arith.constant 0 : i32
    %dma_start3A_11 = tpu.memref_slice %arg2[%dma_start3A_9, %dma_start3A_10] : memref<100000x1152xf32, #tpu.memory_space<hbm>> -> memref<100000x1152xf32, #tpu.memory_space<hbm>>
    tpu.enqueue_indirect_dma source(%dma_start3A_11 : memref<100000x1152xf32, #tpu.memory_space<hbm>>) target(%arg7 : memref<32x1152xf32, #tpu.memory_space<vmem>>) offsets(%dma_start3A_8 : memref<32xi32, #tpu.memory_space<vmem>>) semaphore(%arg9 : memref<!tpu.dma_semaphore, #tpu.memory_space<semaphore_mem>>)
    %dma_wait3A = arith.constant 0 : i32
    %dma_wait3A_12 = tpu.memref_slice %arg5[%dma_wait3A] : memref<128xi32, #tpu.memory_space<vmem>> -> memref<32xi32, #tpu.memory_space<vmem>>
    %dma_wait3A_13 = arith.constant 0 : i32
    %dma_wait3A_14 = arith.constant 0 : i32
    %dma_wait3A_15 = tpu.memref_slice %arg2[%dma_wait3A_13, %dma_wait3A_14] : memref<100000x1152xf32, #tpu.memory_space<hbm>> -> memref<100000x1152xf32, #tpu.memory_space<hbm>>
    tpu.wait_indirect_dma semaphore(%arg8 : memref<!tpu.dma_semaphore, #tpu.memory_space<semaphore_mem>>) src(%dma_wait3A_15 : memref<100000x1152xf32, #tpu.memory_space<hbm>>) dst(%arg6 : memref<32x1152xf32, #tpu.memory_space<vmem>>)
    %add3A_16 = arith.constant 0 : i32
    %add3A_17 = arith.addi %mul3A_2, %add3A_16 : i32
    "tpu.region"() ({
      %run_scoped3A = tpu.sem_alloc : memref<!tpu.dma_semaphore, #tpu.memory_space<semaphore_mem>>
      %dma_start3A_49 = arith.constant 0 : i32
      %dma_start3A_50 = tpu.memref_slice %arg4[%add3A_17, %dma_start3A_49] : memref<4096x1152xf32, #tpu.memory_space<hbm>> -> memref<32x1152xf32, #tpu.memory_space<hbm>>
      %dma_start3A_51 = arith.constant 0 : i32
      %dma_start3A_52 = tpu.memref_slice %arg4[%add3A_17, %dma_start3A_51] : memref<4096x1152xf32, #tpu.memory_space<hbm>> -> memref<32x1152xf32, #tpu.memory_space<hbm>>
      tpu.enqueue_dma source(%arg6 : memref<32x1152xf32, #tpu.memory_space<vmem>>) target(%dma_start3A_52 : memref<32x1152xf32, #tpu.memory_space<hbm>>) target_semaphore(%run_scoped3A : memref<!tpu.dma_semaphore, #tpu.memory_space<semaphore_mem>>)
      %dma_wait3A_53 = arith.constant 0 : i32
      %dma_wait3A_54 = tpu.memref_slice %arg4[%add3A_17, %dma_wait3A_53] : memref<4096x1152xf32, #tpu.memory_space<hbm>> -> memref<32x1152xf32, #tpu.memory_space<hbm>>
      %dma_wait3A_55 = arith.constant 0 : i32
      %dma_wait3A_56 = tpu.memref_slice %arg4[%add3A_17, %dma_wait3A_55] : memref<4096x1152xf32, #tpu.memory_space<hbm>> -> memref<32x1152xf32, #tpu.memory_space<hbm>>
      tpu.wait_dma2 semaphore(%run_scoped3A : memref<!tpu.dma_semaphore, #tpu.memory_space<semaphore_mem>>) src(%arg6 : memref<32x1152xf32, #tpu.memory_space<vmem>>) dst(%dma_wait3A_56 : memref<32x1152xf32, #tpu.memory_space<hbm>>)
      tpu.yield
    }) : () -> ()
    %dma_start3A_18 = arith.constant 64 : i32
    %dma_start3A_19 = tpu.memref_slice %arg5[%dma_start3A_18] : memref<128xi32, #tpu.memory_space<vmem>> -> memref<32xi32, #tpu.memory_space<vmem>>
    %dma_start3A_20 = arith.constant 0 : i32
    %dma_start3A_21 = arith.constant 0 : i32
    %dma_start3A_22 = tpu.memref_slice %arg2[%dma_start3A_20, %dma_start3A_21] : memref<100000x1152xf32, #tpu.memory_space<hbm>> -> memref<100000x1152xf32, #tpu.memory_space<hbm>>
    tpu.enqueue_indirect_dma source(%dma_start3A_22 : memref<100000x1152xf32, #tpu.memory_space<hbm>>) target(%arg6 : memref<32x1152xf32, #tpu.memory_space<vmem>>) offsets(%dma_start3A_19 : memref<32xi32, #tpu.memory_space<vmem>>) semaphore(%arg8 : memref<!tpu.dma_semaphore, #tpu.memory_space<semaphore_mem>>)
    %dma_wait3A_23 = arith.constant 32 : i32
    %dma_wait3A_24 = tpu.memref_slice %arg5[%dma_wait3A_23] : memref<128xi32, #tpu.memory_space<vmem>> -> memref<32xi32, #tpu.memory_space<vmem>>
    %dma_wait3A_25 = arith.constant 0 : i32
    %dma_wait3A_26 = arith.constant 0 : i32
    %dma_wait3A_27 = tpu.memref_slice %arg2[%dma_wait3A_25, %dma_wait3A_26] : memref<100000x1152xf32, #tpu.memory_space<hbm>> -> memref<100000x1152xf32, #tpu.memory_space<hbm>>
    tpu.wait_indirect_dma semaphore(%arg9 : memref<!tpu.dma_semaphore, #tpu.memory_space<semaphore_mem>>) src(%dma_wait3A_27 : memref<100000x1152xf32, #tpu.memory_space<hbm>>) dst(%arg7 : memref<32x1152xf32, #tpu.memory_space<vmem>>)
    %add3A_28 = arith.constant 32 : i32
    %add3A_29 = arith.addi %mul3A_2, %add3A_28 : i32
    "tpu.region"() ({
      %run_scoped3A = tpu.sem_alloc : memref<!tpu.dma_semaphore, #tpu.memory_space<semaphore_mem>>
      %dma_start3A_49 = arith.constant 0 : i32
      %dma_start3A_50 = tpu.memref_slice %arg4[%add3A_29, %dma_start3A_49] : memref<4096x1152xf32, #tpu.memory_space<hbm>> -> memref<32x1152xf32, #tpu.memory_space<hbm>>
      %dma_start3A_51 = arith.constant 0 : i32
      %dma_start3A_52 = tpu.memref_slice %arg4[%add3A_29, %dma_start3A_51] : memref<4096x1152xf32, #tpu.memory_space<hbm>> -> memref<32x1152xf32, #tpu.memory_space<hbm>>
      tpu.enqueue_dma source(%arg7 : memref<32x1152xf32, #tpu.memory_space<vmem>>) target(%dma_start3A_52 : memref<32x1152xf32, #tpu.memory_space<hbm>>) target_semaphore(%run_scoped3A : memref<!tpu.dma_semaphore, #tpu.memory_space<semaphore_mem>>)
      %dma_wait3A_53 = arith.constant 0 : i32
      %dma_wait3A_54 = tpu.memref_slice %arg4[%add3A_29, %dma_wait3A_53] : memref<4096x1152xf32, #tpu.memory_space<hbm>> -> memref<32x1152xf32, #tpu.memory_space<hbm>>
      %dma_wait3A_55 = arith.constant 0 : i32
      %dma_wait3A_56 = tpu.memref_slice %arg4[%add3A_29, %dma_wait3A_55] : memref<4096x1152xf32, #tpu.memory_space<hbm>> -> memref<32x1152xf32, #tpu.memory_space<hbm>>
      tpu.wait_dma2 semaphore(%run_scoped3A : memref<!tpu.dma_semaphore, #tpu.memory_space<semaphore_mem>>) src(%arg7 : memref<32x1152xf32, #tpu.memory_space<vmem>>) dst(%dma_wait3A_56 : memref<32x1152xf32, #tpu.memory_space<hbm>>)
      tpu.yield
    }) : () -> ()
    %dma_start3A_30 = arith.constant 96 : i32
    %dma_start3A_31 = tpu.memref_slice %arg5[%dma_start3A_30] : memref<128xi32, #tpu.memory_space<vmem>> -> memref<32xi32, #tpu.memory_space<vmem>>
    %dma_start3A_32 = arith.constant 0 : i32
    %dma_start3A_33 = arith.constant 0 : i32
    %dma_start3A_34 = tpu.memref_slice %arg2[%dma_start3A_32, %dma_start3A_33] : memref<100000x1152xf32, #tpu.memory_space<hbm>> -> memref<100000x1152xf32, #tpu.memory_space<hbm>>
    tpu.enqueue_indirect_dma source(%dma_start3A_34 : memref<100000x1152xf32, #tpu.memory_space<hbm>>) target(%arg7 : memref<32x1152xf32, #tpu.memory_space<vmem>>) offsets(%dma_start3A_31 : memref<32xi32, #tpu.memory_space<vmem>>) semaphore(%arg9 : memref<!tpu.dma_semaphore, #tpu.memory_space<semaphore_mem>>)
    %dma_wait3A_35 = arith.constant 64 : i32
    %dma_wait3A_36 = tpu.memref_slice %arg5[%dma_wait3A_35] : memref<128xi32, #tpu.memory_space<vmem>> -> memref<32xi32, #tpu.memory_space<vmem>>
    %dma_wait3A_37 = arith.constant 0 : i32
    %dma_wait3A_38 = arith.constant 0 : i32
    %dma_wait3A_39 = tpu.memref_slice %arg2[%dma_wait3A_37, %dma_wait3A_38] : memref<100000x1152xf32, #tpu.memory_space<hbm>> -> memref<100000x1152xf32, #tpu.memory_space<hbm>>
    tpu.wait_indirect_dma semaphore(%arg8 : memref<!tpu.dma_semaphore, #tpu.memory_space<semaphore_mem>>) src(%dma_wait3A_39 : memref<100000x1152xf32, #tpu.memory_space<hbm>>) dst(%arg6 : memref<32x1152xf32, #tpu.memory_space<vmem>>)
    %add3A_40 = arith.constant 64 : i32
    %add3A_41 = arith.addi %mul3A_2, %add3A_40 : i32
    "tpu.region"() ({
      %run_scoped3A = tpu.sem_alloc : memref<!tpu.dma_semaphore, #tpu.memory_space<semaphore_mem>>
      %dma_start3A_49 = arith.constant 0 : i32
      %dma_start3A_50 = tpu.memref_slice %arg4[%add3A_41, %dma_start3A_49] : memref<4096x1152xf32, #tpu.memory_space<hbm>> -> memref<32x1152xf32, #tpu.memory_space<hbm>>
      %dma_start3A_51 = arith.constant 0 : i32
      %dma_start3A_52 = tpu.memref_slice %arg4[%add3A_41, %dma_start3A_51] : memref<4096x1152xf32, #tpu.memory_space<hbm>> -> memref<32x1152xf32, #tpu.memory_space<hbm>>
      tpu.enqueue_dma source(%arg6 : memref<32x1152xf32, #tpu.memory_space<vmem>>) target(%dma_start3A_52 : memref<32x1152xf32, #tpu.memory_space<hbm>>) target_semaphore(%run_scoped3A : memref<!tpu.dma_semaphore, #tpu.memory_space<semaphore_mem>>)
      %dma_wait3A_53 = arith.constant 0 : i32
      %dma_wait3A_54 = tpu.memref_slice %arg4[%add3A_41, %dma_wait3A_53] : memref<4096x1152xf32, #tpu.memory_space<hbm>> -> memref<32x1152xf32, #tpu.memory_space<hbm>>
      %dma_wait3A_55 = arith.constant 0 : i32
      %dma_wait3A_56 = tpu.memref_slice %arg4[%add3A_41, %dma_wait3A_55] : memref<4096x1152xf32, #tpu.memory_space<hbm>> -> memref<32x1152xf32, #tpu.memory_space<hbm>>
      tpu.wait_dma2 semaphore(%run_scoped3A : memref<!tpu.dma_semaphore, #tpu.memory_space<semaphore_mem>>) src(%arg6 : memref<32x1152xf32, #tpu.memory_space<vmem>>) dst(%dma_wait3A_56 : memref<32x1152xf32, #tpu.memory_space<hbm>>)
      tpu.yield
    }) : () -> ()
    %dma_wait3A_42 = arith.constant 96 : i32
    %dma_wait3A_43 = tpu.memref_slice %arg5[%dma_wait3A_42] : memref<128xi32, #tpu.memory_space<vmem>> -> memref<32xi32, #tpu.memory_space<vmem>>
    %dma_wait3A_44 = arith.constant 0 : i32
    %dma_wait3A_45 = arith.constant 0 : i32
    %dma_wait3A_46 = tpu.memref_slice %arg2[%dma_wait3A_44, %dma_wait3A_45] : memref<100000x1152xf32, #tpu.memory_space<hbm>> -> memref<100000x1152xf32, #tpu.memory_space<hbm>>
    tpu.wait_indirect_dma semaphore(%arg9 : memref<!tpu.dma_semaphore, #tpu.memory_space<semaphore_mem>>) src(%dma_wait3A_46 : memref<100000x1152xf32, #tpu.memory_space<hbm>>) dst(%arg7 : memref<32x1152xf32, #tpu.memory_space<vmem>>)
    %add3A_47 = arith.constant 96 : i32
    %add3A_48 = arith.addi %mul3A_2, %add3A_47 : i32
    "tpu.region"() ({
      %run_scoped3A = tpu.sem_alloc : memref<!tpu.dma_semaphore, #tpu.memory_space<semaphore_mem>>
      %dma_start3A_49 = arith.constant 0 : i32
      %dma_start3A_50 = tpu.memref_slice %arg4[%add3A_48, %dma_start3A_49] : memref<4096x1152xf32, #tpu.memory_space<hbm>> -> memref<32x1152xf32, #tpu.memory_space<hbm>>
      %dma_start3A_51 = arith.constant 0 : i32
      %dma_start3A_52 = tpu.memref_slice %arg4[%add3A_48, %dma_start3A_51] : memref<4096x1152xf32, #tpu.memory_space<hbm>> -> memref<32x1152xf32, #tpu.memory_space<hbm>>
      tpu.enqueue_dma source(%arg7 : memref<32x1152xf32, #tpu.memory_space<vmem>>) target(%dma_start3A_52 : memref<32x1152xf32, #tpu.memory_space<hbm>>) target_semaphore(%run_scoped3A : memref<!tpu.dma_semaphore, #tpu.memory_space<semaphore_mem>>)
      %dma_wait3A_53 = arith.constant 0 : i32
      %dma_wait3A_54 = tpu.memref_slice %arg4[%add3A_48, %dma_wait3A_53] : memref<4096x1152xf32, #tpu.memory_space<hbm>> -> memref<32x1152xf32, #tpu.memory_space<hbm>>
      %dma_wait3A_55 = arith.constant 0 : i32
      %dma_wait3A_56 = tpu.memref_slice %arg4[%add3A_48, %dma_wait3A_55] : memref<4096x1152xf32, #tpu.memory_space<hbm>> -> memref<32x1152xf32, #tpu.memory_space<hbm>>
      tpu.wait_dma2 semaphore(%run_scoped3A : memref<!tpu.dma_semaphore, #tpu.memory_space<semaphore_mem>>) src(%arg7 : memref<32x1152xf32, #tpu.memory_space<vmem>>) dst(%dma_wait3A_56 : memref<32x1152xf32, #tpu.memory_space<hbm>>)
      tpu.yield
    }) : () -> ()
    return
  }
}

module attributes {stable_mosaic.version = 14 : i64} {
  func.func @_mm_body_aliased(%arg0: i32, %arg1: memref<16384x1152xf32, #tpu.memory_space<any>>, %arg2: memref<1024x1152xf32, #tpu.memory_space<vmem>>, %arg3: memref<1152x1152xf32, #tpu.memory_space<vmem>>, %arg4: memref<1x1152xf32, #tpu.memory_space<vmem>>, %arg5: memref<1024x1152xf32, #tpu.memory_space<vmem>>) attributes {dimension_semantics = [#tpu.dimension_semantics<arbitrary>], iteration_bounds = array<i64: 4>, scalar_prefetch = 0 : i64, scratch_operands = 0 : i64, tpu.core_type = #tpu.core_type<tc>, window_params = [{}, {transform_indices = @transform_1, window_bounds = array<i64: 1024, 1152>}, {pipeline_mode = #tpu.pipeline_mode<synchronous>, transform_indices = @transform_2, window_bounds = array<i64: 1152, 1152>}, {pipeline_mode = #tpu.pipeline_mode<synchronous>, transform_indices = @transform_3, window_bounds = array<i64: 1, 1152>}, {transform_indices = @transform_4, window_bounds = array<i64: 1024, 1152>}]} {
    %get3A = arith.constant 0 : index
    %get3A_0 = arith.constant 0 : index
    %get3A_1 = vector.load %arg2[%get3A, %get3A_0] : memref<1024x1152xf32, #tpu.memory_space<vmem>>, vector<1024x1152xf32>
    %get3A_2 = arith.constant 0 : index
    %get3A_3 = arith.constant 0 : index
    %get3A_4 = vector.load %arg3[%get3A_2, %get3A_3] : memref<1152x1152xf32, #tpu.memory_space<vmem>>, vector<1152x1152xf32>
    %dot_general3A = arith.constant dense<0.000000e+00> : vector<1024x1152xf32>
    %dot_general3A_5 = tpu.matmul %get3A_1, %get3A_4, %dot_general3A {dimension_numbers = #tpu.dot_dimension_numbers<[1], [1], [0], [0], [0, 0, 1, 0], [], []>, transpose_lhs_hint = false} : vector<1024x1152xf32>, vector<1152x1152xf32>, vector<1024x1152xf32> -> vector<1024x1152xf32>
    %get3A_6 = arith.constant 0 : index
    %get3A_7 = arith.constant 0 : index
    %get3A_8 = vector.load %arg4[%get3A_6, %get3A_7] : memref<1x1152xf32, #tpu.memory_space<vmem>>, vector<1x1152xf32>
    %add3A = vector.broadcast %get3A_8 : vector<1x1152xf32> to vector<1024x1152xf32>
    %add3A_9 = arith.addf %dot_general3A_5, %add3A : vector<1024x1152xf32>
    %swap3A = arith.constant 0 : index
    %swap3A_10 = arith.constant 0 : index
    %swap3A_11 = vector.load %arg5[%swap3A, %swap3A_10] : memref<1024x1152xf32, #tpu.memory_space<vmem>>, vector<1024x1152xf32>
    tpu.vector_store %arg5[%swap3A, %swap3A_10], %add3A_9 {strides = array<i32>} : memref<1024x1152xf32, #tpu.memory_space<vmem>>, vector<1024x1152xf32>,
    return
  }
  func.func @transform_1(%arg0: i32) -> (i32, i32) {
    %c0_i32 = arith.constant 0 : i32
    %c0_i32_0 = arith.constant 0 : i32
    return %arg0, %c0_i32 : i32, i32
  }
  func.func @transform_2(%arg0: i32) -> (i32, i32) {
    %c0_i32 = arith.constant 0 : i32
    %c0_i32_0 = arith.constant 0 : i32
    %c0_i32_1 = arith.constant 0 : i32
    return %c0_i32, %c0_i32_0 : i32, i32
  }
  func.func @transform_3(%arg0: i32) -> (i32, i32) {
    %c0_i32 = arith.constant 0 : i32
    %c0_i32_0 = arith.constant 0 : i32
    %c0_i32_1 = arith.constant 0 : i32
    return %c0_i32, %c0_i32_0 : i32, i32
  }
  func.func @transform_4(%arg0: i32) -> (i32, i32) {
    %add3A = arith.constant 12 : i32
    %add3A_0 = arith.addi %add3A, %arg0 : i32
    %c0_i32 = arith.constant 0 : i32
    %c0_i32_1 = arith.constant 0 : i32
    return %add3A_0, %c0_i32 : i32, i32
  }
}

module attributes {stable_mosaic.version = 14 : i64} {
  func.func @_mm_body_aliased(%arg0: i32, %arg1: memref<16384x1152xf32, #tpu.memory_space<any>>, %arg2: memref<1024x1152xf32, #tpu.memory_space<vmem>>, %arg3: memref<1152x1152xf32, #tpu.memory_space<vmem>>, %arg4: memref<1x1152xf32, #tpu.memory_space<vmem>>, %arg5: memref<1024x1152xf32, #tpu.memory_space<vmem>>) attributes {dimension_semantics = [#tpu.dimension_semantics<arbitrary>], iteration_bounds = array<i64: 4>, scalar_prefetch = 0 : i64, scratch_operands = 0 : i64, tpu.core_type = #tpu.core_type<tc>, window_params = [{}, {transform_indices = @transform_1, window_bounds = array<i64: 1024, 1152>}, {pipeline_mode = #tpu.pipeline_mode<synchronous>, transform_indices = @transform_2, window_bounds = array<i64: 1152, 1152>}, {pipeline_mode = #tpu.pipeline_mode<synchronous>, transform_indices = @transform_3, window_bounds = array<i64: 1, 1152>}, {transform_indices = @transform_4, window_bounds = array<i64: 1024, 1152>}]} {
    %get3A = arith.constant 0 : index
    %get3A_0 = arith.constant 0 : index
    %get3A_1 = vector.load %arg2[%get3A, %get3A_0] : memref<1024x1152xf32, #tpu.memory_space<vmem>>, vector<1024x1152xf32>
    %get3A_2 = arith.constant 0 : index
    %get3A_3 = arith.constant 0 : index
    %get3A_4 = vector.load %arg3[%get3A_2, %get3A_3] : memref<1152x1152xf32, #tpu.memory_space<vmem>>, vector<1152x1152xf32>
    %dot_general3A = arith.constant dense<0.000000e+00> : vector<1024x1152xf32>
    %dot_general3A_5 = tpu.matmul %get3A_1, %get3A_4, %dot_general3A {dimension_numbers = #tpu.dot_dimension_numbers<[1], [1], [0], [0], [0, 0, 1, 0], [], []>, transpose_lhs_hint = false} : vector<1024x1152xf32>, vector<1152x1152xf32>, vector<1024x1152xf32> -> vector<1024x1152xf32>
    %get3A_6 = arith.constant 0 : index
    %get3A_7 = arith.constant 0 : index
    %get3A_8 = vector.load %arg4[%get3A_6, %get3A_7] : memref<1x1152xf32, #tpu.memory_space<vmem>>, vector<1x1152xf32>
    %add3A = vector.broadcast %get3A_8 : vector<1x1152xf32> to vector<1024x1152xf32>
    %add3A_9 = arith.addf %dot_general3A_5, %add3A : vector<1024x1152xf32>
    %swap3A = arith.constant 0 : index
    %swap3A_10 = arith.constant 0 : index
    %swap3A_11 = vector.load %arg5[%swap3A, %swap3A_10] : memref<1024x1152xf32, #tpu.memory_space<vmem>>, vector<1024x1152xf32>
    tpu.vector_store %arg5[%swap3A, %swap3A_10], %add3A_9 {strides = array<i32>} : memref<1024x1152xf32, #tpu.memory_space<vmem>>, vector<1024x1152xf32>,
    return
  }
  func.func @transform_1(%arg0: i32) -> (i32, i32) {
    %c0_i32 = arith.constant 0 : i32
    %c0_i32_0 = arith.constant 0 : i32
    return %arg0, %c0_i32 : i32, i32
  }
  func.func @transform_2(%arg0: i32) -> (i32, i32) {
    %c0_i32 = arith.constant 0 : i32
    %c0_i32_0 = arith.constant 0 : i32
    %c0_i32_1 = arith.constant 0 : i32
    return %c0_i32, %c0_i32_0 : i32, i32
  }
  func.func @transform_3(%arg0: i32) -> (i32, i32) {
    %c0_i32 = arith.constant 0 : i32
    %c0_i32_0 = arith.constant 0 : i32
    %c0_i32_1 = arith.constant 0 : i32
    return %c0_i32, %c0_i32_0 : i32, i32
  }
  func.func @transform_4(%arg0: i32) -> (i32, i32) {
    %add3A = arith.constant 4 : i32
    %add3A_0 = arith.addi %add3A, %arg0 : i32
    %c0_i32 = arith.constant 0 : i32
    %c0_i32_1 = arith.constant 0 : i32
    return %add3A_0, %c0_i32 : i32, i32
  }
}

module attributes {stable_mosaic.version = 14 : i64} {
  func.func @_mm_body(%arg0: i32, %arg1: memref<1024x1152xf32, #tpu.memory_space<vmem>>, %arg2: memref<1152x1152xf32, #tpu.memory_space<vmem>>, %arg3: memref<1x1152xf32, #tpu.memory_space<vmem>>, %arg4: memref<1024x1152xf32, #tpu.memory_space<vmem>>) attributes {dimension_semantics = [#tpu.dimension_semantics<arbitrary>], iteration_bounds = array<i64: 4>, scalar_prefetch = 0 : i64, scratch_operands = 0 : i64, tpu.core_type = #tpu.core_type<tc>, window_params = [{transform_indices = @transform_0, window_bounds = array<i64: 1024, 1152>}, {pipeline_mode = #tpu.pipeline_mode<synchronous>, transform_indices = @transform_1, window_bounds = array<i64: 1152, 1152>}, {pipeline_mode = #tpu.pipeline_mode<synchronous>, transform_indices = @transform_2, window_bounds = array<i64: 1, 1152>}, {transform_indices = @transform_3, window_bounds = array<i64: 1024, 1152>}]} {
    %get3A = arith.constant 0 : index
    %get3A_0 = arith.constant 0 : index
    %get3A_1 = vector.load %arg1[%get3A, %get3A_0] : memref<1024x1152xf32, #tpu.memory_space<vmem>>, vector<1024x1152xf32>
    %get3A_2 = arith.constant 0 : index
    %get3A_3 = arith.constant 0 : index
    %get3A_4 = vector.load %arg2[%get3A_2, %get3A_3] : memref<1152x1152xf32, #tpu.memory_space<vmem>>, vector<1152x1152xf32>
    %dot_general3A = arith.constant dense<0.000000e+00> : vector<1024x1152xf32>
    %dot_general3A_5 = tpu.matmul %get3A_1, %get3A_4, %dot_general3A {dimension_numbers = #tpu.dot_dimension_numbers<[1], [1], [0], [0], [0, 0, 1, 0], [], []>, transpose_lhs_hint = false} : vector<1024x1152xf32>, vector<1152x1152xf32>, vector<1024x1152xf32> -> vector<1024x1152xf32>
    %get3A_6 = arith.constant 0 : index
    %get3A_7 = arith.constant 0 : index
    %get3A_8 = vector.load %arg3[%get3A_6, %get3A_7] : memref<1x1152xf32, #tpu.memory_space<vmem>>, vector<1x1152xf32>
    %add3A = vector.broadcast %get3A_8 : vector<1x1152xf32> to vector<1024x1152xf32>
    %add3A_9 = arith.addf %dot_general3A_5, %add3A : vector<1024x1152xf32>
    %swap3A = arith.constant 0 : index
    %swap3A_10 = arith.constant 0 : index
    %swap3A_11 = vector.load %arg4[%swap3A, %swap3A_10] : memref<1024x1152xf32, #tpu.memory_space<vmem>>, vector<1024x1152xf32>
    tpu.vector_store %arg4[%swap3A, %swap3A_10], %add3A_9 {strides = array<i32>} : memref<1024x1152xf32, #tpu.memory_space<vmem>>, vector<1024x1152xf32>,
    return
  }
  func.func @transform_0(%arg0: i32) -> (i32, i32) {
    %c0_i32 = arith.constant 0 : i32
    %c0_i32_0 = arith.constant 0 : i32
    return %arg0, %c0_i32 : i32, i32
  }
  func.func @transform_1(%arg0: i32) -> (i32, i32) {
    %c0_i32 = arith.constant 0 : i32
    %c0_i32_0 = arith.constant 0 : i32
    %c0_i32_1 = arith.constant 0 : i32
    return %c0_i32, %c0_i32_0 : i32, i32
  }
  func.func @transform_2(%arg0: i32) -> (i32, i32) {
    %c0_i32 = arith.constant 0 : i32
    %c0_i32_0 = arith.constant 0 : i32
    %c0_i32_1 = arith.constant 0 : i32
    return %c0_i32, %c0_i32_0 : i32, i32
  }
  func.func @transform_3(%arg0: i32) -> (i32, i32) {
    %add3A = arith.constant 0 : i32
    %add3A_0 = arith.addi %add3A, %arg0 : i32
    %c0_i32 = arith.constant 0 : i32
    %c0_i32_1 = arith.constant 0 : i32
    return %add3A_0, %c0_i32 : i32, i32
  }
}

module attributes {stable_mosaic.version = 14 : i64} {
  func.func @_mm_body_aliased(%arg0: i32, %arg1: memref<16384x1152xf32, #tpu.memory_space<any>>, %arg2: memref<1024x1152xf32, #tpu.memory_space<vmem>>, %arg3: memref<1152x1152xf32, #tpu.memory_space<vmem>>, %arg4: memref<1x1152xf32, #tpu.memory_space<vmem>>, %arg5: memref<1024x1152xf32, #tpu.memory_space<vmem>>) attributes {dimension_semantics = [#tpu.dimension_semantics<arbitrary>], iteration_bounds = array<i64: 4>, scalar_prefetch = 0 : i64, scratch_operands = 0 : i64, tpu.core_type = #tpu.core_type<tc>, window_params = [{}, {transform_indices = @transform_1, window_bounds = array<i64: 1024, 1152>}, {pipeline_mode = #tpu.pipeline_mode<synchronous>, transform_indices = @transform_2, window_bounds = array<i64: 1152, 1152>}, {pipeline_mode = #tpu.pipeline_mode<synchronous>, transform_indices = @transform_3, window_bounds = array<i64: 1, 1152>}, {transform_indices = @transform_4, window_bounds = array<i64: 1024, 1152>}]} {
    %get3A = arith.constant 0 : index
    %get3A_0 = arith.constant 0 : index
    %get3A_1 = vector.load %arg2[%get3A, %get3A_0] : memref<1024x1152xf32, #tpu.memory_space<vmem>>, vector<1024x1152xf32>
    %get3A_2 = arith.constant 0 : index
    %get3A_3 = arith.constant 0 : index
    %get3A_4 = vector.load %arg3[%get3A_2, %get3A_3] : memref<1152x1152xf32, #tpu.memory_space<vmem>>, vector<1152x1152xf32>
    %dot_general3A = arith.constant dense<0.000000e+00> : vector<1024x1152xf32>
    %dot_general3A_5 = tpu.matmul %get3A_1, %get3A_4, %dot_general3A {dimension_numbers = #tpu.dot_dimension_numbers<[1], [1], [0], [0], [0, 0, 1, 0], [], []>, transpose_lhs_hint = false} : vector<1024x1152xf32>, vector<1152x1152xf32>, vector<1024x1152xf32> -> vector<1024x1152xf32>
    %get3A_6 = arith.constant 0 : index
    %get3A_7 = arith.constant 0 : index
    %get3A_8 = vector.load %arg4[%get3A_6, %get3A_7] : memref<1x1152xf32, #tpu.memory_space<vmem>>, vector<1x1152xf32>
    %add3A = vector.broadcast %get3A_8 : vector<1x1152xf32> to vector<1024x1152xf32>
    %add3A_9 = arith.addf %dot_general3A_5, %add3A : vector<1024x1152xf32>
    %swap3A = arith.constant 0 : index
    %swap3A_10 = arith.constant 0 : index
    %swap3A_11 = vector.load %arg5[%swap3A, %swap3A_10] : memref<1024x1152xf32, #tpu.memory_space<vmem>>, vector<1024x1152xf32>
    tpu.vector_store %arg5[%swap3A, %swap3A_10], %add3A_9 {strides = array<i32>} : memref<1024x1152xf32, #tpu.memory_space<vmem>>, vector<1024x1152xf32>,
    return
  }
  func.func @transform_1(%arg0: i32) -> (i32, i32) {
    %c0_i32 = arith.constant 0 : i32
    %c0_i32_0 = arith.constant 0 : i32
    return %arg0, %c0_i32 : i32, i32
  }
  func.func @transform_2(%arg0: i32) -> (i32, i32) {
    %c0_i32 = arith.constant 0 : i32
    %c0_i32_0 = arith.constant 0 : i32
    %c0_i32_1 = arith.constant 0 : i32
    return %c0_i32, %c0_i32_0 : i32, i32
  }
  func.func @transform_3(%arg0: i32) -> (i32, i32) {
    %c0_i32 = arith.constant 0 : i32
    %c0_i32_0 = arith.constant 0 : i32
    %c0_i32_1 = arith.constant 0 : i32
    return %c0_i32, %c0_i32_0 : i32, i32
  }
  func.func @transform_4(%arg0: i32) -> (i32, i32) {
    %add3A = arith.constant 8 : i32
    %add3A_0 = arith.addi %add3A, %arg0 : i32
    %c0_i32 = arith.constant 0 : i32
    %c0_i32_1 = arith.constant 0 : i32
    return %add3A_0, %c0_i32 : i32, i32
  }
}

</mosaic_0001>

<sc_bundles>
// kernel: kernel.10.cloned.1.call-start
scs
__scs_entry_jumppad:
0x0: {  	(pc) =	sbr.rel $0x88, $3  }
0x1: {  	(tag) =	ssettag $0x0;
	lr =	simm.s32 $0x1  }
0x2: {  	[smem:$0x3F9D] =	sst lr;
	_ =	strace $0xD0000000  }
0x3: {  	_ = 	snop  }
0x4: {  	_ = 	snop  }
0x5: {  	_ = 	snop  }
0x6: {  	_ = 	snop  }
0x7: {  	_ = 	snop  }
__scs_overlays_trampoline_lowered:
0x8: {  	[smem:$0x3FAC] =	sst s0  }
0x9: {  	[smem:$0x3FAD] =	sst s1  }
0xa: {  	[smem:$0x3FAE] =	sst s2  }
0xb: {  	[smem:$0x3FAF] =	sst s3  }
0xc: {  	[smem:$0x3FB0] =	sst s4  }
0xd: {  	[smem:$0x3FB1] =	sst s5  }
0xe: {  	[smem:$0x3FB2] =	sst s6  }
0xf: {  	[smem:$0x3FB3] =	sst s7  }
0x10: {  	[smem:$0x3FB4] =	sst s8  }
0x11: {  	[smem:$0x3FB5] =	sst s9;
	s0 =	simm.s32 @!p0 $0x0  }
0x12: {  	s1 =	sld [smem:$0x3F9B];
	s0 =	simm.s32 @p0 $0x1  }
0x13: {  	[smem:$0x3FB6] =	sst s0;
	s0 =	simm.s32 @!p1 $0x0  }
0x14: {  	s2 =	sld [smem:$0x3F9A];
	s0 =	simm.s32 @p1 $0x1  }
0x15: {  	[smem:$0x3FB7] =	sst s0;
	s0 =	simm.s32 @!p2 $0x0  }
0x16: {  	s3 =	sld [smem:$0x3FDB];
	s0 =	simm.s32 @p2 $0x1  }
0x17: {  	s4 =	simm.s32 $0x1BF5;
	[smem:$0x3FB9] =	sst s0  }
0x18: {  	s0 =	sld [smem:$0x3F9C];
	_ =	swait.ge [sflag:s4], $0x0  }
0x19: {  	s7 =	sld [smem:$0x3F9D]  }
0x1a: {  	s8 =	sadd.s32 $0xFFFFE003, lr  }
0x1b: {  	s9 =	sadd.s32 $0xFFFFFEF7, lr;
	s5 =	simm.s32 $0xFFFFFFFF;
	p2 =	slt.u32 s8, $0xFFFFF086  }
0x1c: {  	p1 =	slt.u32 s9, $0xF7A;
	s5 =	simm.s32 @!p2 $0x0  }
0x1d: {  	s5 =	simm.s32 @p1 $0x1;
	p0 =	seq.s32 s7, s2  }
0x1e: {  	s7 =	smul.u32 @!p0 $0xF7A, s2;
	p2 =	seq.s32 @!p0 s5, $0x0  }
0x1f: {  	s9 =	smul.u32 $0xF7A, s1;
	s8 =	simm.s32 @!p0 $0x1BF5;
	p2 =	por !p2, p0  }
0x20: {  	[sflag:s8] =	ssyncset.s32 @!p0 $0xFFFFF086;
	s6 =	sadd.s32 @!p0 s3, s7;
	s7 =	simm.s32 @!p0 $0x108  }
0x21: {  	s3 =	sadd.s32 s3, s9;
	s6 =	sadd.s32 @!p0 $0x88, s6;
	s7 =	simm.s32 @p2 $0x1082  }
0x22: {  	[simem:s7], [sflag:s8] =	dma.local @!p0 [hbm:s6], $0xF7A  }
0x23: {  	s9 =	sor.u32 $0xD0000000, s2;
	s6 =	simm.s32 $0x108;
	_ =	swait.ge @!p0 [sflag:s8], $0x0  }
0x24: {  	s3 =	sadd.s32 $0x88, s3;
	s6 =	simm.s32 @!p1 $0x1082;
	[sflag:s4] =	ssyncset.s32 $0xFFFFF086  }
0x25: {  	[simem:s6], [sflag:s4] =	dma.local [hbm:s3], $0xF7A  }
0x26: {  	[smem:$0x3F9D] =	sst s1;
	(tag) =	ssettag s2;
	_ =	strace s9  }
0x27: {  	s1 =	sld [smem:$0x3FAD]  }
0x28: {  	s2 =	sld [smem:$0x3FAE]  }
0x29: {  	s4 =	sld [smem:$0x3FB0]  }
0x2a: {  	p0 =	seq.s32 s5, $0x0;
	s5 =	sld [smem:$0x3FB1]  }
0x2b: {  	s6 =	sld [smem:$0x3FB2]  }
0x2c: {  	s7 =	sld [smem:$0x3FB3]  }
0x2d: {  	s3 =	simm.s32 $0x108;
	s8 =	sld [smem:$0x3FB4]  }
0x2e: {  	s3 =	simm.s32 @!p0 $0x1082;
	s9 =	sld [smem:$0x3FB5]  }
0x2f: {  	lr =	sadd.s32 s0, s3;
	s0 =	sld [smem:$0x3FAC]  }
0x30: {  	s3 =	sld [smem:$0x3FAF]  }
0x31: {  	[smem:$0x3FB8] =	sst s10  }
0x32: {  	s10 =	sld [smem:$0x3FB6];
	_ =	sdelay $0x3  }
0x33: {  	p0 =	seq.s32 s10, $0x1;
	s10 =	sld [smem:$0x3FB8];
	_ =	sdelay $0x3  }
0x34: {  	[smem:$0x3FB8] =	sst s10  }
0x35: {  	s10 =	sld [smem:$0x3FB7];
	_ =	sdelay $0x3  }
0x36: {  	p1 =	seq.s32 s10, $0x1;
	s10 =	sld [smem:$0x3FB8];
	_ =	sdelay $0x3  }
0x37: {  	[smem:$0x3FB8] =	sst s10  }
0x38: {  	s10 =	sld [smem:$0x3FB9]  }
0x39: {  	_ = 	snop;
	(pc) =	sbr.ind lr, $3  }
0x3a: {  	_ = 	snop  }
0x3b: {  	_ = 	snop  }
0x3c: {  	p2 =	seq.s32 s10, $0x1;
	s10 =	sld [smem:$0x3FB8]  }
0x3d: {  	_ =	shalt  }
0x3e: {  	_ =	shalt  }
0x3f: {  	_ =	shalt  }
0x40: {  	_ =	shalt  }
0x41: {  	_ =	shalt  }
0x42: {  	_ =	shalt  }
0x43: {  	_ =	shalt  }
0x44: {  	_ =	shalt  }
0x45: {  	_ =	shalt  }
0x46: {  	_ =	shalt  }
0x47: {  	_ =	shalt  }
0x48: {  	_ =	shalt  }
0x49: {  	_ =	shalt  }
0x4a: {  	_ =	shalt  }
0x4b: {  	_ =	shalt  }
0x4c: {  	_ =	shalt  }
0x4d: {  	_ =	shalt  }
0x4e: {  	_ =	shalt  }
0x4f: {  	_ =	shalt  }
0x50: {  	_ =	shalt  }
0x51: {  	_ =	shalt  }
0x52: {  	_ =	shalt  }
0x53: {  	_ =	shalt  }
0x54: {  	_ =	shalt  }
0x55: {  	_ =	shalt  }
0x56: {  	_ =	shalt  }
0x57: {  	_ =	shalt  }
0x58: {  	_ =	shalt  }
0x59: {  	_ =	shalt  }
0x5a: {  	_ =	shalt  }
0x5b: {  	_ =	shalt  }
0x5c: {  	_ =	shalt  }
0x5d: {  	_ =	shalt  }
0x5e: {  	_ =	shalt  }
0x5f: {  	_ =	shalt  }
0x60: {  	_ =	shalt  }
0x61: {  	_ =	shalt  }
0x62: {  	_ =	shalt  }
0x63: {  	_ =	shalt  }
0x64: {  	_ =	shalt  }
0x65: {  	_ =	shalt  }
0x66: {  	_ =	shalt  }
0x67: {  	_ =	shalt  }
0x68: {  	_ =	shalt  }
0x69: {  	_ =	shalt  }
0x6a: {  	_ =	shalt  }
0x6b: {  	_ =	shalt  }
0x6c: {  	_ =	shalt  }
0x6d: {  	_ =	shalt  }
0x6e: {  	_ =	shalt  }
0x6f: {  	_ =	shalt  }
0x70: {  	_ =	shalt  }
0x71: {  	_ =	shalt  }
0x72: {  	_ =	shalt  }
0x73: {  	_ =	shalt  }
0x74: {  	_ =	shalt  }
0x75: {  	_ =	shalt  }
0x76: {  	_ =	shalt  }
0x77: {  	_ =	shalt  }
0x78: {  	_ =	shalt  }
0x79: {  	_ =	shalt  }
0x7a: {  	_ =	shalt  }
0x7b: {  	_ =	shalt  }
0x7c: {  	_ =	shalt  }
0x7d: {  	_ =	shalt  }
0x7e: {  	_ =	shalt  }
0x7f: {  	_ =	shalt  }
0x80: {  	_ =	shalt  }
0x81: {  	_ =	shalt  }
0x82: {  	_ =	shalt  }
0x83: {  	_ =	shalt  }
0x84: {  	_ =	shalt  }
0x85: {  	_ =	shalt  }
0x86: {  	_ =	shalt  }
0x87: {  	_ =	shalt  }
.Lfunc_end0:
.L_simem_size_0:
called_computation_lowered:
.L_overlay_start_0:
0x88: {  	s2 =	sld [smem:$0x3FD9]  }
0x89: {  	s3 =	sld [smem:$0x3FFE];
	_ =	sdelay $0x1  }
0x8a: {  	s1 =	srdreg.scid  }
0x8b: {  	s0 =	sand.u32 $0x1, s1  }
0x8c: {  	s17 =	sshll.u32 s0, $0xA;
	s2 =	sadd.s32 s3, s2  }
0x8d: {  	s2 =	sadd.s32 s2, s17  }
0x8e: {  	[smem:$0x3FC4] =	sst s2  }
0x8f: {  	_ = 	snop  }
0x90: {  	s2 =	sld [smem:$0x3FC8]  }
0x91: {  	s18 =	sld [smem:$0x3FD0];
	(tm) =	ssettm $0x1  }
0x92: {  	s4 =	sld [smem:$0x3FFB];
	_ =	sdelay $0x3  }
0x93: {  	_ =	strace s4  }
0x94: {  	s4 =	sld [smem:$0x3FFC];
	_ =	sdelay $0x3  }
0x95: {  	_ =	strace s4  }
0x96: {  	s4 =	sld [smem:$0x3FFD];
	_ =	sdelay $0x3  }
0x97: {  	_ =	strace s4  }
0x98: {  	_ =	strace $0x8FFFFFFF  }
0x99: {  	s19 =	sld [smem:$0x3FDB];
	_ =	sdelay $0x1  }
0x9a: {  	s5 =	simm.s32 $_scs_section_size  }
0x9b: {  	s6 =	simm.s32 $_size__tile_overlayer_lowered;
	s7 =	simm.s32 $_tile_overlayer_lowered  }
0x9c: {  	s22 =	simm.s32 $0x1BFF;
	s21 =	sshll.u32 s7, $0x1;
	s4 =	sadd.s32 s5, s19  }
0x9d: {  	s8 =	simm.s32 $0x0;
	s20 =	sshll.u32 s6, $0x1;
	s6 =	sadd.s32 s21, s4  }
0x9e: {  	[timem:s8], [sflag:s22] =	dma.local [hbm:s6], s20  }
0x9f: {  	_ =	swait.ge [sflag:s22], s20  }
0xa0: {  	s5 =	ssub.s32 $0x0, s20;
	[sflag:s22] =	ssyncset.done $0x0  }
0xa1: {  	[sflag:s22] =	ssyncadd.s32 s5;
	_ =	sdelay $0x1  }
0xa2: {  	s23 =	simm.s32 $0x1B8B  }
0xa3: {  	_ =	swait.ge [sflag:s23], $0x1  }
0xa4: {  	[sflag:s23] =	ssyncset.done $0x0  }
0xa5: {  	s25 =	simm.s32 $0x1B8E;
	s24 =	sld [smem:$0x3FFE];
	[sflag:s23] =	ssyncadd.s32 $0xFFFFFFFF  }
0xa6: {  	s26 =	simm.s32 $execute0_lowered;
	[smem:$0x3FD2] =	sst s25  }
0xa7: {  	s6 =	sshll.u32 s26, $0x1;
	_ =	strace $0x80000046;
	[dreg:$0x1] =	wrdreg $0xFFFFFFFF  }
0xa8: {  	s28 =	simm.s32 $_size_execute0_lowered;
	s4 =	sadd.s32 s4, s6;
	[dreg:$0x0] =	wrdreg $0x0  }
0xa9: {  	s6 =	sshll.u32 s28, $0x1;
	[dreg:$0x2] =	wrdreg s4  }
0xaa: {  	[dreg:$0x3] =	wrdreg s6  }
0xab: {  	[dreg:$0x4] =	wrdreg $0xC0  }
0xac: {  	_ =	task [dreg:s8], $0x5FFFF  }
0xad: {  	[dreg:$0x1] =	wrdreg $0xFFFFFFFF  }
0xae: {  	[dreg:$0x0] =	wrdreg $0x60  }
0xaf: {  	[dreg:$0x2] =	wrdreg s2  }
0xb0: {  	[dreg:$0x3] =	wrdreg s18  }
0xb1: {  	[dreg:$0x4] =	wrdreg s24  }
0xb2: {  	[dreg:$0x5] =	wrdreg $0x9  }
0xb3: {  	_ =	task.clear_ibuf [dreg:s8], $0x6FFFF;
	_ =	strace $0x90000046  }
0xb4: {  	s29 =	simm.s32 $0x9;
	_ =	strace $0x80000048  }
0xb5: {  	_ =	swait.ge [sflag:s29], $0x1  }
0xb6: {  	[sflag:s29] =	ssyncadd.s32 $0xFFFFFFFF  }
0xb7: {  	_ =	strace $0x90000048  }
0xb8: {  	_ =	sfence  }
0xb9: {  	s30 =	sld [smem:$0x0];
	_ =	sdelay $0x2  }
0xba: {  	s31 =	sshll.u32 s1, $0xD;
	s1 =	sshrl.u32 s1, $0x2  }
0xbb: {  	s3 =	sand.u32 $0x4000, s31;
	s1 =	sadd.s32 s1, s30  }
0xbc: {  	s0 =	sor.u32 s3, s0;
	s1 =	sshll.u32 s1, $0x11  }
0xbd: {  	s0 =	sor.u32 s1, s0  }
0xbe: {  	s0 =	sadd.s32 $0x8F2B, s0  }
0xbf: {  	[sflag:s0] =	ssyncadd.remote.s32 $0x1  }
0xc0: {  	_ =	sfence.sel $0xFFFF  }
0xc1: {  	[dreg:$0x0] =	wrdreg $0xFFFFFFFF;
	(pc) =	sbr.abs _section_cstart, $3  }
0xc2: {  	[dreg:$0x1] =	wrdreg $0xFFFFFFFF  }
0xc3: {  	_ =	task.clear_ibuf [dreg:s8], $0x2FFFF;
	_ =	strace $0x9FFFFFFF  }
0xc4: {  	(tm) =	ssettm $0x7FFFFFFF  }
0xc5: {  	_ =	shalt  }
tec
execute0_lowered:
.L_overlay_start_1:
0x0: {  	(tag) =	ssettag $0x1  }
0x1: {  	s1 =	rddreg [dreg:$0x0]  }
0x2: {  	s0 =	rddreg [dreg:$0x1]  }
0x3: {  	s2 =	rddreg [dreg:$0x2]  }
0x4: {  	s4 =	srdreg.scid;
	s3 =	simm.s32 $0x0;
	s5 =	stileid.u32  }
0x5: {  	s9 =	simm.s32 $0x3;
	s11 =	simm.s32 $0x1080;
	s12 =	simm.s32 $0x1880  }
0x6: {  	s13 =	simm.s32 $0x2080;
	s14 =	simm.s32 $0x2480;
	s15 =	simm.s32 $0x2C80  }
0x7: {  	s16 =	simm.s32 $0x3480;
	s17 =	simm.s32 $0x3C80;
	s18 =	simm.s32 $0x4480  }
0x8: {  	s19 =	simm.s32 $0x4880;
	s20 =	simm.s32 $0x5080;
	s21 =	simm.s32 $0x5880  }
0x9: {  	s22 =	simm.s32 $0x6080;
	s23 =	simm.s32 $0x6880;
	s24 =	simm.s32 $0x6C80  }
0xa: {  	s28 =	simm.s32 $0x8480;
	s10 =	simm.s32 $0x8C80;
	s29 =	simm.s32 $0x9080  }
0xb: {  	s30 =	simm.s32 $0x1;
	s4 =	sand.u32 $0x1, s4;
	[smem:$0x7FF] =	sst s3  }
0xc: {  	s5 =	sshll.u32 s5, $0x5;
	s2 =	sadd.s32 $0x1C00, s2;
	s6 =	sshll.u32 s4, $0x4  }
0xd: {  	_ =	strace $0x80000047;
	s4 =	ssub.s32 $0x2, s4;
	s5 =	sor.u32 s6, s5  }
0xe: {  	s7 =	sshrl.u32 s4, $0x1;
	s6 =	smul.u32 $0x2400, s5;
	s0 =	sadd.s32 s0, s5  }
0xf: {  	s5 =	smul.u32 $0x480, s5;
	s8 =	ssub.s32 s4, s7;
	s4 =	sadd.s32 $0x100, s1  }
0x10: {  	s7 =	sadd.s32 $0x400, s1;
	[dreg:$0x4] =	wrdreg s0;
	s25 =	sshrl.u32 s6, $0x3  }
0x11: {  	s8 =	smax.u32 s8, $0x1;
	s26 =	sadd.s32 s2, s5;
	s0 =	sadd.s32 s2, s25  }
0x12: {  	s5 =	sadd.s32 $0x200, s1;
	[dreg:$0x5] =	wrdreg s26;
	s2 =	sadd.s32 $0x1200, s0  }
0x13: {  	v2 =	vlaneseq.u32;
	s6 =	sadd.s32 $0x300, s1;
	s31 =	sadd.s32 $0x2400, s0;
	[dreg:$0x6] =	wrdreg s2  }
0x14: {  	vm0 =	vmmov $0xffff;
	vm1 =	vmmov $0xff;
	v1 =	vshrl.u32 v2, $0x3;
	s25 =	simm.s32 $0x7480;
	s0 =	sadd.s32 $0x3600, s0;
	[dreg:$0x7] =	wrdreg s31  }
0x15: {  	v0 =	vand.u32 $0x7, v2;
	v2 =	vor.u32 $0x8, v2;
	v1 =	vmul.u32 $0x8, v1;
	s26 =	simm.s32 $0x7C80;
	[dreg:$0x8] =	wrdreg s0;
	s2 =	simm.s32 $0x2  }
.LBB2_1:
0x16: {  	s0 =	rddreg [dreg:$0x4]  }
0x17: {  	[tilespmem:s3], [sflag:$0x3] =	stream.linear.gather [hbm4b:s0+s3], $0x80, $0x38;
	[tilespmem:$0x12080] =	vst v63  }
0x18: {  	_ =	swait.ge [sflag:s9], $0x80  }
0x19: {  	[sflag:s9] =	ssyncset.done $0x0  }
0x1a: {  	[sflag:s9] =	ssyncadd.s32 $0xFFFFFF80  }
0x1b: {  	v3 =	vld [tilespmem:$0x0];
	_ =	sdelay $0x4  }
0x1c: {  	v4 =	vshrl.u32 v3, $0x3  }
0x1d: {  	v4 =	vmul.u32 $0x48, v4  }
0x1e: {  	v3 =	vand.u32 $0x7, v3  }
0x1f: {  	v3 =	vor.u32 v3, v4  }
0x20: {  	v4 =	vperm.xlane v3, v0;
	_ =	sdelay $0x1  }
0x21: {  	v4 =	vadd.s32 v1, v4;
	_ =	sdelay $0x3  }
0x22: {  	s31 =	simm.s32 $0x80  }
0x23: {  	[tilespmem:s31], [sflag:$0x1] =	stream.indirect_vreg.gather [hbm4b:s1+s3], $0x80, v4, vm0, $0xb8;
	[tilespmem:$0x12080] =	vst v63  }
0x24: {  	s31 =	simm.s32 $0x880  }
0x25: {  	[tilespmem:s31], [sflag:$0x1] =	stream.indirect_vreg.gather [hbm4b:s4+s3], $0x80, v4, vm0, $0xb8;
	[tilespmem:$0x12080] =	vst v63  }
0x26: {  	v3 =	vperm.xlane v3, v2  }
0x27: {  	[tilespmem:s11], [sflag:$0x1] =	stream.indirect_vreg.gather [hbm4b:s5+s3], $0x80, v4, vm0, $0xb8;
	[tilespmem:$0x12080] =	vst v63  }
0x28: {  	v3 =	vadd.s32 v1, v3  }
0x29: {  	[tilespmem:s12], [sflag:$0x1] =	stream.indirect_vreg.gather [hbm4b:s6+s3], $0x80, v4, vm0, $0xb8;
	[tilespmem:$0x12080] =	vst v63  }
0x2a: {  	_ = 	snop  }
0x2b: {  	[tilespmem:s13], [sflag:$0x1] =	stream.indirect_vreg.gather [hbm4b:s7+s3], $0x80, v4, vm1, $0xb8;
	[tilespmem:$0x12080] =	vst v63  }
0x2c: {  	_ = 	snop  }
0x2d: {  	[tilespmem:s14], [sflag:$0x1] =	stream.indirect_vreg.gather [hbm4b:s1+s3], $0x80, v3, vm0, $0xb8;
	[tilespmem:$0x12080] =	vst v63  }
0x2e: {  	_ = 	snop  }
0x2f: {  	[tilespmem:s15], [sflag:$0x1] =	stream.indirect_vreg.gather [hbm4b:s4+s3], $0x80, v3, vm0, $0xb8;
	[tilespmem:$0x12080] =	vst v63  }
0x30: {  	_ = 	snop  }
0x31: {  	[tilespmem:s16], [sflag:$0x1] =	stream.indirect_vreg.gather [hbm4b:s5+s3], $0x80, v3, vm0, $0xb8;
	[tilespmem:$0x12080] =	vst v63  }
0x32: {  	_ = 	snop  }
0x33: {  	[tilespmem:s17], [sflag:$0x1] =	stream.indirect_vreg.gather [hbm4b:s6+s3], $0x80, v3, vm0, $0xb8;
	[tilespmem:$0x12080] =	vst v63  }
0x34: {  	_ = 	snop  }
0x35: {  	[tilespmem:s18], [sflag:$0x1] =	stream.indirect_vreg.gather [hbm4b:s7+s3], $0x80, v3, vm1, $0xb8;
	[tilespmem:$0x12080] =	vst v63  }
0x36: {  	v3 =	vld [tilespmem:$0x10];
	_ =	sdelay $0x4  }
0x37: {  	v57 =	vshrl.u32 v3, $0x3  }
0x38: {  	v4 =	vmul.u32 $0x48, v57  }
0x39: {  	v3 =	vand.u32 $0x7, v3  }
0x3a: {  	v3 =	vor.u32 v3, v4  }
0x3b: {  	v4 =	vperm.xlane v3, v0;
	_ =	sdelay $0x1  }
0x3c: {  	v4 =	vadd.s32 v1, v4;
	_ =	sdelay $0x4  }
0x3d: {  	[tilespmem:s19], [sflag:$0x1] =	stream.indirect_vreg.gather [hbm4b:s1+s3], $0x80, v4, vm0, $0xb8;
	[tilespmem:$0x12080] =	vst v63  }
0x3e: {  	_ = 	snop  }
0x3f: {  	[tilespmem:s20], [sflag:$0x1] =	stream.indirect_vreg.gather [hbm4b:s4+s3], $0x80, v4, vm0, $0xb8;
	[tilespmem:$0x12080] =	vst v63  }
0x40: {  	v3 =	vperm.xlane v3, v2  }
0x41: {  	[tilespmem:s21], [sflag:$0x1] =	stream.indirect_vreg.gather [hbm4b:s5+s3], $0x80, v4, vm0, $0xb8;
	[tilespmem:$0x12080] =	vst v63  }
0x42: {  	v3 =	vadd.s32 v1, v3  }
0x43: {  	[tilespmem:s22], [sflag:$0x1] =	stream.indirect_vreg.gather [hbm4b:s6+s3], $0x80, v4, vm0, $0xb8;
	[tilespmem:$0x12080] =	vst v63  }
0x44: {  	_ = 	snop  }
0x45: {  	[tilespmem:s23], [sflag:$0x1] =	stream.indirect_vreg.gather [hbm4b:s7+s3], $0x80, v4, vm1, $0xb8;
	[tilespmem:$0x12080] =	vst v63  }
0x46: {  	_ = 	snop  }
0x47: {  	[tilespmem:s24], [sflag:$0x1] =	stream.indirect_vreg.gather [hbm4b:s1+s3], $0x80, v3, vm0, $0xb8;
	[tilespmem:$0x12080] =	vst v63  }
0x48: {  	_ = 	snop  }
0x49: {  	[tilespmem:s25], [sflag:$0x1] =	stream.indirect_vreg.gather [hbm4b:s4+s3], $0x80, v3, vm0, $0xb8;
	[tilespmem:$0x12080] =	vst v63  }
0x4a: {  	_ = 	snop  }
0x4b: {  	[tilespmem:s26], [sflag:$0x1] =	stream.indirect_vreg.gather [hbm4b:s5+s3], $0x80, v3, vm0, $0xb8;
	[tilespmem:$0x12080] =	vst v63  }
0x4c: {  	_ = 	snop  }
0x4d: {  	[tilespmem:s28], [sflag:$0x1] =	stream.indirect_vreg.gather [hbm4b:s6+s3], $0x80, v3, vm0, $0xb8;
	[tilespmem:$0x12080] =	vst v63  }
0x4e: {  	_ = 	snop  }
0x4f: {  	[tilespmem:s10], [sflag:$0x1] =	stream.indirect_vreg.gather [hbm4b:s7+s3], $0x80, v3, vm1, $0xb8;
	[tilespmem:$0x12080] =	vst v63  }
0x50: {  	v3 =	vld [tilespmem:$0x20];
	_ =	sdelay $0x4  }
0x51: {  	v58 =	vshrl.u32 v3, $0x3  }
0x52: {  	v4 =	vmul.u32 $0x48, v58  }
0x53: {  	v3 =	vand.u32 $0x7, v3  }
0x54: {  	v3 =	vor.u32 v3, v4  }
0x55: {  	v4 =	vperm.xlane v3, v0;
	_ =	sdelay $0x1  }
0x56: {  	v4 =	vadd.s32 v1, v4;
	_ =	sdelay $0x4  }
0x57: {  	[tilespmem:s29], [sflag:$0x2] =	stream.indirect_vreg.gather [hbm4b:s1+s3], $0x80, v4, vm0, $0xb8;
	[tilespmem:$0x12080] =	vst v63  }
0x58: {  	s31 =	simm.s32 $0x9880  }
0x59: {  	[tilespmem:s31], [sflag:$0x2] =	stream.indirect_vreg.gather [hbm4b:s4+s3], $0x80, v4, vm0, $0xb8;
	[tilespmem:$0x12080] =	vst v63  }
0x5a: {  	v3 =	vperm.xlane v3, v2;
	s31 =	simm.s32 $0xA080  }
0x5b: {  	[tilespmem:s31], [sflag:$0x2] =	stream.indirect_vreg.gather [hbm4b:s5+s3], $0x80, v4, vm0, $0xb8;
	[tilespmem:$0x12080] =	vst v63  }
0x5c: {  	v3 =	vadd.s32 v1, v3;
	s31 =	simm.s32 $0xA880  }
0x5d: {  	[tilespmem:s31], [sflag:$0x2] =	stream.indirect_vreg.gather [hbm4b:s6+s3], $0x80, v4, vm0, $0xb8;
	[tilespmem:$0x12080] =	vst v63  }
0x5e: {  	s31 =	simm.s32 $0xB080  }
0x5f: {  	[tilespmem:s31], [sflag:$0x2] =	stream.indirect_vreg.gather [hbm4b:s7+s3], $0x80, v4, vm1, $0xb8;
	[tilespmem:$0x12080] =	vst v63  }
0x60: {  	s31 =	simm.s32 $0xB480  }
0x61: {  	[tilespmem:s31], [sflag:$0x2] =	stream.indirect_vreg.gather [hbm4b:s1+s3], $0x80, v3, vm0, $0xb8;
	[tilespmem:$0x12080] =	vst v63  }
0x62: {  	s31 =	simm.s32 $0xBC80  }
0x63: {  	[tilespmem:s31], [sflag:$0x2] =	stream.indirect_vreg.gather [hbm4b:s4+s3], $0x80, v3, vm0, $0xb8;
	[tilespmem:$0x12080] =	vst v63  }
0x64: {  	s31 =	simm.s32 $0xC480  }
0x65: {  	[tilespmem:s31], [sflag:$0x2] =	stream.indirect_vreg.gather [hbm4b:s5+s3], $0x80, v3, vm0, $0xb8;
	[tilespmem:$0x12080] =	vst v63  }
0x66: {  	s31 =	simm.s32 $0xCC80  }
0x67: {  	[tilespmem:s31], [sflag:$0x2] =	stream.indirect_vreg.gather [hbm4b:s6+s3], $0x80, v3, vm0, $0xb8;
	[tilespmem:$0x12080] =	vst v63  }
0x68: {  	s31 =	simm.s32 $0xD480  }
0x69: {  	[tilespmem:s31], [sflag:$0x2] =	stream.indirect_vreg.gather [hbm4b:s7+s3], $0x80, v3, vm1, $0xb8;
	[tilespmem:$0x12080] =	vst v63  }
0x6a: {  	v3 =	vld [tilespmem:$0x30];
	_ =	sdelay $0x4  }
0x6b: {  	v59 =	vshrl.u32 v3, $0x3  }
0x6c: {  	v4 =	vmul.u32 $0x48, v59  }
0x6d: {  	v3 =	vand.u32 $0x7, v3  }
0x6e: {  	v3 =	vor.u32 v3, v4  }
0x6f: {  	v4 =	vperm.xlane v3, v0;
	_ =	sdelay $0x1  }
0x70: {  	v4 =	vadd.s32 v1, v4;
	_ =	sdelay $0x3  }
0x71: {  	s31 =	simm.s32 $0xD880  }
0x72: {  	[tilespmem:s31], [sflag:$0x2] =	stream.indirect_vreg.gather [hbm4b:s1+s3], $0x80, v4, vm0, $0xb8;
	[tilespmem:$0x12080] =	vst v63  }
0x73: {  	s31 =	simm.s32 $0xE080  }
0x74: {  	[tilespmem:s31], [sflag:$0x2] =	stream.indirect_vreg.gather [hbm4b:s4+s3], $0x80, v4, vm0, $0xb8;
	[tilespmem:$0x12080] =	vst v63  }
0x75: {  	v3 =	vperm.xlane v3, v2;
	s31 =	simm.s32 $0xE880  }
0x76: {  	[tilespmem:s31], [sflag:$0x2] =	stream.indirect_vreg.gather [hbm4b:s5+s3], $0x80, v4, vm0, $0xb8;
	[tilespmem:$0x12080] =	vst v63  }
0x77: {  	v3 =	vadd.s32 v1, v3;
	s31 =	simm.s32 $0xF080  }
0x78: {  	[tilespmem:s31], [sflag:$0x2] =	stream.indirect_vreg.gather [hbm4b:s6+s3], $0x80, v4, vm0, $0xb8;
	[tilespmem:$0x12080] =	vst v63  }
0x79: {  	s31 =	simm.s32 $0xF880  }
0x7a: {  	[tilespmem:s31], [sflag:$0x2] =	stream.indirect_vreg.gather [hbm4b:s7+s3], $0x80, v4, vm1, $0xb8;
	[tilespmem:$0x12080] =	vst v63  }
0x7b: {  	s31 =	simm.s32 $0xFC80  }
0x7c: {  	[tilespmem:s31], [sflag:$0x2] =	stream.indirect_vreg.gather [hbm4b:s1+s3], $0x80, v3, vm0, $0xb8;
	[tilespmem:$0x12080] =	vst v63  }
0x7d: {  	s31 =	simm.s32 $0x10480  }
0x7e: {  	[tilespmem:s31], [sflag:$0x2] =	stream.indirect_vreg.gather [hbm4b:s4+s3], $0x80, v3, vm0, $0xb8;
	[tilespmem:$0x12080] =	vst v63  }
0x7f: {  	s31 =	simm.s32 $0x10C80  }
0x80: {  	[tilespmem:s31], [sflag:$0x2] =	stream.indirect_vreg.gather [hbm4b:s5+s3], $0x80, v3, vm0, $0xb8;
	[tilespmem:$0x12080] =	vst v63  }
0x81: {  	s31 =	simm.s32 $0x11480  }
0x82: {  	[tilespmem:s31], [sflag:$0x2] =	stream.indirect_vreg.gather [hbm4b:s6+s3], $0x80, v3, vm0, $0xb8;
	[tilespmem:$0x12080] =	vst v63  }
0x83: {  	s31 =	simm.s32 $0x11C80  }
0x84: {  	[tilespmem:s31], [sflag:$0x2] =	stream.indirect_vreg.gather [hbm4b:s7+s3], $0x80, v3, vm1, $0xb8;
	[tilespmem:$0x12080] =	vst v63  }
0x85: {  	_ =	swait.ge [sflag:s30], $0x9000  }
0x86: {  	[sflag:s30] =	ssyncset.done $0x0  }
0x87: {  	s31 =	simm.s32 $0x80;
	s0 =	rddreg [dreg:$0x5];
	[sflag:s30] =	ssyncadd.s32 $0xFFFF7000  }
0x88: {  	[hbm4b:s0+s3] =	stream.linear.scatter [tilespmem:s31], [sflag:$0x3], $0x9000, $0x38;
	[tilespmem:$0x12080] =	vst v63  }
0x89: {  	_ =	swait.ge [sflag:s9], $0x9000  }
0x8a: {  	[sflag:s9] =	ssyncset.done $0x0  }
0x8b: {  	[sflag:s9] =	ssyncadd.s32 $0xFFFF7000  }
0x8c: {  	v3 =	vld [tilespmem:$0x40];
	_ =	sdelay $0x4  }
0x8d: {  	v60 =	vshrl.u32 v3, $0x3  }
0x8e: {  	v4 =	vmul.u32 $0x48, v60  }
0x8f: {  	v3 =	vand.u32 $0x7, v3  }
0x90: {  	v3 =	vor.u32 v3, v4  }
0x91: {  	v4 =	vperm.xlane v3, v0;
	_ =	sdelay $0x1  }
0x92: {  	v4 =	vadd.s32 v1, v4;
	_ =	sdelay $0x4  }
0x93: {  	[tilespmem:s31], [sflag:$0x1] =	stream.indirect_vreg.gather [hbm4b:s1+s3], $0x80, v4, vm0, $0xb8;
	[tilespmem:$0x12080] =	vst v63  }
0x94: {  	s0 =	simm.s32 $0x880  }
0x95: {  	[tilespmem:s0], [sflag:$0x1] =	stream.indirect_vreg.gather [hbm4b:s4+s3], $0x80, v4, vm0, $0xb8;
	[tilespmem:$0x12080] =	vst v63  }
0x96: {  	v3 =	vperm.xlane v3, v2  }
0x97: {  	[tilespmem:s11], [sflag:$0x1] =	stream.indirect_vreg.gather [hbm4b:s5+s3], $0x80, v4, vm0, $0xb8;
	[tilespmem:$0x12080] =	vst v63  }
0x98: {  	v3 =	vadd.s32 v1, v3  }
0x99: {  	[tilespmem:s12], [sflag:$0x1] =	stream.indirect_vreg.gather [hbm4b:s6+s3], $0x80, v4, vm0, $0xb8;
	[tilespmem:$0x12080] =	vst v63  }
0x9a: {  	_ = 	snop  }
0x9b: {  	[tilespmem:s13], [sflag:$0x1] =	stream.indirect_vreg.gather [hbm4b:s7+s3], $0x80, v4, vm1, $0xb8;
	[tilespmem:$0x12080] =	vst v63  }
0x9c: {  	_ = 	snop  }
0x9d: {  	[tilespmem:s14], [sflag:$0x1] =	stream.indirect_vreg.gather [hbm4b:s1+s3], $0x80, v3, vm0, $0xb8;
	[tilespmem:$0x12080] =	vst v63  }
0x9e: {  	_ = 	snop  }
0x9f: {  	[tilespmem:s15], [sflag:$0x1] =	stream.indirect_vreg.gather [hbm4b:s4+s3], $0x80, v3, vm0, $0xb8;
	[tilespmem:$0x12080] =	vst v63  }
0xa0: {  	_ = 	snop  }
0xa1: {  	[tilespmem:s16], [sflag:$0x1] =	stream.indirect_vreg.gather [hbm4b:s5+s3], $0x80, v3, vm0, $0xb8;
	[tilespmem:$0x12080] =	vst v63  }
0xa2: {  	_ = 	snop  }
0xa3: {  	[tilespmem:s17], [sflag:$0x1] =	stream.indirect_vreg.gather [hbm4b:s6+s3], $0x80, v3, vm0, $0xb8;
	[tilespmem:$0x12080] =	vst v63  }
0xa4: {  	_ = 	snop  }
0xa5: {  	[tilespmem:s18], [sflag:$0x1] =	stream.indirect_vreg.gather [hbm4b:s7+s3], $0x80, v3, vm1, $0xb8;
	[tilespmem:$0x12080] =	vst v63  }
0xa6: {  	v3 =	vld [tilespmem:$0x50];
	_ =	sdelay $0x4  }
0xa7: {  	v61 =	vshrl.u32 v3, $0x3  }
0xa8: {  	v4 =	vmul.u32 $0x48, v61  }
0xa9: {  	v3 =	vand.u32 $0x7, v3  }
0xaa: {  	v3 =	vor.u32 v3, v4  }
0xab: {  	v4 =	vperm.xlane v3, v0;
	_ =	sdelay $0x1  }
0xac: {  	v4 =	vadd.s32 v1, v4;
	_ =	sdelay $0x4  }
0xad: {  	[tilespmem:s19], [sflag:$0x1] =	stream.indirect_vreg.gather [hbm4b:s1+s3], $0x80, v4, vm0, $0xb8;
	[tilespmem:$0x12080] =	vst v63  }
0xae: {  	_ = 	snop  }
0xaf: {  	[tilespmem:s20], [sflag:$0x1] =	stream.indirect_vreg.gather [hbm4b:s4+s3], $0x80, v4, vm0, $0xb8;
	[tilespmem:$0x12080] =	vst v63  }
0xb0: {  	v3 =	vperm.xlane v3, v2  }
0xb1: {  	[tilespmem:s21], [sflag:$0x1] =	stream.indirect_vreg.gather [hbm4b:s5+s3], $0x80, v4, vm0, $0xb8;
	[tilespmem:$0x12080] =	vst v63  }
0xb2: {  	v3 =	vadd.s32 v1, v3  }
0xb3: {  	[tilespmem:s22], [sflag:$0x1] =	stream.indirect_vreg.gather [hbm4b:s6+s3], $0x80, v4, vm0, $0xb8;
	[tilespmem:$0x12080] =	vst v63  }
0xb4: {  	_ = 	snop  }
0xb5: {  	[tilespmem:s23], [sflag:$0x1] =	stream.indirect_vreg.gather [hbm4b:s7+s3], $0x80, v4, vm1, $0xb8;
	[tilespmem:$0x12080] =	vst v63  }
0xb6: {  	_ = 	snop  }
0xb7: {  	[tilespmem:s24], [sflag:$0x1] =	stream.indirect_vreg.gather [hbm4b:s1+s3], $0x80, v3, vm0, $0xb8;
	[tilespmem:$0x12080] =	vst v63  }
0xb8: {  	_ = 	snop  }
0xb9: {  	[tilespmem:s25], [sflag:$0x1] =	stream.indirect_vreg.gather [hbm4b:s4+s3], $0x80, v3, vm0, $0xb8;
	[tilespmem:$0x12080] =	vst v63  }
0xba: {  	_ = 	snop  }
0xbb: {  	[tilespmem:s26], [sflag:$0x1] =	stream.indirect_vreg.gather [hbm4b:s5+s3], $0x80, v3, vm0, $0xb8;
	[tilespmem:$0x12080] =	vst v63  }
0xbc: {  	_ = 	snop  }
0xbd: {  	[tilespmem:s28], [sflag:$0x1] =	stream.indirect_vreg.gather [hbm4b:s6+s3], $0x80, v3, vm0, $0xb8;
	[tilespmem:$0x12080] =	vst v63  }
0xbe: {  	_ = 	snop  }
0xbf: {  	[tilespmem:s10], [sflag:$0x1] =	stream.indirect_vreg.gather [hbm4b:s7+s3], $0x80, v3, vm1, $0xb8;
	[tilespmem:$0x12080] =	vst v63  }
0xc0: {  	_ =	swait.ge [sflag:s2], $0x9000  }
0xc1: {  	[sflag:s2] =	ssyncset.done $0x0  }
0xc2: {  	s0 =	rddreg [dreg:$0x6];
	[sflag:s2] =	ssyncadd.s32 $0xFFFF7000  }
0xc3: {  	[hbm4b:s0+s3] =	stream.linear.scatter [tilespmem:s29], [sflag:$0x3], $0x9000, $0x38;
	[tilespmem:$0x12080] =	vst v63  }
0xc4: {  	_ =	swait.ge [sflag:s9], $0x9000  }
0xc5: {  	[sflag:s9] =	ssyncset.done $0x0  }
0xc6: {  	[sflag:s9] =	ssyncadd.s32 $0xFFFF7000  }
0xc7: {  	v3 =	vld [tilespmem:$0x60];
	_ =	sdelay $0x4  }
0xc8: {  	v62 =	vshrl.u32 v3, $0x3  }
0xc9: {  	v4 =	vmul.u32 $0x48, v62  }
0xca: {  	v3 =	vand.u32 $0x7, v3  }
0xcb: {  	v3 =	vor.u32 v3, v4  }
0xcc: {  	v4 =	vperm.xlane v3, v0;
	_ =	sdelay $0x1  }
0xcd: {  	v4 =	vadd.s32 v1, v4;
	_ =	sdelay $0x4  }
0xce: {  	[tilespmem:s29], [sflag:$0x2] =	stream.indirect_vreg.gather [hbm4b:s1+s3], $0x80, v4, vm0, $0xb8;
	[tilespmem:$0x12080] =	vst v63  }
0xcf: {  	s0 =	simm.s32 $0x9880  }
0xd0: {  	[tilespmem:s0], [sflag:$0x2] =	stream.indirect_vreg.gather [hbm4b:s4+s3], $0x80, v4, vm0, $0xb8;
	[tilespmem:$0x12080] =	vst v63  }
0xd1: {  	v3 =	vperm.xlane v3, v2;
	s0 =	simm.s32 $0xA080  }
0xd2: {  	[tilespmem:s0], [sflag:$0x2] =	stream.indirect_vreg.gather [hbm4b:s5+s3], $0x80, v4, vm0, $0xb8;
	[tilespmem:$0x12080] =	vst v63  }
0xd3: {  	v3 =	vadd.s32 v1, v3;
	s0 =	simm.s32 $0xA880  }
0xd4: {  	[tilespmem:s0], [sflag:$0x2] =	stream.indirect_vreg.gather [hbm4b:s6+s3], $0x80, v4, vm0, $0xb8;
	[tilespmem:$0x12080] =	vst v63  }
0xd5: {  	s0 =	simm.s32 $0xB080  }
0xd6: {  	[tilespmem:s0], [sflag:$0x2] =	stream.indirect_vreg.gather [hbm4b:s7+s3], $0x80, v4, vm1, $0xb8;
	[tilespmem:$0x12080] =	vst v63  }
0xd7: {  	s0 =	simm.s32 $0xB480  }
0xd8: {  	[tilespmem:s0], [sflag:$0x2] =	stream.indirect_vreg.gather [hbm4b:s1+s3], $0x80, v3, vm0, $0xb8;
	[tilespmem:$0x12080] =	vst v63  }
0xd9: {  	s0 =	simm.s32 $0xBC80  }
0xda: {  	[tilespmem:s0], [sflag:$0x2] =	stream.indirect_vreg.gather [hbm4b:s4+s3], $0x80, v3, vm0, $0xb8;
	[tilespmem:$0x12080] =	vst v63  }
0xdb: {  	s0 =	simm.s32 $0xC480  }
0xdc: {  	[tilespmem:s0], [sflag:$0x2] =	stream.indirect_vreg.gather [hbm4b:s5+s3], $0x80, v3, vm0, $0xb8;
	[tilespmem:$0x12080] =	vst v63  }
0xdd: {  	s0 =	simm.s32 $0xCC80  }
0xde: {  	[tilespmem:s0], [sflag:$0x2] =	stream.indirect_vreg.gather [hbm4b:s6+s3], $0x80, v3, vm0, $0xb8;
	[tilespmem:$0x12080] =	vst v63  }
0xdf: {  	s0 =	simm.s32 $0xD480  }
0xe0: {  	[tilespmem:s0], [sflag:$0x2] =	stream.indirect_vreg.gather [hbm4b:s7+s3], $0x80, v3, vm1, $0xb8;
	[tilespmem:$0x12080] =	vst v63  }
0xe1: {  	v3 =	vld [tilespmem:$0x70];
	_ =	sdelay $0x4  }
0xe2: {  	v63 =	vshrl.u32 v3, $0x3  }
0xe3: {  	v4 =	vmul.u32 $0x48, v63  }
0xe4: {  	v3 =	vand.u32 $0x7, v3  }
0xe5: {  	v3 =	vor.u32 v3, v4  }
0xe6: {  	v4 =	vperm.xlane v3, v0;
	_ =	sdelay $0x1  }
0xe7: {  	v4 =	vadd.s32 v1, v4;
	_ =	sdelay $0x3  }
0xe8: {  	s0 =	simm.s32 $0xD880  }
0xe9: {  	[tilespmem:s0], [sflag:$0x2] =	stream.indirect_vreg.gather [hbm4b:s1+s3], $0x80, v4, vm0, $0xb8;
	[tilespmem:$0x12080] =	vst v63  }
0xea: {  	s0 =	simm.s32 $0xE080  }
0xeb: {  	[tilespmem:s0], [sflag:$0x2] =	stream.indirect_vreg.gather [hbm4b:s4+s3], $0x80, v4, vm0, $0xb8;
	[tilespmem:$0x12080] =	vst v63  }
0xec: {  	v3 =	vperm.xlane v3, v2;
	s0 =	simm.s32 $0xE880  }
0xed: {  	[tilespmem:s0], [sflag:$0x2] =	stream.indirect_vreg.gather [hbm4b:s5+s3], $0x80, v4, vm0, $0xb8;
	[tilespmem:$0x12080] =	vst v63  }
0xee: {  	v3 =	vadd.s32 v1, v3;
	s0 =	simm.s32 $0xF080  }
0xef: {  	[tilespmem:s0], [sflag:$0x2] =	stream.indirect_vreg.gather [hbm4b:s6+s3], $0x80, v4, vm0, $0xb8;
	[tilespmem:$0x12080] =	vst v63  }
0xf0: {  	s0 =	simm.s32 $0xF880  }
0xf1: {  	[tilespmem:s0], [sflag:$0x2] =	stream.indirect_vreg.gather [hbm4b:s7+s3], $0x80, v4, vm1, $0xb8;
	[tilespmem:$0x12080] =	vst v63  }
0xf2: {  	s0 =	simm.s32 $0xFC80  }
0xf3: {  	[tilespmem:s0], [sflag:$0x2] =	stream.indirect_vreg.gather [hbm4b:s1+s3], $0x80, v3, vm0, $0xb8;
	[tilespmem:$0x12080] =	vst v63  }
0xf4: {  	s0 =	simm.s32 $0x10480  }
0xf5: {  	[tilespmem:s0], [sflag:$0x2] =	stream.indirect_vreg.gather [hbm4b:s4+s3], $0x80, v3, vm0, $0xb8;
	[tilespmem:$0x12080] =	vst v63  }
0xf6: {  	s0 =	simm.s32 $0x10C80  }
0xf7: {  	[tilespmem:s0], [sflag:$0x2] =	stream.indirect_vreg.gather [hbm4b:s5+s3], $0x80, v3, vm0, $0xb8;
	[tilespmem:$0x12080] =	vst v63  }
0xf8: {  	s0 =	simm.s32 $0x11480  }
0xf9: {  	[tilespmem:s0], [sflag:$0x2] =	stream.indirect_vreg.gather [hbm4b:s6+s3], $0x80, v3, vm0, $0xb8;
	[tilespmem:$0x12080] =	vst v63  }
0xfa: {  	s0 =	simm.s32 $0x11C80  }
0xfb: {  	[tilespmem:s0], [sflag:$0x2] =	stream.indirect_vreg.gather [hbm4b:s7+s3], $0x80, v3, vm1, $0xb8;
	[tilespmem:$0x12080] =	vst v63  }
0xfc: {  	_ =	swait.ge [sflag:s30], $0x9000  }
0xfd: {  	[sflag:s30] =	ssyncset.done $0x0  }
0xfe: {  	s31 =	simm.s32 $0x80;
	s0 =	rddreg [dreg:$0x7];
	[sflag:s30] =	ssyncadd.s32 $0xFFFF7000  }
0xff: {  	[hbm4b:s0+s3] =	stream.linear.scatter [tilespmem:s31], [sflag:$0x3], $0x9000, $0x38;
	[tilespmem:$0x12080] =	vst v63  }
0x100: {  	_ =	swait.ge [sflag:s9], $0x9000  }
0x101: {  	[sflag:s9] =	ssyncset.done $0x0  }
0x102: {  	[sflag:s9] =	ssyncadd.s32 $0xFFFF7000  }
0x103: {  	_ =	swait.ge [sflag:s2], $0x9000  }
0x104: {  	p0 =	sne.s32 s8, $0x1;
	[sflag:s2] =	ssyncset.done $0x0  }
.Ltmp0:
0x105: {  	s31 =	rddreg [dreg:$0x8];
	[sflag:s2] =	ssyncadd.s32 $0xFFFF7000;
	(pc) =	sbr.rel @p0 .LBB2_1-.Ltmp0, $4  }
0x106: {  	[hbm4b:s31+s3] =	stream.linear.scatter [tilespmem:s29], [sflag:$0x3], $0x9000, $0x38;
	[tilespmem:$0x12080] =	vst v63  }
0x107: {  	_ =	swait.ge [sflag:s9], $0x9000  }
0x108: {  	[sflag:s9] =	ssyncset.done $0x0  }
0x109: {  	s8 =	sadd.s32 $0xFFFFFFFF, s8;
	[sflag:s9] =	ssyncadd.s32 $0xFFFF7000  }
0x10a: {  	_ =	sfence.sel $0x180000  }
0x10b: {  	[bflag:$0x0] =	sbarrier.arrive $0xFFFF  }
0x10c: {  	_ =	strace $0x90000047  }
0x10d: {  	s0 =	stileid.u32;
	[bflag:$0x2] =	sbarrier.arrive $0xFFFF  }
0x10e: {  	p0 =	sne.s32 s0, $0x0;
	s0 =	rddreg [dreg:$0x3]  }
0x10f: {  	s0 =	sadd.s32 @!p0 $0x100000, s0  }
0x110: {  	[sflag:s0] =	ssyncadd.tile.s32 @!p0 $0x1;
	_ =	shalt  }
.Lfunc_end2:
_tile_overlayer_lowered:
.L_overlay_start_2:
0x111: {  	(tag) =	ssettag $0x2  }
0x112: {  	s0 =	rddreg [dreg:$0x0];
	s2 =	stileid.u32  }
0x113: {  	s1 =	rddreg [dreg:$0x1];
	p0 =	sne.s32 s2, $0x0  }
0x114: {  	s3 =	rddreg [dreg:$0x2];
	[bflag:$0x3] =	sbarrier.arrive $0xFFFF;
	s2 =	simm.s32 @!p0 $0x1C03  }
0x115: {  	[timem:s3], [sflag:s2] =	dma.local @!p0 [hbm:s0], s1  }
0x116: {  	s0 =	simm.s32 @!p0 $0x3  }
0x117: {  	_ =	swait.ge @!p0 [sflag:s0], s1  }
0x118: {  	s1 =	ssub.s32 @!p0 $0x0, s1;
	[sflag:s0] =	ssyncset.done @!p0 $0x0  }
0x119: {  	[sflag:s0] =	ssyncadd.s32 @!p0 s1  }
0x11a: {  	[bflag:$0x3] =	sbarrier.arrive $0xFFFF  }
0x11b: {  	_ =	shalt  }

// kernel: kernel.13.cloned.1.call-start
scs
__scs_entry_jumppad:
0x0: {  	(pc) =	sbr.rel $0x88, $3  }
0x1: {  	(tag) =	ssettag $0x0;
	lr =	simm.s32 $0x1  }
0x2: {  	[smem:$0x3F9D] =	sst lr;
	_ =	strace $0xD0000000  }
0x3: {  	_ = 	snop  }
0x4: {  	_ = 	snop  }
0x5: {  	_ = 	snop  }
0x6: {  	_ = 	snop  }
0x7: {  	_ = 	snop  }
__scs_overlays_trampoline_lowered:
0x8: {  	[smem:$0x3FAC] =	sst s0  }
0x9: {  	[smem:$0x3FAD] =	sst s1  }
0xa: {  	[smem:$0x3FAE] =	sst s2  }
0xb: {  	[smem:$0x3FAF] =	sst s3  }
0xc: {  	[smem:$0x3FB0] =	sst s4  }
0xd: {  	[smem:$0x3FB1] =	sst s5  }
0xe: {  	[smem:$0x3FB2] =	sst s6  }
0xf: {  	[smem:$0x3FB3] =	sst s7  }
0x10: {  	[smem:$0x3FB4] =	sst s8  }
0x11: {  	[smem:$0x3FB5] =	sst s9;
	s0 =	simm.s32 @!p0 $0x0  }
0x12: {  	s1 =	sld [smem:$0x3F9B];
	s0 =	simm.s32 @p0 $0x1  }
0x13: {  	[smem:$0x3FB6] =	sst s0;
	s0 =	simm.s32 @!p1 $0x0  }
0x14: {  	s2 =	sld [smem:$0x3F9A];
	s0 =	simm.s32 @p1 $0x1  }
0x15: {  	[smem:$0x3FB7] =	sst s0;
	s0 =	simm.s32 @!p2 $0x0  }
0x16: {  	s3 =	sld [smem:$0x3FDB];
	s0 =	simm.s32 @p2 $0x1  }
0x17: {  	s4 =	simm.s32 $0x1BF5;
	[smem:$0x3FB9] =	sst s0  }
0x18: {  	s0 =	sld [smem:$0x3F9C];
	_ =	swait.ge [sflag:s4], $0x0  }
0x19: {  	s7 =	sld [smem:$0x3F9D]  }
0x1a: {  	s8 =	sadd.s32 $0xFFFFE003, lr  }
0x1b: {  	s9 =	sadd.s32 $0xFFFFFEF7, lr;
	s5 =	simm.s32 $0xFFFFFFFF;
	p2 =	slt.u32 s8, $0xFFFFF086  }
0x1c: {  	p1 =	slt.u32 s9, $0xF7A;
	s5 =	simm.s32 @!p2 $0x0  }
0x1d: {  	s5 =	simm.s32 @p1 $0x1;
	p0 =	seq.s32 s7, s2  }
0x1e: {  	s7 =	smul.u32 @!p0 $0xF7A, s2;
	p2 =	seq.s32 @!p0 s5, $0x0  }
0x1f: {  	s9 =	smul.u32 $0xF7A, s1;
	s8 =	simm.s32 @!p0 $0x1BF5;
	p2 =	por !p2, p0  }
0x20: {  	[sflag:s8] =	ssyncset.s32 @!p0 $0xFFFFF086;
	s6 =	sadd.s32 @!p0 s3, s7;
	s7 =	simm.s32 @!p0 $0x108  }
0x21: {  	s3 =	sadd.s32 s3, s9;
	s6 =	sadd.s32 @!p0 $0x88, s6;
	s7 =	simm.s32 @p2 $0x1082  }
0x22: {  	[simem:s7], [sflag:s8] =	dma.local @!p0 [hbm:s6], $0xF7A  }
0x23: {  	s9 =	sor.u32 $0xD0000000, s2;
	s6 =	simm.s32 $0x108;
	_ =	swait.ge @!p0 [sflag:s8], $0x0  }
0x24: {  	s3 =	sadd.s32 $0x88, s3;
	s6 =	simm.s32 @!p1 $0x1082;
	[sflag:s4] =	ssyncset.s32 $0xFFFFF086  }
0x25: {  	[simem:s6], [sflag:s4] =	dma.local [hbm:s3], $0xF7A  }
0x26: {  	[smem:$0x3F9D] =	sst s1;
	(tag) =	ssettag s2;
	_ =	strace s9  }
0x27: {  	s1 =	sld [smem:$0x3FAD]  }
0x28: {  	s2 =	sld [smem:$0x3FAE]  }
0x29: {  	s4 =	sld [smem:$0x3FB0]  }
0x2a: {  	p0 =	seq.s32 s5, $0x0;
	s5 =	sld [smem:$0x3FB1]  }
0x2b: {  	s6 =	sld [smem:$0x3FB2]  }
0x2c: {  	s7 =	sld [smem:$0x3FB3]  }
0x2d: {  	s3 =	simm.s32 $0x108;
	s8 =	sld [smem:$0x3FB4]  }
0x2e: {  	s3 =	simm.s32 @!p0 $0x1082;
	s9 =	sld [smem:$0x3FB5]  }
0x2f: {  	lr =	sadd.s32 s0, s3;
	s0 =	sld [smem:$0x3FAC]  }
0x30: {  	s3 =	sld [smem:$0x3FAF]  }
0x31: {  	[smem:$0x3FB8] =	sst s10  }
0x32: {  	s10 =	sld [smem:$0x3FB6];
	_ =	sdelay $0x3  }
0x33: {  	p0 =	seq.s32 s10, $0x1;
	s10 =	sld [smem:$0x3FB8];
	_ =	sdelay $0x3  }
0x34: {  	[smem:$0x3FB8] =	sst s10  }
0x35: {  	s10 =	sld [smem:$0x3FB7];
	_ =	sdelay $0x3  }
0x36: {  	p1 =	seq.s32 s10, $0x1;
	s10 =	sld [smem:$0x3FB8];
	_ =	sdelay $0x3  }
0x37: {  	[smem:$0x3FB8] =	sst s10  }
0x38: {  	s10 =	sld [smem:$0x3FB9]  }
0x39: {  	_ = 	snop;
	(pc) =	sbr.ind lr, $3  }
0x3a: {  	_ = 	snop  }
0x3b: {  	_ = 	snop  }
0x3c: {  	p2 =	seq.s32 s10, $0x1;
	s10 =	sld [smem:$0x3FB8]  }
0x3d: {  	_ =	shalt  }
0x3e: {  	_ =	shalt  }
0x3f: {  	_ =	shalt  }
0x40: {  	_ =	shalt  }
0x41: {  	_ =	shalt  }
0x42: {  	_ =	shalt  }
0x43: {  	_ =	shalt  }
0x44: {  	_ =	shalt  }
0x45: {  	_ =	shalt  }
0x46: {  	_ =	shalt  }
0x47: {  	_ =	shalt  }
0x48: {  	_ =	shalt  }
0x49: {  	_ =	shalt  }
0x4a: {  	_ =	shalt  }
0x4b: {  	_ =	shalt  }
0x4c: {  	_ =	shalt  }
0x4d: {  	_ =	shalt  }
0x4e: {  	_ =	shalt  }
0x4f: {  	_ =	shalt  }
0x50: {  	_ =	shalt  }
0x51: {  	_ =	shalt  }
0x52: {  	_ =	shalt  }
0x53: {  	_ =	shalt  }
0x54: {  	_ =	shalt  }
0x55: {  	_ =	shalt  }
0x56: {  	_ =	shalt  }
0x57: {  	_ =	shalt  }
0x58: {  	_ =	shalt  }
0x59: {  	_ =	shalt  }
0x5a: {  	_ =	shalt  }
0x5b: {  	_ =	shalt  }
0x5c: {  	_ =	shalt  }
0x5d: {  	_ =	shalt  }
0x5e: {  	_ =	shalt  }
0x5f: {  	_ =	shalt  }
0x60: {  	_ =	shalt  }
0x61: {  	_ =	shalt  }
0x62: {  	_ =	shalt  }
0x63: {  	_ =	shalt  }
0x64: {  	_ =	shalt  }
0x65: {  	_ =	shalt  }
0x66: {  	_ =	shalt  }
0x67: {  	_ =	shalt  }
0x68: {  	_ =	shalt  }
0x69: {  	_ =	shalt  }
0x6a: {  	_ =	shalt  }
0x6b: {  	_ =	shalt  }
0x6c: {  	_ =	shalt  }
0x6d: {  	_ =	shalt  }
0x6e: {  	_ =	shalt  }
0x6f: {  	_ =	shalt  }
0x70: {  	_ =	shalt  }
0x71: {  	_ =	shalt  }
0x72: {  	_ =	shalt  }
0x73: {  	_ =	shalt  }
0x74: {  	_ =	shalt  }
0x75: {  	_ =	shalt  }
0x76: {  	_ =	shalt  }
0x77: {  	_ =	shalt  }
0x78: {  	_ =	shalt  }
0x79: {  	_ =	shalt  }
0x7a: {  	_ =	shalt  }
0x7b: {  	_ =	shalt  }
0x7c: {  	_ =	shalt  }
0x7d: {  	_ =	shalt  }
0x7e: {  	_ =	shalt  }
0x7f: {  	_ =	shalt  }
0x80: {  	_ =	shalt  }
0x81: {  	_ =	shalt  }
0x82: {  	_ =	shalt  }
0x83: {  	_ =	shalt  }
0x84: {  	_ =	shalt  }
0x85: {  	_ =	shalt  }
0x86: {  	_ =	shalt  }
0x87: {  	_ =	shalt  }
.Lfunc_end0:
.L_simem_size_0:
called_computation.1_lowered:
.L_overlay_start_0:
0x88: {  	s2 =	sld [smem:$0x3FD9]  }
0x89: {  	s3 =	sld [smem:$0x3FFE];
	_ =	sdelay $0x1  }
0x8a: {  	s1 =	srdreg.scid  }
0x8b: {  	s0 =	sand.u32 $0x1, s1  }
0x8c: {  	s17 =	sshll.u32 s0, $0xA;
	s2 =	sadd.s32 s3, s2  }
0x8d: {  	s2 =	sadd.s32 s2, s17  }
0x8e: {  	[smem:$0x3FC4] =	sst s2  }
0x8f: {  	_ = 	snop  }
0x90: {  	s18 =	sld [smem:$0x3FC8];
	(tm) =	ssettm $0x1  }
0x91: {  	s19 =	sld [smem:$0x3FFB];
	_ =	sdelay $0x3  }
0x92: {  	_ =	strace s19  }
0x93: {  	s2 =	sld [smem:$0x3FFC];
	_ =	sdelay $0x3  }
0x94: {  	_ =	strace s2  }
0x95: {  	s2 =	sld [smem:$0x3FFD];
	_ =	sdelay $0x3  }
0x96: {  	_ =	strace s2  }
0x97: {  	_ =	strace $0x8FFFFFFF  }
0x98: {  	s20 =	sld [smem:$0x3FDB];
	_ =	sdelay $0x1  }
0x99: {  	s4 =	simm.s32 $_scs_section_size  }
0x9a: {  	s5 =	simm.s32 $_size__tile_overlayer_lowered;
	s6 =	simm.s32 $_tile_overlayer_lowered  }
0x9b: {  	s7 =	simm.s32 $0x1BFF;
	s21 =	sshll.u32 s6, $0x1;
	s4 =	sadd.s32 s4, s20  }
0x9c: {  	s22 =	simm.s32 $0x0;
	s5 =	sshll.u32 s5, $0x1;
	s6 =	sadd.s32 s21, s4  }
0x9d: {  	[timem:s22], [sflag:s7] =	dma.local [hbm:s6], s5  }
0x9e: {  	_ =	swait.ge [sflag:s7], s5  }
0x9f: {  	s5 =	ssub.s32 $0x0, s5;
	[sflag:s7] =	ssyncset.done $0x0  }
0xa0: {  	[sflag:s7] =	ssyncadd.s32 s5;
	_ =	sdelay $0x1  }
0xa1: {  	s23 =	simm.s32 $0x1B8B  }
0xa2: {  	_ =	swait.ge [sflag:s23], $0x1  }
0xa3: {  	[sflag:s23] =	ssyncset.done $0x0  }
0xa4: {  	[sflag:s23] =	ssyncadd.s32 $0xFFFFFFFF  }
0xa5: {  	s5 =	sld [smem:$0x0]  }
0xa6: {  	s6 =	sand.u32 $0xFFFFFFFE, s1  }
0xa7: {  	p0 =	sne.s32 s1, s6  }
0xa8: {  	s6 =	sshll.u32 @p0 s6, $0xE  }
0xa9: {  	s6 =	sadd.s32 @p0 $0x11B8D, s6;
	s7 =	sshll.u32 @p0 s5, $0x11  }
0xaa: {  	s6 =	sor.u32 @p0 s7, s6  }
0xab: {  	[sflag:s6] =	ssyncadd.remote.s32 @p0 $0x1;
	_ =	sdelay $0x1  }
0xac: {  	s6 =	simm.s32 @p0 $0x1B8D  }
0xad: {  	_ =	swait.eq @p0 [sflag:s6], $0x1  }
0xae: {  	[sflag:s6] =	ssyncadd.s32 @p0 $0xFFFFFFFF  }
0xaf: {  	s7 =	sshll.u32 @!p0 s1, $0xE  }
0xb0: {  	s7 =	sor.u32 @!p0 $0x4000, s7;
	s6 =	simm.s32 @!p0 $0x1B8D  }
0xb1: {  	s5 =	sshll.u32 @!p0 s5, $0x11;
	s7 =	sadd.s32 @!p0 $0x11B8D, s7;
	_ =	swait.eq @!p0 [sflag:s6], $0x1  }
0xb2: {  	s5 =	sor.u32 @!p0 s5, s7;
	[sflag:s6] =	ssyncadd.s32 @!p0 $0xFFFFFFFF  }
0xb3: {  	s25 =	simm.s32 $0x1B8E;
	s24 =	sld [smem:$0x3FFE];
	[sflag:s5] =	ssyncadd.remote.s32 @!p0 $0x1  }
0xb4: {  	s26 =	simm.s32 $execute0_lowered;
	[smem:$0x3FD2] =	sst s25  }
0xb5: {  	s6 =	sshll.u32 s26, $0x1;
	_ =	strace $0x80000049;
	[dreg:$0x1] =	wrdreg $0xFFFFFFFF  }
0xb6: {  	s28 =	simm.s32 $_size_execute0_lowered;
	s4 =	sadd.s32 s4, s6;
	[dreg:$0x0] =	wrdreg $0x0  }
0xb7: {  	s6 =	sshll.u32 s28, $0x1;
	[dreg:$0x2] =	wrdreg s4  }
0xb8: {  	[dreg:$0x3] =	wrdreg s6  }
0xb9: {  	[dreg:$0x4] =	wrdreg $0xC0  }
0xba: {  	_ =	task [dreg:s22], $0x5FFFF  }
0xbb: {  	[dreg:$0x1] =	wrdreg $0xFFFFFFFF  }
0xbc: {  	[dreg:$0x0] =	wrdreg $0x60  }
0xbd: {  	[dreg:$0x2] =	wrdreg s18  }
0xbe: {  	[dreg:$0x3] =	wrdreg s24  }
0xbf: {  	[dreg:$0x4] =	wrdreg $0xA  }
0xc0: {  	_ =	task.clear_ibuf [dreg:s22], $0x5FFFF;
	_ =	strace $0x90000049  }
0xc1: {  	s29 =	simm.s32 $0xA;
	_ =	strace $0x8000004B  }
0xc2: {  	_ =	swait.ge [sflag:s29], $0x1  }
0xc3: {  	[sflag:s29] =	ssyncadd.s32 $0xFFFFFFFF  }
0xc4: {  	_ =	strace $0x9000004B  }
0xc5: {  	_ =	sfence  }
0xc6: {  	s30 =	sld [smem:$0x0];
	_ =	sdelay $0x2  }
0xc7: {  	s31 =	sshll.u32 s1, $0xD;
	s1 =	sshrl.u32 s1, $0x2  }
0xc8: {  	s4 =	sand.u32 $0x4000, s31;
	s1 =	sadd.s32 s1, s30  }
0xc9: {  	s0 =	sor.u32 s4, s0;
	s1 =	sshll.u32 s1, $0x11  }
0xca: {  	s0 =	sor.u32 s1, s0  }
0xcb: {  	s0 =	sadd.s32 $0x8F2B, s0  }
0xcc: {  	[sflag:s0] =	ssyncadd.remote.s32 $0x1  }
0xcd: {  	_ =	sfence.sel $0xFFFF  }
0xce: {  	[dreg:$0x0] =	wrdreg $0xFFFFFFFF;
	(pc) =	sbr.abs _section_cstart, $3  }
0xcf: {  	[dreg:$0x1] =	wrdreg $0xFFFFFFFF  }
0xd0: {  	_ =	task.clear_ibuf [dreg:s22], $0x2FFFF;
	_ =	strace $0x9FFFFFFF  }
0xd1: {  	(tm) =	ssettm $0x7FFFFFFF  }
tec
execute0_lowered:
.L_overlay_start_1:
0x0: {  	(tag) =	ssettag $0x1  }
0x1: {  	s2 =	rddreg [dreg:$0x0]  }
0x2: {  	s0 =	rddreg [dreg:$0x1];
	s1 =	srdreg.scid  }
0x3: {  	s4 =	stileid.u32;
	s3 =	simm.s32 $0x0;
	s9 =	simm.s32 $0x3  }
0x4: {  	s30 =	simm.s32 $0x2;
	s11 =	simm.s32 $0x1080;
	s12 =	simm.s32 $0x1880  }
0x5: {  	s13 =	simm.s32 $0x2080;
	s14 =	simm.s32 $0x2480;
	s15 =	simm.s32 $0x2C80  }
0x6: {  	s16 =	simm.s32 $0x3480;
	s17 =	simm.s32 $0x3C80;
	s18 =	simm.s32 $0x4480  }
0x7: {  	s19 =	simm.s32 $0x4880;
	s20 =	simm.s32 $0x5080;
	s21 =	simm.s32 $0x5880  }
0x8: {  	s22 =	simm.s32 $0x6080;
	s23 =	simm.s32 $0x6880;
	s28 =	simm.s32 $0x8480  }
0x9: {  	s10 =	simm.s32 $0x8C80;
	s29 =	simm.s32 $0x9080;
	s1 =	sand.u32 $0x1, s1  }
0xa: {  	s4 =	sshll.u32 s4, $0x5;
	[smem:$0x7FF] =	sst s3;
	s5 =	sshll.u32 s1, $0x4  }
0xb: {  	_ =	strace $0x8000004A;
	s1 =	ssub.s32 $0x2, s1;
	s4 =	sor.u32 s5, s4  }
0xc: {  	s7 =	sshrl.u32 s1, $0x1;
	s5 =	sadd.s32 s4, s0;
	s6 =	smul.u32 $0x2400, s4  }
0xd: {  	s0 =	sadd.s32 $0x91C00, s0;
	s8 =	smul.u32 $0x480, s4;
	s1 =	ssub.s32 s1, s7  }
0xe: {  	s4 =	sadd.s32 $0x100, s2;
	s7 =	sadd.s32 $0x400, s2;
	s5 =	sadd.s32 $0x1600, s5  }
0xf: {  	[dreg:$0x3] =	wrdreg s5;
	s24 =	sshrl.u32 s6, $0x3;
	s25 =	sadd.s32 s0, s8  }
0x10: {  	s5 =	sadd.s32 $0x200, s2;
	s6 =	sadd.s32 $0x300, s2;
	s0 =	sadd.s32 s0, s24  }
0x11: {  	s8 =	smax.u32 s1, $0x1;
	[dreg:$0x4] =	wrdreg s25;
	s26 =	sadd.s32 $0x1200, s0  }
0x12: {  	v2 =	vlaneseq.u32;
	s1 =	simm.s32 $0x1;
	s31 =	sadd.s32 $0x2400, s0;
	[dreg:$0x5] =	wrdreg s26  }
0x13: {  	vm0 =	vmmov $0xffff;
	vm1 =	vmmov $0xff;
	v1 =	vshrl.u32 v2, $0x3;
	s24 =	simm.s32 $0x6C80;
	s0 =	sadd.s32 $0x3600, s0;
	[dreg:$0x6] =	wrdreg s31  }
0x14: {  	v0 =	vand.u32 $0x7, v2;
	v2 =	vor.u32 $0x8, v2;
	v1 =	vmul.u32 $0x8, v1;
	s25 =	simm.s32 $0x7480;
	[dreg:$0x7] =	wrdreg s0;
	s26 =	simm.s32 $0x7C80  }
.LBB2_1:
0x15: {  	s0 =	rddreg [dreg:$0x3]  }
0x16: {  	[tilespmem:s3], [sflag:$0x3] =	stream.linear.gather [hbm4b:s0+s3], $0x80, $0x38;
	[tilespmem:$0x12080] =	vst v63  }
0x17: {  	_ =	swait.ge [sflag:s9], $0x80  }
0x18: {  	[sflag:s9] =	ssyncset.done $0x0  }
0x19: {  	[sflag:s9] =	ssyncadd.s32 $0xFFFFFF80  }
0x1a: {  	v3 =	vld [tilespmem:$0x0];
	_ =	sdelay $0x4  }
0x1b: {  	v4 =	vshrl.u32 v3, $0x3  }
0x1c: {  	v4 =	vmul.u32 $0x48, v4  }
0x1d: {  	v3 =	vand.u32 $0x7, v3  }
0x1e: {  	v3 =	vor.u32 v3, v4  }
0x1f: {  	v4 =	vperm.xlane v3, v0;
	_ =	sdelay $0x1  }
0x20: {  	v4 =	vadd.s32 v1, v4;
	_ =	sdelay $0x3  }
0x21: {  	s31 =	simm.s32 $0x80  }
0x22: {  	[tilespmem:s31], [sflag:$0x1] =	stream.indirect_vreg.gather [hbm4b:s2+s3], $0x80, v4, vm0, $0xb8;
	[tilespmem:$0x12080] =	vst v63  }
0x23: {  	s31 =	simm.s32 $0x880  }
0x24: {  	[tilespmem:s31], [sflag:$0x1] =	stream.indirect_vreg.gather [hbm4b:s4+s3], $0x80, v4, vm0, $0xb8;
	[tilespmem:$0x12080] =	vst v63  }
0x25: {  	v3 =	vperm.xlane v3, v2  }
0x26: {  	[tilespmem:s11], [sflag:$0x1] =	stream.indirect_vreg.gather [hbm4b:s5+s3], $0x80, v4, vm0, $0xb8;
	[tilespmem:$0x12080] =	vst v63  }
0x27: {  	v3 =	vadd.s32 v1, v3  }
0x28: {  	[tilespmem:s12], [sflag:$0x1] =	stream.indirect_vreg.gather [hbm4b:s6+s3], $0x80, v4, vm0, $0xb8;
	[tilespmem:$0x12080] =	vst v63  }
0x29: {  	_ = 	snop  }
0x2a: {  	[tilespmem:s13], [sflag:$0x1] =	stream.indirect_vreg.gather [hbm4b:s7+s3], $0x80, v4, vm1, $0xb8;
	[tilespmem:$0x12080] =	vst v63  }
0x2b: {  	_ = 	snop  }
0x2c: {  	[tilespmem:s14], [sflag:$0x1] =	stream.indirect_vreg.gather [hbm4b:s2+s3], $0x80, v3, vm0, $0xb8;
	[tilespmem:$0x12080] =	vst v63  }
0x2d: {  	_ = 	snop  }
0x2e: {  	[tilespmem:s15], [sflag:$0x1] =	stream.indirect_vreg.gather [hbm4b:s4+s3], $0x80, v3, vm0, $0xb8;
	[tilespmem:$0x12080] =	vst v63  }
0x2f: {  	_ = 	snop  }
0x30: {  	[tilespmem:s16], [sflag:$0x1] =	stream.indirect_vreg.gather [hbm4b:s5+s3], $0x80, v3, vm0, $0xb8;
	[tilespmem:$0x12080] =	vst v63  }
0x31: {  	_ = 	snop  }
0x32: {  	[tilespmem:s17], [sflag:$0x1] =	stream.indirect_vreg.gather [hbm4b:s6+s3], $0x80, v3, vm0, $0xb8;
	[tilespmem:$0x12080] =	vst v63  }
0x33: {  	_ = 	snop  }
0x34: {  	[tilespmem:s18], [sflag:$0x1] =	stream.indirect_vreg.gather [hbm4b:s7+s3], $0x80, v3, vm1, $0xb8;
	[tilespmem:$0x12080] =	vst v63  }
0x35: {  	v3 =	vld [tilespmem:$0x10];
	_ =	sdelay $0x4  }
0x36: {  	v57 =	vshrl.u32 v3, $0x3  }
0x37: {  	v4 =	vmul.u32 $0x48, v57  }
0x38: {  	v3 =	vand.u32 $0x7, v3  }
0x39: {  	v3 =	vor.u32 v3, v4  }
0x3a: {  	v4 =	vperm.xlane v3, v0;
	_ =	sdelay $0x1  }
0x3b: {  	v4 =	vadd.s32 v1, v4;
	_ =	sdelay $0x4  }
0x3c: {  	[tilespmem:s19], [sflag:$0x1] =	stream.indirect_vreg.gather [hbm4b:s2+s3], $0x80, v4, vm0, $0xb8;
	[tilespmem:$0x12080] =	vst v63  }
0x3d: {  	_ = 	snop  }
0x3e: {  	[tilespmem:s20], [sflag:$0x1] =	stream.indirect_vreg.gather [hbm4b:s4+s3], $0x80, v4, vm0, $0xb8;
	[tilespmem:$0x12080] =	vst v63  }
0x3f: {  	v3 =	vperm.xlane v3, v2  }
0x40: {  	[tilespmem:s21], [sflag:$0x1] =	stream.indirect_vreg.gather [hbm4b:s5+s3], $0x80, v4, vm0, $0xb8;
	[tilespmem:$0x12080] =	vst v63  }
0x41: {  	v3 =	vadd.s32 v1, v3  }
0x42: {  	[tilespmem:s22], [sflag:$0x1] =	stream.indirect_vreg.gather [hbm4b:s6+s3], $0x80, v4, vm0, $0xb8;
	[tilespmem:$0x12080] =	vst v63  }
0x43: {  	_ = 	snop  }
0x44: {  	[tilespmem:s23], [sflag:$0x1] =	stream.indirect_vreg.gather [hbm4b:s7+s3], $0x80, v4, vm1, $0xb8;
	[tilespmem:$0x12080] =	vst v63  }
0x45: {  	_ = 	snop  }
0x46: {  	[tilespmem:s24], [sflag:$0x1] =	stream.indirect_vreg.gather [hbm4b:s2+s3], $0x80, v3, vm0, $0xb8;
	[tilespmem:$0x12080] =	vst v63  }
0x47: {  	_ = 	snop  }
0x48: {  	[tilespmem:s25], [sflag:$0x1] =	stream.indirect_vreg.gather [hbm4b:s4+s3], $0x80, v3, vm0, $0xb8;
	[tilespmem:$0x12080] =	vst v63  }
0x49: {  	_ = 	snop  }
0x4a: {  	[tilespmem:s26], [sflag:$0x1] =	stream.indirect_vreg.gather [hbm4b:s5+s3], $0x80, v3, vm0, $0xb8;
	[tilespmem:$0x12080] =	vst v63  }
0x4b: {  	_ = 	snop  }
0x4c: {  	[tilespmem:s28], [sflag:$0x1] =	stream.indirect_vreg.gather [hbm4b:s6+s3], $0x80, v3, vm0, $0xb8;
	[tilespmem:$0x12080] =	vst v63  }
0x4d: {  	_ = 	snop  }
0x4e: {  	[tilespmem:s10], [sflag:$0x1] =	stream.indirect_vreg.gather [hbm4b:s7+s3], $0x80, v3, vm1, $0xb8;
	[tilespmem:$0x12080] =	vst v63  }
0x4f: {  	v3 =	vld [tilespmem:$0x20];
	_ =	sdelay $0x4  }
0x50: {  	v58 =	vshrl.u32 v3, $0x3  }
0x51: {  	v4 =	vmul.u32 $0x48, v58  }
0x52: {  	v3 =	vand.u32 $0x7, v3  }
0x53: {  	v3 =	vor.u32 v3, v4  }
0x54: {  	v4 =	vperm.xlane v3, v0;
	_ =	sdelay $0x1  }
0x55: {  	v4 =	vadd.s32 v1, v4;
	_ =	sdelay $0x4  }
0x56: {  	[tilespmem:s29], [sflag:$0x2] =	stream.indirect_vreg.gather [hbm4b:s2+s3], $0x80, v4, vm0, $0xb8;
	[tilespmem:$0x12080] =	vst v63  }
0x57: {  	s31 =	simm.s32 $0x9880  }
0x58: {  	[tilespmem:s31], [sflag:$0x2] =	stream.indirect_vreg.gather [hbm4b:s4+s3], $0x80, v4, vm0, $0xb8;
	[tilespmem:$0x12080] =	vst v63  }
0x59: {  	v3 =	vperm.xlane v3, v2;
	s31 =	simm.s32 $0xA080  }
0x5a: {  	[tilespmem:s31], [sflag:$0x2] =	stream.indirect_vreg.gather [hbm4b:s5+s3], $0x80, v4, vm0, $0xb8;
	[tilespmem:$0x12080] =	vst v63  }
0x5b: {  	v3 =	vadd.s32 v1, v3;
	s31 =	simm.s32 $0xA880  }
0x5c: {  	[tilespmem:s31], [sflag:$0x2] =	stream.indirect_vreg.gather [hbm4b:s6+s3], $0x80, v4, vm0, $0xb8;
	[tilespmem:$0x12080] =	vst v63  }
0x5d: {  	s31 =	simm.s32 $0xB080  }
0x5e: {  	[tilespmem:s31], [sflag:$0x2] =	stream.indirect_vreg.gather [hbm4b:s7+s3], $0x80, v4, vm1, $0xb8;
	[tilespmem:$0x12080] =	vst v63  }
0x5f: {  	s31 =	simm.s32 $0xB480  }
0x60: {  	[tilespmem:s31], [sflag:$0x2] =	stream.indirect_vreg.gather [hbm4b:s2+s3], $0x80, v3, vm0, $0xb8;
	[tilespmem:$0x12080] =	vst v63  }
0x61: {  	s31 =	simm.s32 $0xBC80  }
0x62: {  	[tilespmem:s31], [sflag:$0x2] =	stream.indirect_vreg.gather [hbm4b:s4+s3], $0x80, v3, vm0, $0xb8;
	[tilespmem:$0x12080] =	vst v63  }
0x63: {  	s31 =	simm.s32 $0xC480  }
0x64: {  	[tilespmem:s31], [sflag:$0x2] =	stream.indirect_vreg.gather [hbm4b:s5+s3], $0x80, v3, vm0, $0xb8;
	[tilespmem:$0x12080] =	vst v63  }
0x65: {  	s31 =	simm.s32 $0xCC80  }
0x66: {  	[tilespmem:s31], [sflag:$0x2] =	stream.indirect_vreg.gather [hbm4b:s6+s3], $0x80, v3, vm0, $0xb8;
	[tilespmem:$0x12080] =	vst v63  }
0x67: {  	s31 =	simm.s32 $0xD480  }
0x68: {  	[tilespmem:s31], [sflag:$0x2] =	stream.indirect_vreg.gather [hbm4b:s7+s3], $0x80, v3, vm1, $0xb8;
	[tilespmem:$0x12080] =	vst v63  }
0x69: {  	v3 =	vld [tilespmem:$0x30];
	_ =	sdelay $0x4  }
0x6a: {  	v59 =	vshrl.u32 v3, $0x3  }
0x6b: {  	v4 =	vmul.u32 $0x48, v59  }
0x6c: {  	v3 =	vand.u32 $0x7, v3  }
0x6d: {  	v3 =	vor.u32 v3, v4  }
0x6e: {  	v4 =	vperm.xlane v3, v0;
	_ =	sdelay $0x1  }
0x6f: {  	v4 =	vadd.s32 v1, v4;
	_ =	sdelay $0x3  }
0x70: {  	s31 =	simm.s32 $0xD880  }
0x71: {  	[tilespmem:s31], [sflag:$0x2] =	stream.indirect_vreg.gather [hbm4b:s2+s3], $0x80, v4, vm0, $0xb8;
	[tilespmem:$0x12080] =	vst v63  }
0x72: {  	s31 =	simm.s32 $0xE080  }
0x73: {  	[tilespmem:s31], [sflag:$0x2] =	stream.indirect_vreg.gather [hbm4b:s4+s3], $0x80, v4, vm0, $0xb8;
	[tilespmem:$0x12080] =	vst v63  }
0x74: {  	v3 =	vperm.xlane v3, v2;
	s31 =	simm.s32 $0xE880  }
0x75: {  	[tilespmem:s31], [sflag:$0x2] =	stream.indirect_vreg.gather [hbm4b:s5+s3], $0x80, v4, vm0, $0xb8;
	[tilespmem:$0x12080] =	vst v63  }
0x76: {  	v3 =	vadd.s32 v1, v3;
	s31 =	simm.s32 $0xF080  }
0x77: {  	[tilespmem:s31], [sflag:$0x2] =	stream.indirect_vreg.gather [hbm4b:s6+s3], $0x80, v4, vm0, $0xb8;
	[tilespmem:$0x12080] =	vst v63  }
0x78: {  	s31 =	simm.s32 $0xF880  }
0x79: {  	[tilespmem:s31], [sflag:$0x2] =	stream.indirect_vreg.gather [hbm4b:s7+s3], $0x80, v4, vm1, $0xb8;
	[tilespmem:$0x12080] =	vst v63  }
0x7a: {  	s31 =	simm.s32 $0xFC80  }
0x7b: {  	[tilespmem:s31], [sflag:$0x2] =	stream.indirect_vreg.gather [hbm4b:s2+s3], $0x80, v3, vm0, $0xb8;
	[tilespmem:$0x12080] =	vst v63  }
0x7c: {  	s31 =	simm.s32 $0x10480  }
0x7d: {  	[tilespmem:s31], [sflag:$0x2] =	stream.indirect_vreg.gather [hbm4b:s4+s3], $0x80, v3, vm0, $0xb8;
	[tilespmem:$0x12080] =	vst v63  }
0x7e: {  	s31 =	simm.s32 $0x10C80  }
0x7f: {  	[tilespmem:s31], [sflag:$0x2] =	stream.indirect_vreg.gather [hbm4b:s5+s3], $0x80, v3, vm0, $0xb8;
	[tilespmem:$0x12080] =	vst v63  }
0x80: {  	s31 =	simm.s32 $0x11480  }
0x81: {  	[tilespmem:s31], [sflag:$0x2] =	stream.indirect_vreg.gather [hbm4b:s6+s3], $0x80, v3, vm0, $0xb8;
	[tilespmem:$0x12080] =	vst v63  }
0x82: {  	s31 =	simm.s32 $0x11C80  }
0x83: {  	[tilespmem:s31], [sflag:$0x2] =	stream.indirect_vreg.gather [hbm4b:s7+s3], $0x80, v3, vm1, $0xb8;
	[tilespmem:$0x12080] =	vst v63  }
0x84: {  	_ =	swait.ge [sflag:s1], $0x9000  }
0x85: {  	[sflag:s1] =	ssyncset.done $0x0  }
0x86: {  	s31 =	simm.s32 $0x80;
	s0 =	rddreg [dreg:$0x4];
	[sflag:s1] =	ssyncadd.s32 $0xFFFF7000  }
0x87: {  	[hbm4b:s0+s3] =	stream.linear.scatter [tilespmem:s31], [sflag:$0x3], $0x9000, $0x38;
	[tilespmem:$0x12080] =	vst v63  }
0x88: {  	_ =	swait.ge [sflag:s9], $0x9000  }
0x89: {  	[sflag:s9] =	ssyncset.done $0x0  }
0x8a: {  	[sflag:s9] =	ssyncadd.s32 $0xFFFF7000  }
0x8b: {  	v3 =	vld [tilespmem:$0x40];
	_ =	sdelay $0x4  }
0x8c: {  	v60 =	vshrl.u32 v3, $0x3  }
0x8d: {  	v4 =	vmul.u32 $0x48, v60  }
0x8e: {  	v3 =	vand.u32 $0x7, v3  }
0x8f: {  	v3 =	vor.u32 v3, v4  }
0x90: {  	v4 =	vperm.xlane v3, v0;
	_ =	sdelay $0x1  }
0x91: {  	v4 =	vadd.s32 v1, v4;
	_ =	sdelay $0x4  }
0x92: {  	[tilespmem:s31], [sflag:$0x1] =	stream.indirect_vreg.gather [hbm4b:s2+s3], $0x80, v4, vm0, $0xb8;
	[tilespmem:$0x12080] =	vst v63  }
0x93: {  	s0 =	simm.s32 $0x880  }
0x94: {  	[tilespmem:s0], [sflag:$0x1] =	stream.indirect_vreg.gather [hbm4b:s4+s3], $0x80, v4, vm0, $0xb8;
	[tilespmem:$0x12080] =	vst v63  }
0x95: {  	v3 =	vperm.xlane v3, v2  }
0x96: {  	[tilespmem:s11], [sflag:$0x1] =	stream.indirect_vreg.gather [hbm4b:s5+s3], $0x80, v4, vm0, $0xb8;
	[tilespmem:$0x12080] =	vst v63  }
0x97: {  	v3 =	vadd.s32 v1, v3  }
0x98: {  	[tilespmem:s12], [sflag:$0x1] =	stream.indirect_vreg.gather [hbm4b:s6+s3], $0x80, v4, vm0, $0xb8;
	[tilespmem:$0x12080] =	vst v63  }
0x99: {  	_ = 	snop  }
0x9a: {  	[tilespmem:s13], [sflag:$0x1] =	stream.indirect_vreg.gather [hbm4b:s7+s3], $0x80, v4, vm1, $0xb8;
	[tilespmem:$0x12080] =	vst v63  }
0x9b: {  	_ = 	snop  }
0x9c: {  	[tilespmem:s14], [sflag:$0x1] =	stream.indirect_vreg.gather [hbm4b:s2+s3], $0x80, v3, vm0, $0xb8;
	[tilespmem:$0x12080] =	vst v63  }
0x9d: {  	_ = 	snop  }
0x9e: {  	[tilespmem:s15], [sflag:$0x1] =	stream.indirect_vreg.gather [hbm4b:s4+s3], $0x80, v3, vm0, $0xb8;
	[tilespmem:$0x12080] =	vst v63  }
0x9f: {  	_ = 	snop  }
0xa0: {  	[tilespmem:s16], [sflag:$0x1] =	stream.indirect_vreg.gather [hbm4b:s5+s3], $0x80, v3, vm0, $0xb8;
	[tilespmem:$0x12080] =	vst v63  }
0xa1: {  	_ = 	snop  }
0xa2: {  	[tilespmem:s17], [sflag:$0x1] =	stream.indirect_vreg.gather [hbm4b:s6+s3], $0x80, v3, vm0, $0xb8;
	[tilespmem:$0x12080] =	vst v63  }
0xa3: {  	_ = 	snop  }
0xa4: {  	[tilespmem:s18], [sflag:$0x1] =	stream.indirect_vreg.gather [hbm4b:s7+s3], $0x80, v3, vm1, $0xb8;
	[tilespmem:$0x12080] =	vst v63  }
0xa5: {  	v3 =	vld [tilespmem:$0x50];
	_ =	sdelay $0x4  }
0xa6: {  	v61 =	vshrl.u32 v3, $0x3  }
0xa7: {  	v4 =	vmul.u32 $0x48, v61  }
0xa8: {  	v3 =	vand.u32 $0x7, v3  }
0xa9: {  	v3 =	vor.u32 v3, v4  }
0xaa: {  	v4 =	vperm.xlane v3, v0;
	_ =	sdelay $0x1  }
0xab: {  	v4 =	vadd.s32 v1, v4;
	_ =	sdelay $0x4  }
0xac: {  	[tilespmem:s19], [sflag:$0x1] =	stream.indirect_vreg.gather [hbm4b:s2+s3], $0x80, v4, vm0, $0xb8;
	[tilespmem:$0x12080] =	vst v63  }
0xad: {  	_ = 	snop  }
0xae: {  	[tilespmem:s20], [sflag:$0x1] =	stream.indirect_vreg.gather [hbm4b:s4+s3], $0x80, v4, vm0, $0xb8;
	[tilespmem:$0x12080] =	vst v63  }
0xaf: {  	v3 =	vperm.xlane v3, v2  }
0xb0: {  	[tilespmem:s21], [sflag:$0x1] =	stream.indirect_vreg.gather [hbm4b:s5+s3], $0x80, v4, vm0, $0xb8;
	[tilespmem:$0x12080] =	vst v63  }
0xb1: {  	v3 =	vadd.s32 v1, v3  }
0xb2: {  	[tilespmem:s22], [sflag:$0x1] =	stream.indirect_vreg.gather [hbm4b:s6+s3], $0x80, v4, vm0, $0xb8;
	[tilespmem:$0x12080] =	vst v63  }
0xb3: {  	_ = 	snop  }
0xb4: {  	[tilespmem:s23], [sflag:$0x1] =	stream.indirect_vreg.gather [hbm4b:s7+s3], $0x80, v4, vm1, $0xb8;
	[tilespmem:$0x12080] =	vst v63  }
0xb5: {  	_ = 	snop  }
0xb6: {  	[tilespmem:s24], [sflag:$0x1] =	stream.indirect_vreg.gather [hbm4b:s2+s3], $0x80, v3, vm0, $0xb8;
	[tilespmem:$0x12080] =	vst v63  }
0xb7: {  	_ = 	snop  }
0xb8: {  	[tilespmem:s25], [sflag:$0x1] =	stream.indirect_vreg.gather [hbm4b:s4+s3], $0x80, v3, vm0, $0xb8;
	[tilespmem:$0x12080] =	vst v63  }
0xb9: {  	_ = 	snop  }
0xba: {  	[tilespmem:s26], [sflag:$0x1] =	stream.indirect_vreg.gather [hbm4b:s5+s3], $0x80, v3, vm0, $0xb8;
	[tilespmem:$0x12080] =	vst v63  }
0xbb: {  	_ = 	snop  }
0xbc: {  	[tilespmem:s28], [sflag:$0x1] =	stream.indirect_vreg.gather [hbm4b:s6+s3], $0x80, v3, vm0, $0xb8;
	[tilespmem:$0x12080] =	vst v63  }
0xbd: {  	_ = 	snop  }
0xbe: {  	[tilespmem:s10], [sflag:$0x1] =	stream.indirect_vreg.gather [hbm4b:s7+s3], $0x80, v3, vm1, $0xb8;
	[tilespmem:$0x12080] =	vst v63  }
0xbf: {  	_ =	swait.ge [sflag:s30], $0x9000  }
0xc0: {  	[sflag:s30] =	ssyncset.done $0x0  }
0xc1: {  	s0 =	rddreg [dreg:$0x5];
	[sflag:s30] =	ssyncadd.s32 $0xFFFF7000  }
0xc2: {  	[hbm4b:s0+s3] =	stream.linear.scatter [tilespmem:s29], [sflag:$0x3], $0x9000, $0x38;
	[tilespmem:$0x12080] =	vst v63  }
0xc3: {  	_ =	swait.ge [sflag:s9], $0x9000  }
0xc4: {  	[sflag:s9] =	ssyncset.done $0x0  }
0xc5: {  	[sflag:s9] =	ssyncadd.s32 $0xFFFF7000  }
0xc6: {  	v3 =	vld [tilespmem:$0x60];
	_ =	sdelay $0x4  }
0xc7: {  	v62 =	vshrl.u32 v3, $0x3  }
0xc8: {  	v4 =	vmul.u32 $0x48, v62  }
0xc9: {  	v3 =	vand.u32 $0x7, v3  }
0xca: {  	v3 =	vor.u32 v3, v4  }
0xcb: {  	v4 =	vperm.xlane v3, v0;
	_ =	sdelay $0x1  }
0xcc: {  	v4 =	vadd.s32 v1, v4;
	_ =	sdelay $0x4  }
0xcd: {  	[tilespmem:s29], [sflag:$0x2] =	stream.indirect_vreg.gather [hbm4b:s2+s3], $0x80, v4, vm0, $0xb8;
	[tilespmem:$0x12080] =	vst v63  }
0xce: {  	s0 =	simm.s32 $0x9880  }
0xcf: {  	[tilespmem:s0], [sflag:$0x2] =	stream.indirect_vreg.gather [hbm4b:s4+s3], $0x80, v4, vm0, $0xb8;
	[tilespmem:$0x12080] =	vst v63  }
0xd0: {  	v3 =	vperm.xlane v3, v2;
	s0 =	simm.s32 $0xA080  }
0xd1: {  	[tilespmem:s0], [sflag:$0x2] =	stream.indirect_vreg.gather [hbm4b:s5+s3], $0x80, v4, vm0, $0xb8;
	[tilespmem:$0x12080] =	vst v63  }
0xd2: {  	v3 =	vadd.s32 v1, v3;
	s0 =	simm.s32 $0xA880  }
0xd3: {  	[tilespmem:s0], [sflag:$0x2] =	stream.indirect_vreg.gather [hbm4b:s6+s3], $0x80, v4, vm0, $0xb8;
	[tilespmem:$0x12080] =	vst v63  }
0xd4: {  	s0 =	simm.s32 $0xB080  }
0xd5: {  	[tilespmem:s0], [sflag:$0x2] =	stream.indirect_vreg.gather [hbm4b:s7+s3], $0x80, v4, vm1, $0xb8;
	[tilespmem:$0x12080] =	vst v63  }
0xd6: {  	s0 =	simm.s32 $0xB480  }
0xd7: {  	[tilespmem:s0], [sflag:$0x2] =	stream.indirect_vreg.gather [hbm4b:s2+s3], $0x80, v3, vm0, $0xb8;
	[tilespmem:$0x12080] =	vst v63  }
0xd8: {  	s0 =	simm.s32 $0xBC80  }
0xd9: {  	[tilespmem:s0], [sflag:$0x2] =	stream.indirect_vreg.gather [hbm4b:s4+s3], $0x80, v3, vm0, $0xb8;
	[tilespmem:$0x12080] =	vst v63  }
0xda: {  	s0 =	simm.s32 $0xC480  }
0xdb: {  	[tilespmem:s0], [sflag:$0x2] =	stream.indirect_vreg.gather [hbm4b:s5+s3], $0x80, v3, vm0, $0xb8;
	[tilespmem:$0x12080] =	vst v63  }
0xdc: {  	s0 =	simm.s32 $0xCC80  }
0xdd: {  	[tilespmem:s0], [sflag:$0x2] =	stream.indirect_vreg.gather [hbm4b:s6+s3], $0x80, v3, vm0, $0xb8;
	[tilespmem:$0x12080] =	vst v63  }
0xde: {  	s0 =	simm.s32 $0xD480  }
0xdf: {  	[tilespmem:s0], [sflag:$0x2] =	stream.indirect_vreg.gather [hbm4b:s7+s3], $0x80, v3, vm1, $0xb8;
	[tilespmem:$0x12080] =	vst v63  }
0xe0: {  	v3 =	vld [tilespmem:$0x70];
	_ =	sdelay $0x4  }
0xe1: {  	v63 =	vshrl.u32 v3, $0x3  }
0xe2: {  	v4 =	vmul.u32 $0x48, v63  }
0xe3: {  	v3 =	vand.u32 $0x7, v3  }
0xe4: {  	v3 =	vor.u32 v3, v4  }
0xe5: {  	v4 =	vperm.xlane v3, v0;
	_ =	sdelay $0x1  }
0xe6: {  	v4 =	vadd.s32 v1, v4;
	_ =	sdelay $0x3  }
0xe7: {  	s0 =	simm.s32 $0xD880  }
0xe8: {  	[tilespmem:s0], [sflag:$0x2] =	stream.indirect_vreg.gather [hbm4b:s2+s3], $0x80, v4, vm0, $0xb8;
	[tilespmem:$0x12080] =	vst v63  }
0xe9: {  	s0 =	simm.s32 $0xE080  }
0xea: {  	[tilespmem:s0], [sflag:$0x2] =	stream.indirect_vreg.gather [hbm4b:s4+s3], $0x80, v4, vm0, $0xb8;
	[tilespmem:$0x12080] =	vst v63  }
0xeb: {  	v3 =	vperm.xlane v3, v2;
	s0 =	simm.s32 $0xE880  }
0xec: {  	[tilespmem:s0], [sflag:$0x2] =	stream.indirect_vreg.gather [hbm4b:s5+s3], $0x80, v4, vm0, $0xb8;
	[tilespmem:$0x12080] =	vst v63  }
0xed: {  	v3 =	vadd.s32 v1, v3;
	s0 =	simm.s32 $0xF080  }
0xee: {  	[tilespmem:s0], [sflag:$0x2] =	stream.indirect_vreg.gather [hbm4b:s6+s3], $0x80, v4, vm0, $0xb8;
	[tilespmem:$0x12080] =	vst v63  }
0xef: {  	s0 =	simm.s32 $0xF880  }
0xf0: {  	[tilespmem:s0], [sflag:$0x2] =	stream.indirect_vreg.gather [hbm4b:s7+s3], $0x80, v4, vm1, $0xb8;
	[tilespmem:$0x12080] =	vst v63  }
0xf1: {  	s0 =	simm.s32 $0xFC80  }
0xf2: {  	[tilespmem:s0], [sflag:$0x2] =	stream.indirect_vreg.gather [hbm4b:s2+s3], $0x80, v3, vm0, $0xb8;
	[tilespmem:$0x12080] =	vst v63  }
0xf3: {  	s0 =	simm.s32 $0x10480  }
0xf4: {  	[tilespmem:s0], [sflag:$0x2] =	stream.indirect_vreg.gather [hbm4b:s4+s3], $0x80, v3, vm0, $0xb8;
	[tilespmem:$0x12080] =	vst v63  }
0xf5: {  	s0 =	simm.s32 $0x10C80  }
0xf6: {  	[tilespmem:s0], [sflag:$0x2] =	stream.indirect_vreg.gather [hbm4b:s5+s3], $0x80, v3, vm0, $0xb8;
	[tilespmem:$0x12080] =	vst v63  }
0xf7: {  	s0 =	simm.s32 $0x11480  }
0xf8: {  	[tilespmem:s0], [sflag:$0x2] =	stream.indirect_vreg.gather [hbm4b:s6+s3], $0x80, v3, vm0, $0xb8;
	[tilespmem:$0x12080] =	vst v63  }
0xf9: {  	s0 =	simm.s32 $0x11C80  }
0xfa: {  	[tilespmem:s0], [sflag:$0x2] =	stream.indirect_vreg.gather [hbm4b:s7+s3], $0x80, v3, vm1, $0xb8;
	[tilespmem:$0x12080] =	vst v63  }
0xfb: {  	_ =	swait.ge [sflag:s1], $0x9000  }
0xfc: {  	[sflag:s1] =	ssyncset.done $0x0  }
0xfd: {  	s31 =	simm.s32 $0x80;
	s0 =	rddreg [dreg:$0x6];
	[sflag:s1] =	ssyncadd.s32 $0xFFFF7000  }
0xfe: {  	[hbm4b:s0+s3] =	stream.linear.scatter [tilespmem:s31], [sflag:$0x3], $0x9000, $0x38;
	[tilespmem:$0x12080] =	vst v63  }
0xff: {  	_ =	swait.ge [sflag:s9], $0x9000  }
0x100: {  	[sflag:s9] =	ssyncset.done $0x0  }
0x101: {  	[sflag:s9] =	ssyncadd.s32 $0xFFFF7000  }
0x102: {  	_ =	swait.ge [sflag:s30], $0x9000  }
0x103: {  	p0 =	sne.s32 s8, $0x1;
	[sflag:s30] =	ssyncset.done $0x0  }
.Ltmp0:
0x104: {  	s31 =	rddreg [dreg:$0x7];
	[sflag:s30] =	ssyncadd.s32 $0xFFFF7000;
	(pc) =	sbr.rel @p0 .LBB2_1-.Ltmp0, $4  }
0x105: {  	[hbm4b:s31+s3] =	stream.linear.scatter [tilespmem:s29], [sflag:$0x3], $0x9000, $0x38;
	[tilespmem:$0x12080] =	vst v63  }
0x106: {  	_ =	swait.ge [sflag:s9], $0x9000  }
0x107: {  	[sflag:s9] =	ssyncset.done $0x0  }
0x108: {  	s8 =	sadd.s32 $0xFFFFFFFF, s8;
	[sflag:s9] =	ssyncadd.s32 $0xFFFF7000  }
0x109: {  	_ =	sfence.sel $0x180000  }
0x10a: {  	[bflag:$0x0] =	sbarrier.arrive $0xFFFF  }
0x10b: {  	_ =	strace $0x9000004A  }
0x10c: {  	s0 =	stileid.u32;
	[bflag:$0x2] =	sbarrier.arrive $0xFFFF  }
0x10d: {  	p0 =	sne.s32 s0, $0x0;
	s0 =	rddreg [dreg:$0x2]  }
0x10e: {  	s0 =	sadd.s32 @!p0 $0x100000, s0  }
0x10f: {  	[sflag:s0] =	ssyncadd.tile.s32 @!p0 $0x1;
	_ =	shalt  }
.Lfunc_end2:
_tile_overlayer_lowered:
.L_overlay_start_2:
0x110: {  	(tag) =	ssettag $0x2  }
0x111: {  	s0 =	rddreg [dreg:$0x0];
	s2 =	stileid.u32  }
0x112: {  	s1 =	rddreg [dreg:$0x1];
	p0 =	sne.s32 s2, $0x0  }
0x113: {  	s3 =	rddreg [dreg:$0x2];
	[bflag:$0x3] =	sbarrier.arrive $0xFFFF;
	s2 =	simm.s32 @!p0 $0x1C03  }
0x114: {  	[timem:s3], [sflag:s2] =	dma.local @!p0 [hbm:s0], s1  }
0x115: {  	s0 =	simm.s32 @!p0 $0x3  }
0x116: {  	_ =	swait.ge @!p0 [sflag:s0], s1  }
0x117: {  	s1 =	ssub.s32 @!p0 $0x0, s1;
	[sflag:s0] =	ssyncset.done @!p0 $0x0  }
0x118: {  	[sflag:s0] =	ssyncadd.s32 @!p0 s1  }
0x119: {  	[bflag:$0x3] =	sbarrier.arrive $0xFFFF  }
0x11a: {  	_ =	shalt  }

// kernel: kernel.16.cloned.1.call-start
scs
__scs_entry_jumppad:
0x0: {  	(pc) =	sbr.rel $0x88, $3  }
0x1: {  	(tag) =	ssettag $0x0;
	lr =	simm.s32 $0x1  }
0x2: {  	[smem:$0x3F9D] =	sst lr;
	_ =	strace $0xD0000000  }
0x3: {  	_ = 	snop  }
0x4: {  	_ = 	snop  }
0x5: {  	_ = 	snop  }
0x6: {  	_ = 	snop  }
0x7: {  	_ = 	snop  }
__scs_overlays_trampoline_lowered:
0x8: {  	[smem:$0x3FAC] =	sst s0  }
0x9: {  	[smem:$0x3FAD] =	sst s1  }
0xa: {  	[smem:$0x3FAE] =	sst s2  }
0xb: {  	[smem:$0x3FAF] =	sst s3  }
0xc: {  	[smem:$0x3FB0] =	sst s4  }
0xd: {  	[smem:$0x3FB1] =	sst s5  }
0xe: {  	[smem:$0x3FB2] =	sst s6  }
0xf: {  	[smem:$0x3FB3] =	sst s7  }
0x10: {  	[smem:$0x3FB4] =	sst s8  }
0x11: {  	[smem:$0x3FB5] =	sst s9;
	s0 =	simm.s32 @!p0 $0x0  }
0x12: {  	s1 =	sld [smem:$0x3F9B];
	s0 =	simm.s32 @p0 $0x1  }
0x13: {  	[smem:$0x3FB6] =	sst s0;
	s0 =	simm.s32 @!p1 $0x0  }
0x14: {  	s2 =	sld [smem:$0x3F9A];
	s0 =	simm.s32 @p1 $0x1  }
0x15: {  	[smem:$0x3FB7] =	sst s0;
	s0 =	simm.s32 @!p2 $0x0  }
0x16: {  	s3 =	sld [smem:$0x3FDB];
	s0 =	simm.s32 @p2 $0x1  }
0x17: {  	s4 =	simm.s32 $0x1BF5;
	[smem:$0x3FB9] =	sst s0  }
0x18: {  	s0 =	sld [smem:$0x3F9C];
	_ =	swait.ge [sflag:s4], $0x0  }
0x19: {  	s7 =	sld [smem:$0x3F9D]  }
0x1a: {  	s8 =	sadd.s32 $0xFFFFE003, lr  }
0x1b: {  	s9 =	sadd.s32 $0xFFFFFEF7, lr;
	s5 =	simm.s32 $0xFFFFFFFF;
	p2 =	slt.u32 s8, $0xFFFFF086  }
0x1c: {  	p1 =	slt.u32 s9, $0xF7A;
	s5 =	simm.s32 @!p2 $0x0  }
0x1d: {  	s5 =	simm.s32 @p1 $0x1;
	p0 =	seq.s32 s7, s2  }
0x1e: {  	s7 =	smul.u32 @!p0 $0xF7A, s2;
	p2 =	seq.s32 @!p0 s5, $0x0  }
0x1f: {  	s9 =	smul.u32 $0xF7A, s1;
	s8 =	simm.s32 @!p0 $0x1BF5;
	p2 =	por !p2, p0  }
0x20: {  	[sflag:s8] =	ssyncset.s32 @!p0 $0xFFFFF086;
	s6 =	sadd.s32 @!p0 s3, s7;
	s7 =	simm.s32 @!p0 $0x108  }
0x21: {  	s3 =	sadd.s32 s3, s9;
	s6 =	sadd.s32 @!p0 $0x88, s6;
	s7 =	simm.s32 @p2 $0x1082  }
0x22: {  	[simem:s7], [sflag:s8] =	dma.local @!p0 [hbm:s6], $0xF7A  }
0x23: {  	s9 =	sor.u32 $0xD0000000, s2;
	s6 =	simm.s32 $0x108;
	_ =	swait.ge @!p0 [sflag:s8], $0x0  }
0x24: {  	s3 =	sadd.s32 $0x88, s3;
	s6 =	simm.s32 @!p1 $0x1082;
	[sflag:s4] =	ssyncset.s32 $0xFFFFF086  }
0x25: {  	[simem:s6], [sflag:s4] =	dma.local [hbm:s3], $0xF7A  }
0x26: {  	[smem:$0x3F9D] =	sst s1;
	(tag) =	ssettag s2;
	_ =	strace s9  }
0x27: {  	s1 =	sld [smem:$0x3FAD]  }
0x28: {  	s2 =	sld [smem:$0x3FAE]  }
0x29: {  	s4 =	sld [smem:$0x3FB0]  }
0x2a: {  	p0 =	seq.s32 s5, $0x0;
	s5 =	sld [smem:$0x3FB1]  }
0x2b: {  	s6 =	sld [smem:$0x3FB2]  }
0x2c: {  	s7 =	sld [smem:$0x3FB3]  }
0x2d: {  	s3 =	simm.s32 $0x108;
	s8 =	sld [smem:$0x3FB4]  }
0x2e: {  	s3 =	simm.s32 @!p0 $0x1082;
	s9 =	sld [smem:$0x3FB5]  }
0x2f: {  	lr =	sadd.s32 s0, s3;
	s0 =	sld [smem:$0x3FAC]  }
0x30: {  	s3 =	sld [smem:$0x3FAF]  }
0x31: {  	[smem:$0x3FB8] =	sst s10  }
0x32: {  	s10 =	sld [smem:$0x3FB6];
	_ =	sdelay $0x3  }
0x33: {  	p0 =	seq.s32 s10, $0x1;
	s10 =	sld [smem:$0x3FB8];
	_ =	sdelay $0x3  }
0x34: {  	[smem:$0x3FB8] =	sst s10  }
0x35: {  	s10 =	sld [smem:$0x3FB7];
	_ =	sdelay $0x3  }
0x36: {  	p1 =	seq.s32 s10, $0x1;
	s10 =	sld [smem:$0x3FB8];
	_ =	sdelay $0x3  }
0x37: {  	[smem:$0x3FB8] =	sst s10  }
0x38: {  	s10 =	sld [smem:$0x3FB9]  }
0x39: {  	_ = 	snop;
	(pc) =	sbr.ind lr, $3  }
0x3a: {  	_ = 	snop  }
0x3b: {  	_ = 	snop  }
0x3c: {  	p2 =	seq.s32 s10, $0x1;
	s10 =	sld [smem:$0x3FB8]  }
0x3d: {  	_ =	shalt  }
0x3e: {  	_ =	shalt  }
0x3f: {  	_ =	shalt  }
0x40: {  	_ =	shalt  }
0x41: {  	_ =	shalt  }
0x42: {  	_ =	shalt  }
0x43: {  	_ =	shalt  }
0x44: {  	_ =	shalt  }
0x45: {  	_ =	shalt  }
0x46: {  	_ =	shalt  }
0x47: {  	_ =	shalt  }
0x48: {  	_ =	shalt  }
0x49: {  	_ =	shalt  }
0x4a: {  	_ =	shalt  }
0x4b: {  	_ =	shalt  }
0x4c: {  	_ =	shalt  }
0x4d: {  	_ =	shalt  }
0x4e: {  	_ =	shalt  }
0x4f: {  	_ =	shalt  }
0x50: {  	_ =	shalt  }
0x51: {  	_ =	shalt  }
0x52: {  	_ =	shalt  }
0x53: {  	_ =	shalt  }
0x54: {  	_ =	shalt  }
0x55: {  	_ =	shalt  }
0x56: {  	_ =	shalt  }
0x57: {  	_ =	shalt  }
0x58: {  	_ =	shalt  }
0x59: {  	_ =	shalt  }
0x5a: {  	_ =	shalt  }
0x5b: {  	_ =	shalt  }
0x5c: {  	_ =	shalt  }
0x5d: {  	_ =	shalt  }
0x5e: {  	_ =	shalt  }
0x5f: {  	_ =	shalt  }
0x60: {  	_ =	shalt  }
0x61: {  	_ =	shalt  }
0x62: {  	_ =	shalt  }
0x63: {  	_ =	shalt  }
0x64: {  	_ =	shalt  }
0x65: {  	_ =	shalt  }
0x66: {  	_ =	shalt  }
0x67: {  	_ =	shalt  }
0x68: {  	_ =	shalt  }
0x69: {  	_ =	shalt  }
0x6a: {  	_ =	shalt  }
0x6b: {  	_ =	shalt  }
0x6c: {  	_ =	shalt  }
0x6d: {  	_ =	shalt  }
0x6e: {  	_ =	shalt  }
0x6f: {  	_ =	shalt  }
0x70: {  	_ =	shalt  }
0x71: {  	_ =	shalt  }
0x72: {  	_ =	shalt  }
0x73: {  	_ =	shalt  }
0x74: {  	_ =	shalt  }
0x75: {  	_ =	shalt  }
0x76: {  	_ =	shalt  }
0x77: {  	_ =	shalt  }
0x78: {  	_ =	shalt  }
0x79: {  	_ =	shalt  }
0x7a: {  	_ =	shalt  }
0x7b: {  	_ =	shalt  }
0x7c: {  	_ =	shalt  }
0x7d: {  	_ =	shalt  }
0x7e: {  	_ =	shalt  }
0x7f: {  	_ =	shalt  }
0x80: {  	_ =	shalt  }
0x81: {  	_ =	shalt  }
0x82: {  	_ =	shalt  }
0x83: {  	_ =	shalt  }
0x84: {  	_ =	shalt  }
0x85: {  	_ =	shalt  }
0x86: {  	_ =	shalt  }
0x87: {  	_ =	shalt  }
.Lfunc_end0:
.L_simem_size_0:
called_computation.2_lowered:
.L_overlay_start_0:
0x88: {  	s2 =	sld [smem:$0x3FD9]  }
0x89: {  	s3 =	sld [smem:$0x3FFE];
	_ =	sdelay $0x1  }
0x8a: {  	s1 =	srdreg.scid  }
0x8b: {  	s0 =	sand.u32 $0x1, s1  }
0x8c: {  	s17 =	sshll.u32 s0, $0xA;
	s2 =	sadd.s32 s3, s2  }
0x8d: {  	s2 =	sadd.s32 s2, s17  }
0x8e: {  	[smem:$0x3FC4] =	sst s2  }
0x8f: {  	_ = 	snop  }
0x90: {  	s18 =	sld [smem:$0x3FC8];
	(tm) =	ssettm $0x1  }
0x91: {  	s19 =	sld [smem:$0x3FFB];
	_ =	sdelay $0x3  }
0x92: {  	_ =	strace s19  }
0x93: {  	s2 =	sld [smem:$0x3FFC];
	_ =	sdelay $0x3  }
0x94: {  	_ =	strace s2  }
0x95: {  	s2 =	sld [smem:$0x3FFD];
	_ =	sdelay $0x3  }
0x96: {  	_ =	strace s2  }
0x97: {  	_ =	strace $0x8FFFFFFF  }
0x98: {  	s20 =	sld [smem:$0x3FDB];
	_ =	sdelay $0x1  }
0x99: {  	s4 =	simm.s32 $_scs_section_size  }
0x9a: {  	s5 =	simm.s32 $_size__tile_overlayer_lowered;
	s6 =	simm.s32 $_tile_overlayer_lowered  }
0x9b: {  	s7 =	simm.s32 $0x1BFF;
	s21 =	sshll.u32 s6, $0x1;
	s4 =	sadd.s32 s4, s20  }
0x9c: {  	s22 =	simm.s32 $0x0;
	s5 =	sshll.u32 s5, $0x1;
	s6 =	sadd.s32 s21, s4  }
0x9d: {  	[timem:s22], [sflag:s7] =	dma.local [hbm:s6], s5  }
0x9e: {  	_ =	swait.ge [sflag:s7], s5  }
0x9f: {  	s5 =	ssub.s32 $0x0, s5;
	[sflag:s7] =	ssyncset.done $0x0  }
0xa0: {  	[sflag:s7] =	ssyncadd.s32 s5;
	_ =	sdelay $0x1  }
0xa1: {  	s23 =	simm.s32 $0x1B8B  }
0xa2: {  	_ =	swait.ge [sflag:s23], $0x1  }
0xa3: {  	[sflag:s23] =	ssyncset.done $0x0  }
0xa4: {  	[sflag:s23] =	ssyncadd.s32 $0xFFFFFFFF  }
0xa5: {  	s5 =	sld [smem:$0x0]  }
0xa6: {  	s6 =	sand.u32 $0xFFFFFFFE, s1  }
0xa7: {  	p0 =	sne.s32 s1, s6  }
0xa8: {  	s6 =	sshll.u32 @p0 s6, $0xE  }
0xa9: {  	s6 =	sadd.s32 @p0 $0x11B8D, s6;
	s7 =	sshll.u32 @p0 s5, $0x11  }
0xaa: {  	s6 =	sor.u32 @p0 s7, s6  }
0xab: {  	[sflag:s6] =	ssyncadd.remote.s32 @p0 $0x1;
	_ =	sdelay $0x1  }
0xac: {  	s6 =	simm.s32 @p0 $0x1B8D  }
0xad: {  	_ =	swait.eq @p0 [sflag:s6], $0x1  }
0xae: {  	[sflag:s6] =	ssyncadd.s32 @p0 $0xFFFFFFFF  }
0xaf: {  	s7 =	sshll.u32 @!p0 s1, $0xE  }
0xb0: {  	s7 =	sor.u32 @!p0 $0x4000, s7;
	s6 =	simm.s32 @!p0 $0x1B8D  }
0xb1: {  	s5 =	sshll.u32 @!p0 s5, $0x11;
	s7 =	sadd.s32 @!p0 $0x11B8D, s7;
	_ =	swait.eq @!p0 [sflag:s6], $0x1  }
0xb2: {  	s5 =	sor.u32 @!p0 s5, s7;
	[sflag:s6] =	ssyncadd.s32 @!p0 $0xFFFFFFFF  }
0xb3: {  	s25 =	simm.s32 $0x1B8E;
	s24 =	sld [smem:$0x3FFE];
	[sflag:s5] =	ssyncadd.remote.s32 @!p0 $0x1  }
0xb4: {  	s26 =	simm.s32 $execute0_lowered;
	[smem:$0x3FD2] =	sst s25  }
0xb5: {  	s6 =	sshll.u32 s26, $0x1;
	_ =	strace $0x8000004C;
	[dreg:$0x1] =	wrdreg $0xFFFFFFFF  }
0xb6: {  	s28 =	simm.s32 $_size_execute0_lowered;
	s4 =	sadd.s32 s4, s6;
	[dreg:$0x0] =	wrdreg $0x0  }
0xb7: {  	s6 =	sshll.u32 s28, $0x1;
	[dreg:$0x2] =	wrdreg s4  }
0xb8: {  	[dreg:$0x3] =	wrdreg s6  }
0xb9: {  	[dreg:$0x4] =	wrdreg $0xC0  }
0xba: {  	_ =	task [dreg:s22], $0x5FFFF  }
0xbb: {  	[dreg:$0x1] =	wrdreg $0xFFFFFFFF  }
0xbc: {  	[dreg:$0x0] =	wrdreg $0x60  }
0xbd: {  	[dreg:$0x2] =	wrdreg s18  }
0xbe: {  	[dreg:$0x3] =	wrdreg s24  }
0xbf: {  	[dreg:$0x4] =	wrdreg $0xB  }
0xc0: {  	_ =	task.clear_ibuf [dreg:s22], $0x5FFFF;
	_ =	strace $0x9000004C  }
0xc1: {  	s29 =	simm.s32 $0xB;
	_ =	strace $0x8000004E  }
0xc2: {  	_ =	swait.ge [sflag:s29], $0x1  }
0xc3: {  	[sflag:s29] =	ssyncadd.s32 $0xFFFFFFFF  }
0xc4: {  	_ =	strace $0x9000004E  }
0xc5: {  	_ =	sfence  }
0xc6: {  	s30 =	sld [smem:$0x0];
	_ =	sdelay $0x2  }
0xc7: {  	s31 =	sshll.u32 s1, $0xD;
	s1 =	sshrl.u32 s1, $0x2  }
0xc8: {  	s4 =	sand.u32 $0x4000, s31;
	s1 =	sadd.s32 s1, s30  }
0xc9: {  	s0 =	sor.u32 s4, s0;
	s1 =	sshll.u32 s1, $0x11  }
0xca: {  	s0 =	sor.u32 s1, s0  }
0xcb: {  	s0 =	sadd.s32 $0x8F2B, s0  }
0xcc: {  	[sflag:s0] =	ssyncadd.remote.s32 $0x1  }
0xcd: {  	_ =	sfence.sel $0xFFFF  }
0xce: {  	[dreg:$0x0] =	wrdreg $0xFFFFFFFF;
	(pc) =	sbr.abs _section_cstart, $3  }
0xcf: {  	[dreg:$0x1] =	wrdreg $0xFFFFFFFF  }
0xd0: {  	_ =	task.clear_ibuf [dreg:s22], $0x2FFFF;
	_ =	strace $0x9FFFFFFF  }
0xd1: {  	(tm) =	ssettm $0x7FFFFFFF  }
tec
execute0_lowered:
.L_overlay_start_1:
0x0: {  	(tag) =	ssettag $0x1  }
0x1: {  	s2 =	rddreg [dreg:$0x0]  }
0x2: {  	s0 =	rddreg [dreg:$0x1];
	s1 =	srdreg.scid  }
0x3: {  	s4 =	stileid.u32;
	s3 =	simm.s32 $0x0;
	s9 =	simm.s32 $0x3  }
0x4: {  	s30 =	simm.s32 $0x2;
	s11 =	simm.s32 $0x1080;
	s12 =	simm.s32 $0x1880  }
0x5: {  	s13 =	simm.s32 $0x2080;
	s14 =	simm.s32 $0x2480;
	s15 =	simm.s32 $0x2C80  }
0x6: {  	s16 =	simm.s32 $0x3480;
	s17 =	simm.s32 $0x3C80;
	s18 =	simm.s32 $0x4480  }
0x7: {  	s19 =	simm.s32 $0x4880;
	s20 =	simm.s32 $0x5080;
	s21 =	simm.s32 $0x5880  }
0x8: {  	s22 =	simm.s32 $0x6080;
	s23 =	simm.s32 $0x6880;
	s28 =	simm.s32 $0x8480  }
0x9: {  	s10 =	simm.s32 $0x8C80;
	s29 =	simm.s32 $0x9080;
	s1 =	sand.u32 $0x1, s1  }
0xa: {  	s4 =	sshll.u32 s4, $0x5;
	[smem:$0x7FF] =	sst s3;
	s5 =	sshll.u32 s1, $0x4  }
0xb: {  	_ =	strace $0x8000004D;
	s1 =	ssub.s32 $0x2, s1;
	s4 =	sor.u32 s5, s4  }
0xc: {  	s7 =	sshrl.u32 s1, $0x1;
	s5 =	sadd.s32 s4, s0;
	s6 =	smul.u32 $0x2400, s4  }
0xd: {  	s0 =	sadd.s32 $0x121C00, s0;
	s8 =	smul.u32 $0x480, s4;
	s1 =	ssub.s32 s1, s7  }
0xe: {  	s4 =	sadd.s32 $0x100, s2;
	s7 =	sadd.s32 $0x400, s2;
	s5 =	sadd.s32 $0x1800, s5  }
0xf: {  	[dreg:$0x3] =	wrdreg s5;
	s24 =	sshrl.u32 s6, $0x3;
	s25 =	sadd.s32 s0, s8  }
0x10: {  	s5 =	sadd.s32 $0x200, s2;
	s6 =	sadd.s32 $0x300, s2;
	s0 =	sadd.s32 s0, s24  }
0x11: {  	s8 =	smax.u32 s1, $0x1;
	[dreg:$0x4] =	wrdreg s25;
	s26 =	sadd.s32 $0x1200, s0  }
0x12: {  	v2 =	vlaneseq.u32;
	s1 =	simm.s32 $0x1;
	s31 =	sadd.s32 $0x2400, s0;
	[dreg:$0x5] =	wrdreg s26  }
0x13: {  	vm0 =	vmmov $0xffff;
	vm1 =	vmmov $0xff;
	v1 =	vshrl.u32 v2, $0x3;
	s24 =	simm.s32 $0x6C80;
	s0 =	sadd.s32 $0x3600, s0;
	[dreg:$0x6] =	wrdreg s31  }
0x14: {  	v0 =	vand.u32 $0x7, v2;
	v2 =	vor.u32 $0x8, v2;
	v1 =	vmul.u32 $0x8, v1;
	s25 =	simm.s32 $0x7480;
	[dreg:$0x7] =	wrdreg s0;
	s26 =	simm.s32 $0x7C80  }
.LBB2_1:
0x15: {  	s0 =	rddreg [dreg:$0x3]  }
0x16: {  	[tilespmem:s3], [sflag:$0x3] =	stream.linear.gather [hbm4b:s0+s3], $0x80, $0x38;
	[tilespmem:$0x12080] =	vst v63  }
0x17: {  	_ =	swait.ge [sflag:s9], $0x80  }
0x18: {  	[sflag:s9] =	ssyncset.done $0x0  }
0x19: {  	[sflag:s9] =	ssyncadd.s32 $0xFFFFFF80  }
0x1a: {  	v3 =	vld [tilespmem:$0x0];
	_ =	sdelay $0x4  }
0x1b: {  	v4 =	vshrl.u32 v3, $0x3  }
0x1c: {  	v4 =	vmul.u32 $0x48, v4  }
0x1d: {  	v3 =	vand.u32 $0x7, v3  }
0x1e: {  	v3 =	vor.u32 v3, v4  }
0x1f: {  	v4 =	vperm.xlane v3, v0;
	_ =	sdelay $0x1  }
0x20: {  	v4 =	vadd.s32 v1, v4;
	_ =	sdelay $0x3  }
0x21: {  	s31 =	simm.s32 $0x80  }
0x22: {  	[tilespmem:s31], [sflag:$0x1] =	stream.indirect_vreg.gather [hbm4b:s2+s3], $0x80, v4, vm0, $0xb8;
	[tilespmem:$0x12080] =	vst v63  }
0x23: {  	s31 =	simm.s32 $0x880  }
0x24: {  	[tilespmem:s31], [sflag:$0x1] =	stream.indirect_vreg.gather [hbm4b:s4+s3], $0x80, v4, vm0, $0xb8;
	[tilespmem:$0x12080] =	vst v63  }
0x25: {  	v3 =	vperm.xlane v3, v2  }
0x26: {  	[tilespmem:s11], [sflag:$0x1] =	stream.indirect_vreg.gather [hbm4b:s5+s3], $0x80, v4, vm0, $0xb8;
	[tilespmem:$0x12080] =	vst v63  }
0x27: {  	v3 =	vadd.s32 v1, v3  }
0x28: {  	[tilespmem:s12], [sflag:$0x1] =	stream.indirect_vreg.gather [hbm4b:s6+s3], $0x80, v4, vm0, $0xb8;
	[tilespmem:$0x12080] =	vst v63  }
0x29: {  	_ = 	snop  }
0x2a: {  	[tilespmem:s13], [sflag:$0x1] =	stream.indirect_vreg.gather [hbm4b:s7+s3], $0x80, v4, vm1, $0xb8;
	[tilespmem:$0x12080] =	vst v63  }
0x2b: {  	_ = 	snop  }
0x2c: {  	[tilespmem:s14], [sflag:$0x1] =	stream.indirect_vreg.gather [hbm4b:s2+s3], $0x80, v3, vm0, $0xb8;
	[tilespmem:$0x12080] =	vst v63  }
0x2d: {  	_ = 	snop  }
0x2e: {  	[tilespmem:s15], [sflag:$0x1] =	stream.indirect_vreg.gather [hbm4b:s4+s3], $0x80, v3, vm0, $0xb8;
	[tilespmem:$0x12080] =	vst v63  }
0x2f: {  	_ = 	snop  }
0x30: {  	[tilespmem:s16], [sflag:$0x1] =	stream.indirect_vreg.gather [hbm4b:s5+s3], $0x80, v3, vm0, $0xb8;
	[tilespmem:$0x12080] =	vst v63  }
0x31: {  	_ = 	snop  }
0x32: {  	[tilespmem:s17], [sflag:$0x1] =	stream.indirect_vreg.gather [hbm4b:s6+s3], $0x80, v3, vm0, $0xb8;
	[tilespmem:$0x12080] =	vst v63  }
0x33: {  	_ = 	snop  }
0x34: {  	[tilespmem:s18], [sflag:$0x1] =	stream.indirect_vreg.gather [hbm4b:s7+s3], $0x80, v3, vm1, $0xb8;
	[tilespmem:$0x12080] =	vst v63  }
0x35: {  	v3 =	vld [tilespmem:$0x10];
	_ =	sdelay $0x4  }
0x36: {  	v57 =	vshrl.u32 v3, $0x3  }
0x37: {  	v4 =	vmul.u32 $0x48, v57  }
0x38: {  	v3 =	vand.u32 $0x7, v3  }
0x39: {  	v3 =	vor.u32 v3, v4  }
0x3a: {  	v4 =	vperm.xlane v3, v0;
	_ =	sdelay $0x1  }
0x3b: {  	v4 =	vadd.s32 v1, v4;
	_ =	sdelay $0x4  }
0x3c: {  	[tilespmem:s19], [sflag:$0x1] =	stream.indirect_vreg.gather [hbm4b:s2+s3], $0x80, v4, vm0, $0xb8;
	[tilespmem:$0x12080] =	vst v63  }
0x3d: {  	_ = 	snop  }
0x3e: {  	[tilespmem:s20], [sflag:$0x1] =	stream.indirect_vreg.gather [hbm4b:s4+s3], $0x80, v4, vm0, $0xb8;
	[tilespmem:$0x12080] =	vst v63  }
0x3f: {  	v3 =	vperm.xlane v3, v2  }
0x40: {  	[tilespmem:s21], [sflag:$0x1] =	stream.indirect_vreg.gather [hbm4b:s5+s3], $0x80, v4, vm0, $0xb8;
	[tilespmem:$0x12080] =	vst v63  }
0x41: {  	v3 =	vadd.s32 v1, v3  }
0x42: {  	[tilespmem:s22], [sflag:$0x1] =	stream.indirect_vreg.gather [hbm4b:s6+s3], $0x80, v4, vm0, $0xb8;
	[tilespmem:$0x12080] =	vst v63  }
0x43: {  	_ = 	snop  }
0x44: {  	[tilespmem:s23], [sflag:$0x1] =	stream.indirect_vreg.gather [hbm4b:s7+s3], $0x80, v4, vm1, $0xb8;
	[tilespmem:$0x12080] =	vst v63  }
0x45: {  	_ = 	snop  }
0x46: {  	[tilespmem:s24], [sflag:$0x1] =	stream.indirect_vreg.gather [hbm4b:s2+s3], $0x80, v3, vm0, $0xb8;
	[tilespmem:$0x12080] =	vst v63  }
0x47: {  	_ = 	snop  }
0x48: {  	[tilespmem:s25], [sflag:$0x1] =	stream.indirect_vreg.gather [hbm4b:s4+s3], $0x80, v3, vm0, $0xb8;
	[tilespmem:$0x12080] =	vst v63  }
0x49: {  	_ = 	snop  }
0x4a: {  	[tilespmem:s26], [sflag:$0x1] =	stream.indirect_vreg.gather [hbm4b:s5+s3], $0x80, v3, vm0, $0xb8;
	[tilespmem:$0x12080] =	vst v63  }
0x4b: {  	_ = 	snop  }
0x4c: {  	[tilespmem:s28], [sflag:$0x1] =	stream.indirect_vreg.gather [hbm4b:s6+s3], $0x80, v3, vm0, $0xb8;
	[tilespmem:$0x12080] =	vst v63  }
0x4d: {  	_ = 	snop  }
0x4e: {  	[tilespmem:s10], [sflag:$0x1] =	stream.indirect_vreg.gather [hbm4b:s7+s3], $0x80, v3, vm1, $0xb8;
	[tilespmem:$0x12080] =	vst v63  }
0x4f: {  	v3 =	vld [tilespmem:$0x20];
	_ =	sdelay $0x4  }
0x50: {  	v58 =	vshrl.u32 v3, $0x3  }
0x51: {  	v4 =	vmul.u32 $0x48, v58  }
0x52: {  	v3 =	vand.u32 $0x7, v3  }
0x53: {  	v3 =	vor.u32 v3, v4  }
0x54: {  	v4 =	vperm.xlane v3, v0;
	_ =	sdelay $0x1  }
0x55: {  	v4 =	vadd.s32 v1, v4;
	_ =	sdelay $0x4  }
0x56: {  	[tilespmem:s29], [sflag:$0x2] =	stream.indirect_vreg.gather [hbm4b:s2+s3], $0x80, v4, vm0, $0xb8;
	[tilespmem:$0x12080] =	vst v63  }
0x57: {  	s31 =	simm.s32 $0x9880  }
0x58: {  	[tilespmem:s31], [sflag:$0x2] =	stream.indirect_vreg.gather [hbm4b:s4+s3], $0x80, v4, vm0, $0xb8;
	[tilespmem:$0x12080] =	vst v63  }
0x59: {  	v3 =	vperm.xlane v3, v2;
	s31 =	simm.s32 $0xA080  }
0x5a: {  	[tilespmem:s31], [sflag:$0x2] =	stream.indirect_vreg.gather [hbm4b:s5+s3], $0x80, v4, vm0, $0xb8;
	[tilespmem:$0x12080] =	vst v63  }
0x5b: {  	v3 =	vadd.s32 v1, v3;
	s31 =	simm.s32 $0xA880  }
0x5c: {  	[tilespmem:s31], [sflag:$0x2] =	stream.indirect_vreg.gather [hbm4b:s6+s3], $0x80, v4, vm0, $0xb8;
	[tilespmem:$0x12080] =	vst v63  }
0x5d: {  	s31 =	simm.s32 $0xB080  }
0x5e: {  	[tilespmem:s31], [sflag:$0x2] =	stream.indirect_vreg.gather [hbm4b:s7+s3], $0x80, v4, vm1, $0xb8;
	[tilespmem:$0x12080] =	vst v63  }
0x5f: {  	s31 =	simm.s32 $0xB480  }
0x60: {  	[tilespmem:s31], [sflag:$0x2] =	stream.indirect_vreg.gather [hbm4b:s2+s3], $0x80, v3, vm0, $0xb8;
	[tilespmem:$0x12080] =	vst v63  }
0x61: {  	s31 =	simm.s32 $0xBC80  }
0x62: {  	[tilespmem:s31], [sflag:$0x2] =	stream.indirect_vreg.gather [hbm4b:s4+s3], $0x80, v3, vm0, $0xb8;
	[tilespmem:$0x12080] =	vst v63  }
0x63: {  	s31 =	simm.s32 $0xC480  }
0x64: {  	[tilespmem:s31], [sflag:$0x2] =	stream.indirect_vreg.gather [hbm4b:s5+s3], $0x80, v3, vm0, $0xb8;
	[tilespmem:$0x12080] =	vst v63  }
0x65: {  	s31 =	simm.s32 $0xCC80  }
0x66: {  	[tilespmem:s31], [sflag:$0x2] =	stream.indirect_vreg.gather [hbm4b:s6+s3], $0x80, v3, vm0, $0xb8;
	[tilespmem:$0x12080] =	vst v63  }
0x67: {  	s31 =	simm.s32 $0xD480  }
0x68: {  	[tilespmem:s31], [sflag:$0x2] =	stream.indirect_vreg.gather [hbm4b:s7+s3], $0x80, v3, vm1, $0xb8;
	[tilespmem:$0x12080] =	vst v63  }
0x69: {  	v3 =	vld [tilespmem:$0x30];
	_ =	sdelay $0x4  }
0x6a: {  	v59 =	vshrl.u32 v3, $0x3  }
0x6b: {  	v4 =	vmul.u32 $0x48, v59  }
0x6c: {  	v3 =	vand.u32 $0x7, v3  }
0x6d: {  	v3 =	vor.u32 v3, v4  }
0x6e: {  	v4 =	vperm.xlane v3, v0;
	_ =	sdelay $0x1  }
0x6f: {  	v4 =	vadd.s32 v1, v4;
	_ =	sdelay $0x3  }
0x70: {  	s31 =	simm.s32 $0xD880  }
0x71: {  	[tilespmem:s31], [sflag:$0x2] =	stream.indirect_vreg.gather [hbm4b:s2+s3], $0x80, v4, vm0, $0xb8;
	[tilespmem:$0x12080] =	vst v63  }
0x72: {  	s31 =	simm.s32 $0xE080  }
0x73: {  	[tilespmem:s31], [sflag:$0x2] =	stream.indirect_vreg.gather [hbm4b:s4+s3], $0x80, v4, vm0, $0xb8;
	[tilespmem:$0x12080] =	vst v63  }
0x74: {  	v3 =	vperm.xlane v3, v2;
	s31 =	simm.s32 $0xE880  }
0x75: {  	[tilespmem:s31], [sflag:$0x2] =	stream.indirect_vreg.gather [hbm4b:s5+s3], $0x80, v4, vm0, $0xb8;
	[tilespmem:$0x12080] =	vst v63  }
0x76: {  	v3 =	vadd.s32 v1, v3;
	s31 =	simm.s32 $0xF080  }
0x77: {  	[tilespmem:s31], [sflag:$0x2] =	stream.indirect_vreg.gather [hbm4b:s6+s3], $0x80, v4, vm0, $0xb8;
	[tilespmem:$0x12080] =	vst v63  }
0x78: {  	s31 =	simm.s32 $0xF880  }
0x79: {  	[tilespmem:s31], [sflag:$0x2] =	stream.indirect_vreg.gather [hbm4b:s7+s3], $0x80, v4, vm1, $0xb8;
	[tilespmem:$0x12080] =	vst v63  }
0x7a: {  	s31 =	simm.s32 $0xFC80  }
0x7b: {  	[tilespmem:s31], [sflag:$0x2] =	stream.indirect_vreg.gather [hbm4b:s2+s3], $0x80, v3, vm0, $0xb8;
	[tilespmem:$0x12080] =	vst v63  }
0x7c: {  	s31 =	simm.s32 $0x10480  }
0x7d: {  	[tilespmem:s31], [sflag:$0x2] =	stream.indirect_vreg.gather [hbm4b:s4+s3], $0x80, v3, vm0, $0xb8;
	[tilespmem:$0x12080] =	vst v63  }
0x7e: {  	s31 =	simm.s32 $0x10C80  }
0x7f: {  	[tilespmem:s31], [sflag:$0x2] =	stream.indirect_vreg.gather [hbm4b:s5+s3], $0x80, v3, vm0, $0xb8;
	[tilespmem:$0x12080] =	vst v63  }
0x80: {  	s31 =	simm.s32 $0x11480  }
0x81: {  	[tilespmem:s31], [sflag:$0x2] =	stream.indirect_vreg.gather [hbm4b:s6+s3], $0x80, v3, vm0, $0xb8;
	[tilespmem:$0x12080] =	vst v63  }
0x82: {  	s31 =	simm.s32 $0x11C80  }
0x83: {  	[tilespmem:s31], [sflag:$0x2] =	stream.indirect_vreg.gather [hbm4b:s7+s3], $0x80, v3, vm1, $0xb8;
	[tilespmem:$0x12080] =	vst v63  }
0x84: {  	_ =	swait.ge [sflag:s1], $0x9000  }
0x85: {  	[sflag:s1] =	ssyncset.done $0x0  }
0x86: {  	s31 =	simm.s32 $0x80;
	s0 =	rddreg [dreg:$0x4];
	[sflag:s1] =	ssyncadd.s32 $0xFFFF7000  }
0x87: {  	[hbm4b:s0+s3] =	stream.linear.scatter [tilespmem:s31], [sflag:$0x3], $0x9000, $0x38;
	[tilespmem:$0x12080] =	vst v63  }
0x88: {  	_ =	swait.ge [sflag:s9], $0x9000  }
0x89: {  	[sflag:s9] =	ssyncset.done $0x0  }
0x8a: {  	[sflag:s9] =	ssyncadd.s32 $0xFFFF7000  }
0x8b: {  	v3 =	vld [tilespmem:$0x40];
	_ =	sdelay $0x4  }
0x8c: {  	v60 =	vshrl.u32 v3, $0x3  }
0x8d: {  	v4 =	vmul.u32 $0x48, v60  }
0x8e: {  	v3 =	vand.u32 $0x7, v3  }
0x8f: {  	v3 =	vor.u32 v3, v4  }
0x90: {  	v4 =	vperm.xlane v3, v0;
	_ =	sdelay $0x1  }
0x91: {  	v4 =	vadd.s32 v1, v4;
	_ =	sdelay $0x4  }
0x92: {  	[tilespmem:s31], [sflag:$0x1] =	stream.indirect_vreg.gather [hbm4b:s2+s3], $0x80, v4, vm0, $0xb8;
	[tilespmem:$0x12080] =	vst v63  }
0x93: {  	s0 =	simm.s32 $0x880  }
0x94: {  	[tilespmem:s0], [sflag:$0x1] =	stream.indirect_vreg.gather [hbm4b:s4+s3], $0x80, v4, vm0, $0xb8;
	[tilespmem:$0x12080] =	vst v63  }
0x95: {  	v3 =	vperm.xlane v3, v2  }
0x96: {  	[tilespmem:s11], [sflag:$0x1] =	stream.indirect_vreg.gather [hbm4b:s5+s3], $0x80, v4, vm0, $0xb8;
	[tilespmem:$0x12080] =	vst v63  }
0x97: {  	v3 =	vadd.s32 v1, v3  }
0x98: {  	[tilespmem:s12], [sflag:$0x1] =	stream.indirect_vreg.gather [hbm4b:s6+s3], $0x80, v4, vm0, $0xb8;
	[tilespmem:$0x12080] =	vst v63  }
0x99: {  	_ = 	snop  }
0x9a: {  	[tilespmem:s13], [sflag:$0x1] =	stream.indirect_vreg.gather [hbm4b:s7+s3], $0x80, v4, vm1, $0xb8;
	[tilespmem:$0x12080] =	vst v63  }
0x9b: {  	_ = 	snop  }
0x9c: {  	[tilespmem:s14], [sflag:$0x1] =	stream.indirect_vreg.gather [hbm4b:s2+s3], $0x80, v3, vm0, $0xb8;
	[tilespmem:$0x12080] =	vst v63  }
0x9d: {  	_ = 	snop  }
0x9e: {  	[tilespmem:s15], [sflag:$0x1] =	stream.indirect_vreg.gather [hbm4b:s4+s3], $0x80, v3, vm0, $0xb8;
	[tilespmem:$0x12080] =	vst v63  }
0x9f: {  	_ = 	snop  }
0xa0: {  	[tilespmem:s16], [sflag:$0x1] =	stream.indirect_vreg.gather [hbm4b:s5+s3], $0x80, v3, vm0, $0xb8;
	[tilespmem:$0x12080] =	vst v63  }
0xa1: {  	_ = 	snop  }
0xa2: {  	[tilespmem:s17], [sflag:$0x1] =	stream.indirect_vreg.gather [hbm4b:s6+s3], $0x80, v3, vm0, $0xb8;
	[tilespmem:$0x12080] =	vst v63  }
0xa3: {  	_ = 	snop  }
0xa4: {  	[tilespmem:s18], [sflag:$0x1] =	stream.indirect_vreg.gather [hbm4b:s7+s3], $0x80, v3, vm1, $0xb8;
	[tilespmem:$0x12080] =	vst v63  }
0xa5: {  	v3 =	vld [tilespmem:$0x50];
	_ =	sdelay $0x4  }
0xa6: {  	v61 =	vshrl.u32 v3, $0x3  }
0xa7: {  	v4 =	vmul.u32 $0x48, v61  }
0xa8: {  	v3 =	vand.u32 $0x7, v3  }
0xa9: {  	v3 =	vor.u32 v3, v4  }
0xaa: {  	v4 =	vperm.xlane v3, v0;
	_ =	sdelay $0x1  }
0xab: {  	v4 =	vadd.s32 v1, v4;
	_ =	sdelay $0x4  }
0xac: {  	[tilespmem:s19], [sflag:$0x1] =	stream.indirect_vreg.gather [hbm4b:s2+s3], $0x80, v4, vm0, $0xb8;
	[tilespmem:$0x12080] =	vst v63  }
0xad: {  	_ = 	snop  }
0xae: {  	[tilespmem:s20], [sflag:$0x1] =	stream.indirect_vreg.gather [hbm4b:s4+s3], $0x80, v4, vm0, $0xb8;
	[tilespmem:$0x12080] =	vst v63  }
0xaf: {  	v3 =	vperm.xlane v3, v2  }
0xb0: {  	[tilespmem:s21], [sflag:$0x1] =	stream.indirect_vreg.gather [hbm4b:s5+s3], $0x80, v4, vm0, $0xb8;
	[tilespmem:$0x12080] =	vst v63  }
0xb1: {  	v3 =	vadd.s32 v1, v3  }
0xb2: {  	[tilespmem:s22], [sflag:$0x1] =	stream.indirect_vreg.gather [hbm4b:s6+s3], $0x80, v4, vm0, $0xb8;
	[tilespmem:$0x12080] =	vst v63  }
0xb3: {  	_ = 	snop  }
0xb4: {  	[tilespmem:s23], [sflag:$0x1] =	stream.indirect_vreg.gather [hbm4b:s7+s3], $0x80, v4, vm1, $0xb8;
	[tilespmem:$0x12080] =	vst v63  }
0xb5: {  	_ = 	snop  }
0xb6: {  	[tilespmem:s24], [sflag:$0x1] =	stream.indirect_vreg.gather [hbm4b:s2+s3], $0x80, v3, vm0, $0xb8;
	[tilespmem:$0x12080] =	vst v63  }
0xb7: {  	_ = 	snop  }
0xb8: {  	[tilespmem:s25], [sflag:$0x1] =	stream.indirect_vreg.gather [hbm4b:s4+s3], $0x80, v3, vm0, $0xb8;
	[tilespmem:$0x12080] =	vst v63  }
0xb9: {  	_ = 	snop  }
0xba: {  	[tilespmem:s26], [sflag:$0x1] =	stream.indirect_vreg.gather [hbm4b:s5+s3], $0x80, v3, vm0, $0xb8;
	[tilespmem:$0x12080] =	vst v63  }
0xbb: {  	_ = 	snop  }
0xbc: {  	[tilespmem:s28], [sflag:$0x1] =	stream.indirect_vreg.gather [hbm4b:s6+s3], $0x80, v3, vm0, $0xb8;
	[tilespmem:$0x12080] =	vst v63  }
0xbd: {  	_ = 	snop  }
0xbe: {  	[tilespmem:s10], [sflag:$0x1] =	stream.indirect_vreg.gather [hbm4b:s7+s3], $0x80, v3, vm1, $0xb8;
	[tilespmem:$0x12080] =	vst v63  }
0xbf: {  	_ =	swait.ge [sflag:s30], $0x9000  }
0xc0: {  	[sflag:s30] =	ssyncset.done $0x0  }
0xc1: {  	s0 =	rddreg [dreg:$0x5];
	[sflag:s30] =	ssyncadd.s32 $0xFFFF7000  }
0xc2: {  	[hbm4b:s0+s3] =	stream.linear.scatter [tilespmem:s29], [sflag:$0x3], $0x9000, $0x38;
	[tilespmem:$0x12080] =	vst v63  }
0xc3: {  	_ =	swait.ge [sflag:s9], $0x9000  }
0xc4: {  	[sflag:s9] =	ssyncset.done $0x0  }
0xc5: {  	[sflag:s9] =	ssyncadd.s32 $0xFFFF7000  }
0xc6: {  	v3 =	vld [tilespmem:$0x60];
	_ =	sdelay $0x4  }
0xc7: {  	v62 =	vshrl.u32 v3, $0x3  }
0xc8: {  	v4 =	vmul.u32 $0x48, v62  }
0xc9: {  	v3 =	vand.u32 $0x7, v3  }
0xca: {  	v3 =	vor.u32 v3, v4  }
0xcb: {  	v4 =	vperm.xlane v3, v0;
	_ =	sdelay $0x1  }
0xcc: {  	v4 =	vadd.s32 v1, v4;
	_ =	sdelay $0x4  }
0xcd: {  	[tilespmem:s29], [sflag:$0x2] =	stream.indirect_vreg.gather [hbm4b:s2+s3], $0x80, v4, vm0, $0xb8;
	[tilespmem:$0x12080] =	vst v63  }
0xce: {  	s0 =	simm.s32 $0x9880  }
0xcf: {  	[tilespmem:s0], [sflag:$0x2] =	stream.indirect_vreg.gather [hbm4b:s4+s3], $0x80, v4, vm0, $0xb8;
	[tilespmem:$0x12080] =	vst v63  }
0xd0: {  	v3 =	vperm.xlane v3, v2;
	s0 =	simm.s32 $0xA080  }
0xd1: {  	[tilespmem:s0], [sflag:$0x2] =	stream.indirect_vreg.gather [hbm4b:s5+s3], $0x80, v4, vm0, $0xb8;
	[tilespmem:$0x12080] =	vst v63  }
0xd2: {  	v3 =	vadd.s32 v1, v3;
	s0 =	simm.s32 $0xA880  }
0xd3: {  	[tilespmem:s0], [sflag:$0x2] =	stream.indirect_vreg.gather [hbm4b:s6+s3], $0x80, v4, vm0, $0xb8;
	[tilespmem:$0x12080] =	vst v63  }
0xd4: {  	s0 =	simm.s32 $0xB080  }
0xd5: {  	[tilespmem:s0], [sflag:$0x2] =	stream.indirect_vreg.gather [hbm4b:s7+s3], $0x80, v4, vm1, $0xb8;
	[tilespmem:$0x12080] =	vst v63  }
0xd6: {  	s0 =	simm.s32 $0xB480  }
0xd7: {  	[tilespmem:s0], [sflag:$0x2] =	stream.indirect_vreg.gather [hbm4b:s2+s3], $0x80, v3, vm0, $0xb8;
	[tilespmem:$0x12080] =	vst v63  }
0xd8: {  	s0 =	simm.s32 $0xBC80  }
0xd9: {  	[tilespmem:s0], [sflag:$0x2] =	stream.indirect_vreg.gather [hbm4b:s4+s3], $0x80, v3, vm0, $0xb8;
	[tilespmem:$0x12080] =	vst v63  }
0xda: {  	s0 =	simm.s32 $0xC480  }
0xdb: {  	[tilespmem:s0], [sflag:$0x2] =	stream.indirect_vreg.gather [hbm4b:s5+s3], $0x80, v3, vm0, $0xb8;
	[tilespmem:$0x12080] =	vst v63  }
0xdc: {  	s0 =	simm.s32 $0xCC80  }
0xdd: {  	[tilespmem:s0], [sflag:$0x2] =	stream.indirect_vreg.gather [hbm4b:s6+s3], $0x80, v3, vm0, $0xb8;
	[tilespmem:$0x12080] =	vst v63  }
0xde: {  	s0 =	simm.s32 $0xD480  }
0xdf: {  	[tilespmem:s0], [sflag:$0x2] =	stream.indirect_vreg.gather [hbm4b:s7+s3], $0x80, v3, vm1, $0xb8;
	[tilespmem:$0x12080] =	vst v63  }
0xe0: {  	v3 =	vld [tilespmem:$0x70];
	_ =	sdelay $0x4  }
0xe1: {  	v63 =	vshrl.u32 v3, $0x3  }
0xe2: {  	v4 =	vmul.u32 $0x48, v63  }
0xe3: {  	v3 =	vand.u32 $0x7, v3  }
0xe4: {  	v3 =	vor.u32 v3, v4  }
0xe5: {  	v4 =	vperm.xlane v3, v0;
	_ =	sdelay $0x1  }
0xe6: {  	v4 =	vadd.s32 v1, v4;
	_ =	sdelay $0x3  }
0xe7: {  	s0 =	simm.s32 $0xD880  }
0xe8: {  	[tilespmem:s0], [sflag:$0x2] =	stream.indirect_vreg.gather [hbm4b:s2+s3], $0x80, v4, vm0, $0xb8;
	[tilespmem:$0x12080] =	vst v63  }
0xe9: {  	s0 =	simm.s32 $0xE080  }
0xea: {  	[tilespmem:s0], [sflag:$0x2] =	stream.indirect_vreg.gather [hbm4b:s4+s3], $0x80, v4, vm0, $0xb8;
	[tilespmem:$0x12080] =	vst v63  }
0xeb: {  	v3 =	vperm.xlane v3, v2;
	s0 =	simm.s32 $0xE880  }
0xec: {  	[tilespmem:s0], [sflag:$0x2] =	stream.indirect_vreg.gather [hbm4b:s5+s3], $0x80, v4, vm0, $0xb8;
	[tilespmem:$0x12080] =	vst v63  }
0xed: {  	v3 =	vadd.s32 v1, v3;
	s0 =	simm.s32 $0xF080  }
0xee: {  	[tilespmem:s0], [sflag:$0x2] =	stream.indirect_vreg.gather [hbm4b:s6+s3], $0x80, v4, vm0, $0xb8;
	[tilespmem:$0x12080] =	vst v63  }
0xef: {  	s0 =	simm.s32 $0xF880  }
0xf0: {  	[tilespmem:s0], [sflag:$0x2] =	stream.indirect_vreg.gather [hbm4b:s7+s3], $0x80, v4, vm1, $0xb8;
	[tilespmem:$0x12080] =	vst v63  }
0xf1: {  	s0 =	simm.s32 $0xFC80  }
0xf2: {  	[tilespmem:s0], [sflag:$0x2] =	stream.indirect_vreg.gather [hbm4b:s2+s3], $0x80, v3, vm0, $0xb8;
	[tilespmem:$0x12080] =	vst v63  }
0xf3: {  	s0 =	simm.s32 $0x10480  }
0xf4: {  	[tilespmem:s0], [sflag:$0x2] =	stream.indirect_vreg.gather [hbm4b:s4+s3], $0x80, v3, vm0, $0xb8;
	[tilespmem:$0x12080] =	vst v63  }
0xf5: {  	s0 =	simm.s32 $0x10C80  }
0xf6: {  	[tilespmem:s0], [sflag:$0x2] =	stream.indirect_vreg.gather [hbm4b:s5+s3], $0x80, v3, vm0, $0xb8;
	[tilespmem:$0x12080] =	vst v63  }
0xf7: {  	s0 =	simm.s32 $0x11480  }
0xf8: {  	[tilespmem:s0], [sflag:$0x2] =	stream.indirect_vreg.gather [hbm4b:s6+s3], $0x80, v3, vm0, $0xb8;
	[tilespmem:$0x12080] =	vst v63  }
0xf9: {  	s0 =	simm.s32 $0x11C80  }
0xfa: {  	[tilespmem:s0], [sflag:$0x2] =	stream.indirect_vreg.gather [hbm4b:s7+s3], $0x80, v3, vm1, $0xb8;
	[tilespmem:$0x12080] =	vst v63  }
0xfb: {  	_ =	swait.ge [sflag:s1], $0x9000  }
0xfc: {  	[sflag:s1] =	ssyncset.done $0x0  }
0xfd: {  	s31 =	simm.s32 $0x80;
	s0 =	rddreg [dreg:$0x6];
	[sflag:s1] =	ssyncadd.s32 $0xFFFF7000  }
0xfe: {  	[hbm4b:s0+s3] =	stream.linear.scatter [tilespmem:s31], [sflag:$0x3], $0x9000, $0x38;
	[tilespmem:$0x12080] =	vst v63  }
0xff: {  	_ =	swait.ge [sflag:s9], $0x9000  }
0x100: {  	[sflag:s9] =	ssyncset.done $0x0  }
0x101: {  	[sflag:s9] =	ssyncadd.s32 $0xFFFF7000  }
0x102: {  	_ =	swait.ge [sflag:s30], $0x9000  }
0x103: {  	p0 =	sne.s32 s8, $0x1;
	[sflag:s30] =	ssyncset.done $0x0  }
.Ltmp0:
0x104: {  	s31 =	rddreg [dreg:$0x7];
	[sflag:s30] =	ssyncadd.s32 $0xFFFF7000;
	(pc) =	sbr.rel @p0 .LBB2_1-.Ltmp0, $4  }
0x105: {  	[hbm4b:s31+s3] =	stream.linear.scatter [tilespmem:s29], [sflag:$0x3], $0x9000, $0x38;
	[tilespmem:$0x12080] =	vst v63  }
0x106: {  	_ =	swait.ge [sflag:s9], $0x9000  }
0x107: {  	[sflag:s9] =	ssyncset.done $0x0  }
0x108: {  	s8 =	sadd.s32 $0xFFFFFFFF, s8;
	[sflag:s9] =	ssyncadd.s32 $0xFFFF7000  }
0x109: {  	_ =	sfence.sel $0x180000  }
0x10a: {  	[bflag:$0x0] =	sbarrier.arrive $0xFFFF  }
0x10b: {  	_ =	strace $0x9000004D  }
0x10c: {  	s0 =	stileid.u32;
	[bflag:$0x2] =	sbarrier.arrive $0xFFFF  }
0x10d: {  	p0 =	sne.s32 s0, $0x0;
	s0 =	rddreg [dreg:$0x2]  }
0x10e: {  	s0 =	sadd.s32 @!p0 $0x100000, s0  }
0x10f: {  	[sflag:s0] =	ssyncadd.tile.s32 @!p0 $0x1;
	_ =	shalt  }
.Lfunc_end2:
_tile_overlayer_lowered:
.L_overlay_start_2:
0x110: {  	(tag) =	ssettag $0x2  }
0x111: {  	s0 =	rddreg [dreg:$0x0];
	s2 =	stileid.u32  }
0x112: {  	s1 =	rddreg [dreg:$0x1];
	p0 =	sne.s32 s2, $0x0  }
0x113: {  	s3 =	rddreg [dreg:$0x2];
	[bflag:$0x3] =	sbarrier.arrive $0xFFFF;
	s2 =	simm.s32 @!p0 $0x1C03  }
0x114: {  	[timem:s3], [sflag:s2] =	dma.local @!p0 [hbm:s0], s1  }
0x115: {  	s0 =	simm.s32 @!p0 $0x3  }
0x116: {  	_ =	swait.ge @!p0 [sflag:s0], s1  }
0x117: {  	s1 =	ssub.s32 @!p0 $0x0, s1;
	[sflag:s0] =	ssyncset.done @!p0 $0x0  }
0x118: {  	[sflag:s0] =	ssyncadd.s32 @!p0 s1  }
0x119: {  	[bflag:$0x3] =	sbarrier.arrive $0xFFFF  }
0x11a: {  	_ =	shalt  }

// kernel: kernel.19.cloned.1.call-start
scs
__scs_entry_jumppad:
0x0: {  	(pc) =	sbr.rel $0x88, $3  }
0x1: {  	(tag) =	ssettag $0x0;
	lr =	simm.s32 $0x1  }
0x2: {  	[smem:$0x3F9D] =	sst lr;
	_ =	strace $0xD0000000  }
0x3: {  	_ = 	snop  }
0x4: {  	_ = 	snop  }
0x5: {  	_ = 	snop  }
0x6: {  	_ = 	snop  }
0x7: {  	_ = 	snop  }
__scs_overlays_trampoline_lowered:
0x8: {  	[smem:$0x3FAC] =	sst s0  }
0x9: {  	[smem:$0x3FAD] =	sst s1  }
0xa: {  	[smem:$0x3FAE] =	sst s2  }
0xb: {  	[smem:$0x3FAF] =	sst s3  }
0xc: {  	[smem:$0x3FB0] =	sst s4  }
0xd: {  	[smem:$0x3FB1] =	sst s5  }
0xe: {  	[smem:$0x3FB2] =	sst s6  }
0xf: {  	[smem:$0x3FB3] =	sst s7  }
0x10: {  	[smem:$0x3FB4] =	sst s8  }
0x11: {  	[smem:$0x3FB5] =	sst s9;
	s0 =	simm.s32 @!p0 $0x0  }
0x12: {  	s1 =	sld [smem:$0x3F9B];
	s0 =	simm.s32 @p0 $0x1  }
0x13: {  	[smem:$0x3FB6] =	sst s0;
	s0 =	simm.s32 @!p1 $0x0  }
0x14: {  	s2 =	sld [smem:$0x3F9A];
	s0 =	simm.s32 @p1 $0x1  }
0x15: {  	[smem:$0x3FB7] =	sst s0;
	s0 =	simm.s32 @!p2 $0x0  }
0x16: {  	s3 =	sld [smem:$0x3FDB];
	s0 =	simm.s32 @p2 $0x1  }
0x17: {  	s4 =	simm.s32 $0x1BF5;
	[smem:$0x3FB9] =	sst s0  }
0x18: {  	s0 =	sld [smem:$0x3F9C];
	_ =	swait.ge [sflag:s4], $0x0  }
0x19: {  	s7 =	sld [smem:$0x3F9D]  }
0x1a: {  	s8 =	sadd.s32 $0xFFFFE003, lr  }
0x1b: {  	s9 =	sadd.s32 $0xFFFFFEF7, lr;
	s5 =	simm.s32 $0xFFFFFFFF;
	p2 =	slt.u32 s8, $0xFFFFF086  }
0x1c: {  	p1 =	slt.u32 s9, $0xF7A;
	s5 =	simm.s32 @!p2 $0x0  }
0x1d: {  	s5 =	simm.s32 @p1 $0x1;
	p0 =	seq.s32 s7, s2  }
0x1e: {  	s7 =	smul.u32 @!p0 $0xF7A, s2;
	p2 =	seq.s32 @!p0 s5, $0x0  }
0x1f: {  	s9 =	smul.u32 $0xF7A, s1;
	s8 =	simm.s32 @!p0 $0x1BF5;
	p2 =	por !p2, p0  }
0x20: {  	[sflag:s8] =	ssyncset.s32 @!p0 $0xFFFFF086;
	s6 =	sadd.s32 @!p0 s3, s7;
	s7 =	simm.s32 @!p0 $0x108  }
0x21: {  	s3 =	sadd.s32 s3, s9;
	s6 =	sadd.s32 @!p0 $0x88, s6;
	s7 =	simm.s32 @p2 $0x1082  }
0x22: {  	[simem:s7], [sflag:s8] =	dma.local @!p0 [hbm:s6], $0xF7A  }
0x23: {  	s9 =	sor.u32 $0xD0000000, s2;
	s6 =	simm.s32 $0x108;
	_ =	swait.ge @!p0 [sflag:s8], $0x0  }
0x24: {  	s3 =	sadd.s32 $0x88, s3;
	s6 =	simm.s32 @!p1 $0x1082;
	[sflag:s4] =	ssyncset.s32 $0xFFFFF086  }
0x25: {  	[simem:s6], [sflag:s4] =	dma.local [hbm:s3], $0xF7A  }
0x26: {  	[smem:$0x3F9D] =	sst s1;
	(tag) =	ssettag s2;
	_ =	strace s9  }
0x27: {  	s1 =	sld [smem:$0x3FAD]  }
0x28: {  	s2 =	sld [smem:$0x3FAE]  }
0x29: {  	s4 =	sld [smem:$0x3FB0]  }
0x2a: {  	p0 =	seq.s32 s5, $0x0;
	s5 =	sld [smem:$0x3FB1]  }
0x2b: {  	s6 =	sld [smem:$0x3FB2]  }
0x2c: {  	s7 =	sld [smem:$0x3FB3]  }
0x2d: {  	s3 =	simm.s32 $0x108;
	s8 =	sld [smem:$0x3FB4]  }
0x2e: {  	s3 =	simm.s32 @!p0 $0x1082;
	s9 =	sld [smem:$0x3FB5]  }
0x2f: {  	lr =	sadd.s32 s0, s3;
	s0 =	sld [smem:$0x3FAC]  }
0x30: {  	s3 =	sld [smem:$0x3FAF]  }
0x31: {  	[smem:$0x3FB8] =	sst s10  }
0x32: {  	s10 =	sld [smem:$0x3FB6];
	_ =	sdelay $0x3  }
0x33: {  	p0 =	seq.s32 s10, $0x1;
	s10 =	sld [smem:$0x3FB8];
	_ =	sdelay $0x3  }
0x34: {  	[smem:$0x3FB8] =	sst s10  }
0x35: {  	s10 =	sld [smem:$0x3FB7];
	_ =	sdelay $0x3  }
0x36: {  	p1 =	seq.s32 s10, $0x1;
	s10 =	sld [smem:$0x3FB8];
	_ =	sdelay $0x3  }
0x37: {  	[smem:$0x3FB8] =	sst s10  }
0x38: {  	s10 =	sld [smem:$0x3FB9]  }
0x39: {  	_ = 	snop;
	(pc) =	sbr.ind lr, $3  }
0x3a: {  	_ = 	snop  }
0x3b: {  	_ = 	snop  }
0x3c: {  	p2 =	seq.s32 s10, $0x1;
	s10 =	sld [smem:$0x3FB8]  }
0x3d: {  	_ =	shalt  }
0x3e: {  	_ =	shalt  }
0x3f: {  	_ =	shalt  }
0x40: {  	_ =	shalt  }
0x41: {  	_ =	shalt  }
0x42: {  	_ =	shalt  }
0x43: {  	_ =	shalt  }
0x44: {  	_ =	shalt  }
0x45: {  	_ =	shalt  }
0x46: {  	_ =	shalt  }
0x47: {  	_ =	shalt  }
0x48: {  	_ =	shalt  }
0x49: {  	_ =	shalt  }
0x4a: {  	_ =	shalt  }
0x4b: {  	_ =	shalt  }
0x4c: {  	_ =	shalt  }
0x4d: {  	_ =	shalt  }
0x4e: {  	_ =	shalt  }
0x4f: {  	_ =	shalt  }
0x50: {  	_ =	shalt  }
0x51: {  	_ =	shalt  }
0x52: {  	_ =	shalt  }
0x53: {  	_ =	shalt  }
0x54: {  	_ =	shalt  }
0x55: {  	_ =	shalt  }
0x56: {  	_ =	shalt  }
0x57: {  	_ =	shalt  }
0x58: {  	_ =	shalt  }
0x59: {  	_ =	shalt  }
0x5a: {  	_ =	shalt  }
0x5b: {  	_ =	shalt  }
0x5c: {  	_ =	shalt  }
0x5d: {  	_ =	shalt  }
0x5e: {  	_ =	shalt  }
0x5f: {  	_ =	shalt  }
0x60: {  	_ =	shalt  }
0x61: {  	_ =	shalt  }
0x62: {  	_ =	shalt  }
0x63: {  	_ =	shalt  }
0x64: {  	_ =	shalt  }
0x65: {  	_ =	shalt  }
0x66: {  	_ =	shalt  }
0x67: {  	_ =	shalt  }
0x68: {  	_ =	shalt  }
0x69: {  	_ =	shalt  }
0x6a: {  	_ =	shalt  }
0x6b: {  	_ =	shalt  }
0x6c: {  	_ =	shalt  }
0x6d: {  	_ =	shalt  }
0x6e: {  	_ =	shalt  }
0x6f: {  	_ =	shalt  }
0x70: {  	_ =	shalt  }
0x71: {  	_ =	shalt  }
0x72: {  	_ =	shalt  }
0x73: {  	_ =	shalt  }
0x74: {  	_ =	shalt  }
0x75: {  	_ =	shalt  }
0x76: {  	_ =	shalt  }
0x77: {  	_ =	shalt  }
0x78: {  	_ =	shalt  }
0x79: {  	_ =	shalt  }
0x7a: {  	_ =	shalt  }
0x7b: {  	_ =	shalt  }
0x7c: {  	_ =	shalt  }
0x7d: {  	_ =	shalt  }
0x7e: {  	_ =	shalt  }
0x7f: {  	_ =	shalt  }
0x80: {  	_ =	shalt  }
0x81: {  	_ =	shalt  }
0x82: {  	_ =	shalt  }
0x83: {  	_ =	shalt  }
0x84: {  	_ =	shalt  }
0x85: {  	_ =	shalt  }
0x86: {  	_ =	shalt  }
0x87: {  	_ =	shalt  }
.Lfunc_end0:
.L_simem_size_0:
called_computation.3_lowered:
.L_overlay_start_0:
0x88: {  	s2 =	sld [smem:$0x3FD9]  }
0x89: {  	s3 =	sld [smem:$0x3FFE];
	_ =	sdelay $0x1  }
0x8a: {  	s1 =	srdreg.scid  }
0x8b: {  	s0 =	sand.u32 $0x1, s1  }
0x8c: {  	s17 =	sshll.u32 s0, $0xA;
	s2 =	sadd.s32 s3, s2  }
0x8d: {  	s2 =	sadd.s32 s2, s17  }
0x8e: {  	[smem:$0x3FC4] =	sst s2  }
0x8f: {  	_ = 	snop  }
0x90: {  	s18 =	sld [smem:$0x3FC8];
	(tm) =	ssettm $0x1  }
0x91: {  	s19 =	sld [smem:$0x3FFB];
	_ =	sdelay $0x3  }
0x92: {  	_ =	strace s19  }
0x93: {  	s2 =	sld [smem:$0x3FFC];
	_ =	sdelay $0x3  }
0x94: {  	_ =	strace s2  }
0x95: {  	s2 =	sld [smem:$0x3FFD];
	_ =	sdelay $0x3  }
0x96: {  	_ =	strace s2  }
0x97: {  	_ =	strace $0x8FFFFFFF  }
0x98: {  	s20 =	sld [smem:$0x3FDB];
	_ =	sdelay $0x1  }
0x99: {  	s4 =	simm.s32 $_scs_section_size  }
0x9a: {  	s5 =	simm.s32 $_size__tile_overlayer_lowered;
	s6 =	simm.s32 $_tile_overlayer_lowered  }
0x9b: {  	s7 =	simm.s32 $0x1BFF;
	s21 =	sshll.u32 s6, $0x1;
	s4 =	sadd.s32 s4, s20  }
0x9c: {  	s22 =	simm.s32 $0x0;
	s5 =	sshll.u32 s5, $0x1;
	s6 =	sadd.s32 s21, s4  }
0x9d: {  	[timem:s22], [sflag:s7] =	dma.local [hbm:s6], s5  }
0x9e: {  	_ =	swait.ge [sflag:s7], s5  }
0x9f: {  	s5 =	ssub.s32 $0x0, s5;
	[sflag:s7] =	ssyncset.done $0x0  }
0xa0: {  	[sflag:s7] =	ssyncadd.s32 s5;
	_ =	sdelay $0x1  }
0xa1: {  	s23 =	simm.s32 $0x1B8B  }
0xa2: {  	_ =	swait.ge [sflag:s23], $0x1  }
0xa3: {  	[sflag:s23] =	ssyncset.done $0x0  }
0xa4: {  	[sflag:s23] =	ssyncadd.s32 $0xFFFFFFFF  }
0xa5: {  	s5 =	sld [smem:$0x0]  }
0xa6: {  	s6 =	sand.u32 $0xFFFFFFFE, s1  }
0xa7: {  	p0 =	sne.s32 s1, s6  }
0xa8: {  	s6 =	sshll.u32 @p0 s6, $0xE  }
0xa9: {  	s6 =	sadd.s32 @p0 $0x11B8D, s6;
	s7 =	sshll.u32 @p0 s5, $0x11  }
0xaa: {  	s6 =	sor.u32 @p0 s7, s6  }
0xab: {  	[sflag:s6] =	ssyncadd.remote.s32 @p0 $0x1;
	_ =	sdelay $0x1  }
0xac: {  	s6 =	simm.s32 @p0 $0x1B8D  }
0xad: {  	_ =	swait.eq @p0 [sflag:s6], $0x1  }
0xae: {  	[sflag:s6] =	ssyncadd.s32 @p0 $0xFFFFFFFF  }
0xaf: {  	s7 =	sshll.u32 @!p0 s1, $0xE  }
0xb0: {  	s7 =	sor.u32 @!p0 $0x4000, s7;
	s6 =	simm.s32 @!p0 $0x1B8D  }
0xb1: {  	s5 =	sshll.u32 @!p0 s5, $0x11;
	s7 =	sadd.s32 @!p0 $0x11B8D, s7;
	_ =	swait.eq @!p0 [sflag:s6], $0x1  }
0xb2: {  	s5 =	sor.u32 @!p0 s5, s7;
	[sflag:s6] =	ssyncadd.s32 @!p0 $0xFFFFFFFF  }
0xb3: {  	s25 =	simm.s32 $0x1B8E;
	s24 =	sld [smem:$0x3FFE];
	[sflag:s5] =	ssyncadd.remote.s32 @!p0 $0x1  }
0xb4: {  	s26 =	simm.s32 $execute0_lowered;
	[smem:$0x3FD2] =	sst s25  }
0xb5: {  	s6 =	sshll.u32 s26, $0x1;
	_ =	strace $0x8000004F;
	[dreg:$0x1] =	wrdreg $0xFFFFFFFF  }
0xb6: {  	s28 =	simm.s32 $_size_execute0_lowered;
	s4 =	sadd.s32 s4, s6;
	[dreg:$0x0] =	wrdreg $0x0  }
0xb7: {  	s6 =	sshll.u32 s28, $0x1;
	[dreg:$0x2] =	wrdreg s4  }
0xb8: {  	[dreg:$0x3] =	wrdreg s6  }
0xb9: {  	[dreg:$0x4] =	wrdreg $0xC0  }
0xba: {  	_ =	task [dreg:s22], $0x5FFFF  }
0xbb: {  	[dreg:$0x1] =	wrdreg $0xFFFFFFFF  }
0xbc: {  	[dreg:$0x0] =	wrdreg $0x60  }
0xbd: {  	[dreg:$0x2] =	wrdreg s18  }
0xbe: {  	[dreg:$0x3] =	wrdreg s24  }
0xbf: {  	[dreg:$0x4] =	wrdreg $0xC  }
0xc0: {  	_ =	task.clear_ibuf [dreg:s22], $0x5FFFF;
	_ =	strace $0x9000004F  }
0xc1: {  	s29 =	simm.s32 $0xC;
	_ =	strace $0x80000051  }
0xc2: {  	_ =	swait.ge [sflag:s29], $0x1  }
0xc3: {  	[sflag:s29] =	ssyncadd.s32 $0xFFFFFFFF  }
0xc4: {  	_ =	strace $0x90000051  }
0xc5: {  	_ =	sfence  }
0xc6: {  	s30 =	sld [smem:$0x0];
	_ =	sdelay $0x2  }
0xc7: {  	s31 =	sshll.u32 s1, $0xD;
	s1 =	sshrl.u32 s1, $0x2  }
0xc8: {  	s4 =	sand.u32 $0x4000, s31;
	s1 =	sadd.s32 s1, s30  }
0xc9: {  	s0 =	sor.u32 s4, s0;
	s1 =	sshll.u32 s1, $0x11  }
0xca: {  	s0 =	sor.u32 s1, s0  }
0xcb: {  	s0 =	sadd.s32 $0x8F2B, s0  }
0xcc: {  	[sflag:s0] =	ssyncadd.remote.s32 $0x1  }
0xcd: {  	_ =	sfence.sel $0xFFFF  }
0xce: {  	[dreg:$0x0] =	wrdreg $0xFFFFFFFF;
	(pc) =	sbr.abs _section_cstart, $3  }
0xcf: {  	[dreg:$0x1] =	wrdreg $0xFFFFFFFF  }
0xd0: {  	_ =	task.clear_ibuf [dreg:s22], $0x2FFFF;
	_ =	strace $0x9FFFFFFF  }
0xd1: {  	(tm) =	ssettm $0x7FFFFFFF  }
tec
execute0_lowered:
.L_overlay_start_1:
0x0: {  	(tag) =	ssettag $0x1  }
0x1: {  	s2 =	rddreg [dreg:$0x0]  }
0x2: {  	s0 =	rddreg [dreg:$0x1];
	s1 =	srdreg.scid  }
0x3: {  	s4 =	stileid.u32;
	s3 =	simm.s32 $0x0;
	s9 =	simm.s32 $0x3  }
0x4: {  	s30 =	simm.s32 $0x2;
	s11 =	simm.s32 $0x1080;
	s12 =	simm.s32 $0x1880  }
0x5: {  	s13 =	simm.s32 $0x2080;
	s14 =	simm.s32 $0x2480;
	s15 =	simm.s32 $0x2C80  }
0x6: {  	s16 =	simm.s32 $0x3480;
	s17 =	simm.s32 $0x3C80;
	s18 =	simm.s32 $0x4480  }
0x7: {  	s19 =	simm.s32 $0x4880;
	s20 =	simm.s32 $0x5080;
	s21 =	simm.s32 $0x5880  }
0x8: {  	s22 =	simm.s32 $0x6080;
	s23 =	simm.s32 $0x6880;
	s28 =	simm.s32 $0x8480  }
0x9: {  	s10 =	simm.s32 $0x8C80;
	s29 =	simm.s32 $0x9080;
	s1 =	sand.u32 $0x1, s1  }
0xa: {  	s4 =	sshll.u32 s4, $0x5;
	[smem:$0x7FF] =	sst s3;
	s5 =	sshll.u32 s1, $0x4  }
0xb: {  	_ =	strace $0x80000050;
	s1 =	ssub.s32 $0x2, s1;
	s4 =	sor.u32 s5, s4  }
0xc: {  	s7 =	sshrl.u32 s1, $0x1;
	s5 =	sadd.s32 s4, s0;
	s6 =	smul.u32 $0x2400, s4  }
0xd: {  	s0 =	sadd.s32 $0x1B1C00, s0;
	s8 =	smul.u32 $0x480, s4;
	s1 =	ssub.s32 s1, s7  }
0xe: {  	s4 =	sadd.s32 $0x100, s2;
	s7 =	sadd.s32 $0x400, s2;
	s5 =	sadd.s32 $0x1A00, s5  }
0xf: {  	[dreg:$0x3] =	wrdreg s5;
	s24 =	sshrl.u32 s6, $0x3;
	s25 =	sadd.s32 s0, s8  }
0x10: {  	s5 =	sadd.s32 $0x200, s2;
	s6 =	sadd.s32 $0x300, s2;
	s0 =	sadd.s32 s0, s24  }
0x11: {  	s8 =	smax.u32 s1, $0x1;
	[dreg:$0x4] =	wrdreg s25;
	s26 =	sadd.s32 $0x1200, s0  }
0x12: {  	v2 =	vlaneseq.u32;
	s1 =	simm.s32 $0x1;
	s31 =	sadd.s32 $0x2400, s0;
	[dreg:$0x5] =	wrdreg s26  }
0x13: {  	vm0 =	vmmov $0xffff;
	vm1 =	vmmov $0xff;
	v1 =	vshrl.u32 v2, $0x3;
	s24 =	simm.s32 $0x6C80;
	s0 =	sadd.s32 $0x3600, s0;
	[dreg:$0x6] =	wrdreg s31  }
0x14: {  	v0 =	vand.u32 $0x7, v2;
	v2 =	vor.u32 $0x8, v2;
	v1 =	vmul.u32 $0x8, v1;
	s25 =	simm.s32 $0x7480;
	[dreg:$0x7] =	wrdreg s0;
	s26 =	simm.s32 $0x7C80  }
.LBB2_1:
0x15: {  	s0 =	rddreg [dreg:$0x3]  }
0x16: {  	[tilespmem:s3], [sflag:$0x3] =	stream.linear.gather [hbm4b:s0+s3], $0x80, $0x38;
	[tilespmem:$0x12080] =	vst v63  }
0x17: {  	_ =	swait.ge [sflag:s9], $0x80  }
0x18: {  	[sflag:s9] =	ssyncset.done $0x0  }
0x19: {  	[sflag:s9] =	ssyncadd.s32 $0xFFFFFF80  }
0x1a: {  	v3 =	vld [tilespmem:$0x0];
	_ =	sdelay $0x4  }
0x1b: {  	v4 =	vshrl.u32 v3, $0x3  }
0x1c: {  	v4 =	vmul.u32 $0x48, v4  }
0x1d: {  	v3 =	vand.u32 $0x7, v3  }
0x1e: {  	v3 =	vor.u32 v3, v4  }
0x1f: {  	v4 =	vperm.xlane v3, v0;
	_ =	sdelay $0x1  }
0x20: {  	v4 =	vadd.s32 v1, v4;
	_ =	sdelay $0x3  }
0x21: {  	s31 =	simm.s32 $0x80  }
0x22: {  	[tilespmem:s31], [sflag:$0x1] =	stream.indirect_vreg.gather [hbm4b:s2+s3], $0x80, v4, vm0, $0xb8;
	[tilespmem:$0x12080] =	vst v63  }
0x23: {  	s31 =	simm.s32 $0x880  }
0x24: {  	[tilespmem:s31], [sflag:$0x1] =	stream.indirect_vreg.gather [hbm4b:s4+s3], $0x80, v4, vm0, $0xb8;
	[tilespmem:$0x12080] =	vst v63  }
0x25: {  	v3 =	vperm.xlane v3, v2  }
0x26: {  	[tilespmem:s11], [sflag:$0x1] =	stream.indirect_vreg.gather [hbm4b:s5+s3], $0x80, v4, vm0, $0xb8;
	[tilespmem:$0x12080] =	vst v63  }
0x27: {  	v3 =	vadd.s32 v1, v3  }
0x28: {  	[tilespmem:s12], [sflag:$0x1] =	stream.indirect_vreg.gather [hbm4b:s6+s3], $0x80, v4, vm0, $0xb8;
	[tilespmem:$0x12080] =	vst v63  }
0x29: {  	_ = 	snop  }
0x2a: {  	[tilespmem:s13], [sflag:$0x1] =	stream.indirect_vreg.gather [hbm4b:s7+s3], $0x80, v4, vm1, $0xb8;
	[tilespmem:$0x12080] =	vst v63  }
0x2b: {  	_ = 	snop  }
0x2c: {  	[tilespmem:s14], [sflag:$0x1] =	stream.indirect_vreg.gather [hbm4b:s2+s3], $0x80, v3, vm0, $0xb8;
	[tilespmem:$0x12080] =	vst v63  }
0x2d: {  	_ = 	snop  }
0x2e: {  	[tilespmem:s15], [sflag:$0x1] =	stream.indirect_vreg.gather [hbm4b:s4+s3], $0x80, v3, vm0, $0xb8;
	[tilespmem:$0x12080] =	vst v63  }
0x2f: {  	_ = 	snop  }
0x30: {  	[tilespmem:s16], [sflag:$0x1] =	stream.indirect_vreg.gather [hbm4b:s5+s3], $0x80, v3, vm0, $0xb8;
	[tilespmem:$0x12080] =	vst v63  }
0x31: {  	_ = 	snop  }
0x32: {  	[tilespmem:s17], [sflag:$0x1] =	stream.indirect_vreg.gather [hbm4b:s6+s3], $0x80, v3, vm0, $0xb8;
	[tilespmem:$0x12080] =	vst v63  }
0x33: {  	_ = 	snop  }
0x34: {  	[tilespmem:s18], [sflag:$0x1] =	stream.indirect_vreg.gather [hbm4b:s7+s3], $0x80, v3, vm1, $0xb8;
	[tilespmem:$0x12080] =	vst v63  }
0x35: {  	v3 =	vld [tilespmem:$0x10];
	_ =	sdelay $0x4  }
0x36: {  	v57 =	vshrl.u32 v3, $0x3  }
0x37: {  	v4 =	vmul.u32 $0x48, v57  }
0x38: {  	v3 =	vand.u32 $0x7, v3  }
0x39: {  	v3 =	vor.u32 v3, v4  }
0x3a: {  	v4 =	vperm.xlane v3, v0;
	_ =	sdelay $0x1  }
0x3b: {  	v4 =	vadd.s32 v1, v4;
	_ =	sdelay $0x4  }
0x3c: {  	[tilespmem:s19], [sflag:$0x1] =	stream.indirect_vreg.gather [hbm4b:s2+s3], $0x80, v4, vm0, $0xb8;
	[tilespmem:$0x12080] =	vst v63  }
0x3d: {  	_ = 	snop  }
0x3e: {  	[tilespmem:s20], [sflag:$0x1] =	stream.indirect_vreg.gather [hbm4b:s4+s3], $0x80, v4, vm0, $0xb8;
	[tilespmem:$0x12080] =	vst v63  }
0x3f: {  	v3 =	vperm.xlane v3, v2  }
0x40: {  	[tilespmem:s21], [sflag:$0x1] =	stream.indirect_vreg.gather [hbm4b:s5+s3], $0x80, v4, vm0, $0xb8;
	[tilespmem:$0x12080] =	vst v63  }
0x41: {  	v3 =	vadd.s32 v1, v3  }
0x42: {  	[tilespmem:s22], [sflag:$0x1] =	stream.indirect_vreg.gather [hbm4b:s6+s3], $0x80, v4, vm0, $0xb8;
	[tilespmem:$0x12080] =	vst v63  }
0x43: {  	_ = 	snop  }
0x44: {  	[tilespmem:s23], [sflag:$0x1] =	stream.indirect_vreg.gather [hbm4b:s7+s3], $0x80, v4, vm1, $0xb8;
	[tilespmem:$0x12080] =	vst v63  }
0x45: {  	_ = 	snop  }
0x46: {  	[tilespmem:s24], [sflag:$0x1] =	stream.indirect_vreg.gather [hbm4b:s2+s3], $0x80, v3, vm0, $0xb8;
	[tilespmem:$0x12080] =	vst v63  }
0x47: {  	_ = 	snop  }
0x48: {  	[tilespmem:s25], [sflag:$0x1] =	stream.indirect_vreg.gather [hbm4b:s4+s3], $0x80, v3, vm0, $0xb8;
	[tilespmem:$0x12080] =	vst v63  }
0x49: {  	_ = 	snop  }
0x4a: {  	[tilespmem:s26], [sflag:$0x1] =	stream.indirect_vreg.gather [hbm4b:s5+s3], $0x80, v3, vm0, $0xb8;
	[tilespmem:$0x12080] =	vst v63  }
0x4b: {  	_ = 	snop  }
0x4c: {  	[tilespmem:s28], [sflag:$0x1] =	stream.indirect_vreg.gather [hbm4b:s6+s3], $0x80, v3, vm0, $0xb8;
	[tilespmem:$0x12080] =	vst v63  }
0x4d: {  	_ = 	snop  }
0x4e: {  	[tilespmem:s10], [sflag:$0x1] =	stream.indirect_vreg.gather [hbm4b:s7+s3], $0x80, v3, vm1, $0xb8;
	[tilespmem:$0x12080] =	vst v63  }
0x4f: {  	v3 =	vld [tilespmem:$0x20];
	_ =	sdelay $0x4  }
0x50: {  	v58 =	vshrl.u32 v3, $0x3  }
0x51: {  	v4 =	vmul.u32 $0x48, v58  }
0x52: {  	v3 =	vand.u32 $0x7, v3  }
0x53: {  	v3 =	vor.u32 v3, v4  }
0x54: {  	v4 =	vperm.xlane v3, v0;
	_ =	sdelay $0x1  }
0x55: {  	v4 =	vadd.s32 v1, v4;
	_ =	sdelay $0x4  }
0x56: {  	[tilespmem:s29], [sflag:$0x2] =	stream.indirect_vreg.gather [hbm4b:s2+s3], $0x80, v4, vm0, $0xb8;
	[tilespmem:$0x12080] =	vst v63  }
0x57: {  	s31 =	simm.s32 $0x9880  }
0x58: {  	[tilespmem:s31], [sflag:$0x2] =	stream.indirect_vreg.gather [hbm4b:s4+s3], $0x80, v4, vm0, $0xb8;
	[tilespmem:$0x12080] =	vst v63  }
0x59: {  	v3 =	vperm.xlane v3, v2;
	s31 =	simm.s32 $0xA080  }
0x5a: {  	[tilespmem:s31], [sflag:$0x2] =	stream.indirect_vreg.gather [hbm4b:s5+s3], $0x80, v4, vm0, $0xb8;
	[tilespmem:$0x12080] =	vst v63  }
0x5b: {  	v3 =	vadd.s32 v1, v3;
	s31 =	simm.s32 $0xA880  }
0x5c: {  	[tilespmem:s31], [sflag:$0x2] =	stream.indirect_vreg.gather [hbm4b:s6+s3], $0x80, v4, vm0, $0xb8;
	[tilespmem:$0x12080] =	vst v63  }
0x5d: {  	s31 =	simm.s32 $0xB080  }
0x5e: {  	[tilespmem:s31], [sflag:$0x2] =	stream.indirect_vreg.gather [hbm4b:s7+s3], $0x80, v4, vm1, $0xb8;
	[tilespmem:$0x12080] =	vst v63  }
0x5f: {  	s31 =	simm.s32 $0xB480  }
0x60: {  	[tilespmem:s31], [sflag:$0x2] =	stream.indirect_vreg.gather [hbm4b:s2+s3], $0x80, v3, vm0, $0xb8;
	[tilespmem:$0x12080] =	vst v63  }
0x61: {  	s31 =	simm.s32 $0xBC80  }
0x62: {  	[tilespmem:s31], [sflag:$0x2] =	stream.indirect_vreg.gather [hbm4b:s4+s3], $0x80, v3, vm0, $0xb8;
	[tilespmem:$0x12080] =	vst v63  }
0x63: {  	s31 =	simm.s32 $0xC480  }
0x64: {  	[tilespmem:s31], [sflag:$0x2] =	stream.indirect_vreg.gather [hbm4b:s5+s3], $0x80, v3, vm0, $0xb8;
	[tilespmem:$0x12080] =	vst v63  }
0x65: {  	s31 =	simm.s32 $0xCC80  }
0x66: {  	[tilespmem:s31], [sflag:$0x2] =	stream.indirect_vreg.gather [hbm4b:s6+s3], $0x80, v3, vm0, $0xb8;
	[tilespmem:$0x12080] =	vst v63  }
0x67: {  	s31 =	simm.s32 $0xD480  }
0x68: {  	[tilespmem:s31], [sflag:$0x2] =	stream.indirect_vreg.gather [hbm4b:s7+s3], $0x80, v3, vm1, $0xb8;
	[tilespmem:$0x12080] =	vst v63  }
0x69: {  	v3 =	vld [tilespmem:$0x30];
	_ =	sdelay $0x4  }
0x6a: {  	v59 =	vshrl.u32 v3, $0x3  }
0x6b: {  	v4 =	vmul.u32 $0x48, v59  }
0x6c: {  	v3 =	vand.u32 $0x7, v3  }
0x6d: {  	v3 =	vor.u32 v3, v4  }
0x6e: {  	v4 =	vperm.xlane v3, v0;
	_ =	sdelay $0x1  }
0x6f: {  	v4 =	vadd.s32 v1, v4;
	_ =	sdelay $0x3  }
0x70: {  	s31 =	simm.s32 $0xD880  }
0x71: {  	[tilespmem:s31], [sflag:$0x2] =	stream.indirect_vreg.gather [hbm4b:s2+s3], $0x80, v4, vm0, $0xb8;
	[tilespmem:$0x12080] =	vst v63  }
0x72: {  	s31 =	simm.s32 $0xE080  }
0x73: {  	[tilespmem:s31], [sflag:$0x2] =	stream.indirect_vreg.gather [hbm4b:s4+s3], $0x80, v4, vm0, $0xb8;
	[tilespmem:$0x12080] =	vst v63  }
0x74: {  	v3 =	vperm.xlane v3, v2;
	s31 =	simm.s32 $0xE880  }
0x75: {  	[tilespmem:s31], [sflag:$0x2] =	stream.indirect_vreg.gather [hbm4b:s5+s3], $0x80, v4, vm0, $0xb8;
	[tilespmem:$0x12080] =	vst v63  }
0x76: {  	v3 =	vadd.s32 v1, v3;
	s31 =	simm.s32 $0xF080  }
0x77: {  	[tilespmem:s31], [sflag:$0x2] =	stream.indirect_vreg.gather [hbm4b:s6+s3], $0x80, v4, vm0, $0xb8;
	[tilespmem:$0x12080] =	vst v63  }
0x78: {  	s31 =	simm.s32 $0xF880  }
0x79: {  	[tilespmem:s31], [sflag:$0x2] =	stream.indirect_vreg.gather [hbm4b:s7+s3], $0x80, v4, vm1, $0xb8;
	[tilespmem:$0x12080] =	vst v63  }
0x7a: {  	s31 =	simm.s32 $0xFC80  }
0x7b: {  	[tilespmem:s31], [sflag:$0x2] =	stream.indirect_vreg.gather [hbm4b:s2+s3], $0x80, v3, vm0, $0xb8;
	[tilespmem:$0x12080] =	vst v63  }
0x7c: {  	s31 =	simm.s32 $0x10480  }
0x7d: {  	[tilespmem:s31], [sflag:$0x2] =	stream.indirect_vreg.gather [hbm4b:s4+s3], $0x80, v3, vm0, $0xb8;
	[tilespmem:$0x12080] =	vst v63  }
0x7e: {  	s31 =	simm.s32 $0x10C80  }
0x7f: {  	[tilespmem:s31], [sflag:$0x2] =	stream.indirect_vreg.gather [hbm4b:s5+s3], $0x80, v3, vm0, $0xb8;
	[tilespmem:$0x12080] =	vst v63  }
0x80: {  	s31 =	simm.s32 $0x11480  }
0x81: {  	[tilespmem:s31], [sflag:$0x2] =	stream.indirect_vreg.gather [hbm4b:s6+s3], $0x80, v3, vm0, $0xb8;
	[tilespmem:$0x12080] =	vst v63  }
0x82: {  	s31 =	simm.s32 $0x11C80  }
0x83: {  	[tilespmem:s31], [sflag:$0x2] =	stream.indirect_vreg.gather [hbm4b:s7+s3], $0x80, v3, vm1, $0xb8;
	[tilespmem:$0x12080] =	vst v63  }
0x84: {  	_ =	swait.ge [sflag:s1], $0x9000  }
0x85: {  	[sflag:s1] =	ssyncset.done $0x0  }
0x86: {  	s31 =	simm.s32 $0x80;
	s0 =	rddreg [dreg:$0x4];
	[sflag:s1] =	ssyncadd.s32 $0xFFFF7000  }
0x87: {  	[hbm4b:s0+s3] =	stream.linear.scatter [tilespmem:s31], [sflag:$0x3], $0x9000, $0x38;
	[tilespmem:$0x12080] =	vst v63  }
0x88: {  	_ =	swait.ge [sflag:s9], $0x9000  }
0x89: {  	[sflag:s9] =	ssyncset.done $0x0  }
0x8a: {  	[sflag:s9] =	ssyncadd.s32 $0xFFFF7000  }
0x8b: {  	v3 =	vld [tilespmem:$0x40];
	_ =	sdelay $0x4  }
0x8c: {  	v60 =	vshrl.u32 v3, $0x3  }
0x8d: {  	v4 =	vmul.u32 $0x48, v60  }
0x8e: {  	v3 =	vand.u32 $0x7, v3  }
0x8f: {  	v3 =	vor.u32 v3, v4  }
0x90: {  	v4 =	vperm.xlane v3, v0;
	_ =	sdelay $0x1  }
0x91: {  	v4 =	vadd.s32 v1, v4;
	_ =	sdelay $0x4  }
0x92: {  	[tilespmem:s31], [sflag:$0x1] =	stream.indirect_vreg.gather [hbm4b:s2+s3], $0x80, v4, vm0, $0xb8;
	[tilespmem:$0x12080] =	vst v63  }
0x93: {  	s0 =	simm.s32 $0x880  }
0x94: {  	[tilespmem:s0], [sflag:$0x1] =	stream.indirect_vreg.gather [hbm4b:s4+s3], $0x80, v4, vm0, $0xb8;
	[tilespmem:$0x12080] =	vst v63  }
0x95: {  	v3 =	vperm.xlane v3, v2  }
0x96: {  	[tilespmem:s11], [sflag:$0x1] =	stream.indirect_vreg.gather [hbm4b:s5+s3], $0x80, v4, vm0, $0xb8;
	[tilespmem:$0x12080] =	vst v63  }
0x97: {  	v3 =	vadd.s32 v1, v3  }
0x98: {  	[tilespmem:s12], [sflag:$0x1] =	stream.indirect_vreg.gather [hbm4b:s6+s3], $0x80, v4, vm0, $0xb8;
	[tilespmem:$0x12080] =	vst v63  }
0x99: {  	_ = 	snop  }
0x9a: {  	[tilespmem:s13], [sflag:$0x1] =	stream.indirect_vreg.gather [hbm4b:s7+s3], $0x80, v4, vm1, $0xb8;
	[tilespmem:$0x12080] =	vst v63  }
0x9b: {  	_ = 	snop  }
0x9c: {  	[tilespmem:s14], [sflag:$0x1] =	stream.indirect_vreg.gather [hbm4b:s2+s3], $0x80, v3, vm0, $0xb8;
	[tilespmem:$0x12080] =	vst v63  }
0x9d: {  	_ = 	snop  }
0x9e: {  	[tilespmem:s15], [sflag:$0x1] =	stream.indirect_vreg.gather [hbm4b:s4+s3], $0x80, v3, vm0, $0xb8;
	[tilespmem:$0x12080] =	vst v63  }
0x9f: {  	_ = 	snop  }
0xa0: {  	[tilespmem:s16], [sflag:$0x1] =	stream.indirect_vreg.gather [hbm4b:s5+s3], $0x80, v3, vm0, $0xb8;
	[tilespmem:$0x12080] =	vst v63  }
0xa1: {  	_ = 	snop  }
0xa2: {  	[tilespmem:s17], [sflag:$0x1] =	stream.indirect_vreg.gather [hbm4b:s6+s3], $0x80, v3, vm0, $0xb8;
	[tilespmem:$0x12080] =	vst v63  }
0xa3: {  	_ = 	snop  }
0xa4: {  	[tilespmem:s18], [sflag:$0x1] =	stream.indirect_vreg.gather [hbm4b:s7+s3], $0x80, v3, vm1, $0xb8;
	[tilespmem:$0x12080] =	vst v63  }
0xa5: {  	v3 =	vld [tilespmem:$0x50];
	_ =	sdelay $0x4  }
0xa6: {  	v61 =	vshrl.u32 v3, $0x3  }
0xa7: {  	v4 =	vmul.u32 $0x48, v61  }
0xa8: {  	v3 =	vand.u32 $0x7, v3  }
0xa9: {  	v3 =	vor.u32 v3, v4  }
0xaa: {  	v4 =	vperm.xlane v3, v0;
	_ =	sdelay $0x1  }
0xab: {  	v4 =	vadd.s32 v1, v4;
	_ =	sdelay $0x4  }
0xac: {  	[tilespmem:s19], [sflag:$0x1] =	stream.indirect_vreg.gather [hbm4b:s2+s3], $0x80, v4, vm0, $0xb8;
	[tilespmem:$0x12080] =	vst v63  }
0xad: {  	_ = 	snop  }
0xae: {  	[tilespmem:s20], [sflag:$0x1] =	stream.indirect_vreg.gather [hbm4b:s4+s3], $0x80, v4, vm0, $0xb8;
	[tilespmem:$0x12080] =	vst v63  }
0xaf: {  	v3 =	vperm.xlane v3, v2  }
0xb0: {  	[tilespmem:s21], [sflag:$0x1] =	stream.indirect_vreg.gather [hbm4b:s5+s3], $0x80, v4, vm0, $0xb8;
	[tilespmem:$0x12080] =	vst v63  }
0xb1: {  	v3 =	vadd.s32 v1, v3  }
0xb2: {  	[tilespmem:s22], [sflag:$0x1] =	stream.indirect_vreg.gather [hbm4b:s6+s3], $0x80, v4, vm0, $0xb8;
	[tilespmem:$0x12080] =	vst v63  }
0xb3: {  	_ = 	snop  }
0xb4: {  	[tilespmem:s23], [sflag:$0x1] =	stream.indirect_vreg.gather [hbm4b:s7+s3], $0x80, v4, vm1, $0xb8;
	[tilespmem:$0x12080] =	vst v63  }
0xb5: {  	_ = 	snop  }
0xb6: {  	[tilespmem:s24], [sflag:$0x1] =	stream.indirect_vreg.gather [hbm4b:s2+s3], $0x80, v3, vm0, $0xb8;
	[tilespmem:$0x12080] =	vst v63  }
0xb7: {  	_ = 	snop  }
0xb8: {  	[tilespmem:s25], [sflag:$0x1] =	stream.indirect_vreg.gather [hbm4b:s4+s3], $0x80, v3, vm0, $0xb8;
	[tilespmem:$0x12080] =	vst v63  }
0xb9: {  	_ = 	snop  }
0xba: {  	[tilespmem:s26], [sflag:$0x1] =	stream.indirect_vreg.gather [hbm4b:s5+s3], $0x80, v3, vm0, $0xb8;
	[tilespmem:$0x12080] =	vst v63  }
0xbb: {  	_ = 	snop  }
0xbc: {  	[tilespmem:s28], [sflag:$0x1] =	stream.indirect_vreg.gather [hbm4b:s6+s3], $0x80, v3, vm0, $0xb8;
	[tilespmem:$0x12080] =	vst v63  }
0xbd: {  	_ = 	snop  }
0xbe: {  	[tilespmem:s10], [sflag:$0x1] =	stream.indirect_vreg.gather [hbm4b:s7+s3], $0x80, v3, vm1, $0xb8;
	[tilespmem:$0x12080] =	vst v63  }
0xbf: {  	_ =	swait.ge [sflag:s30], $0x9000  }
0xc0: {  	[sflag:s30] =	ssyncset.done $0x0  }
0xc1: {  	s0 =	rddreg [dreg:$0x5];
	[sflag:s30] =	ssyncadd.s32 $0xFFFF7000  }
0xc2: {  	[hbm4b:s0+s3] =	stream.linear.scatter [tilespmem:s29], [sflag:$0x3], $0x9000, $0x38;
	[tilespmem:$0x12080] =	vst v63  }
0xc3: {  	_ =	swait.ge [sflag:s9], $0x9000  }
0xc4: {  	[sflag:s9] =	ssyncset.done $0x0  }
0xc5: {  	[sflag:s9] =	ssyncadd.s32 $0xFFFF7000  }
0xc6: {  	v3 =	vld [tilespmem:$0x60];
	_ =	sdelay $0x4  }
0xc7: {  	v62 =	vshrl.u32 v3, $0x3  }
0xc8: {  	v4 =	vmul.u32 $0x48, v62  }
0xc9: {  	v3 =	vand.u32 $0x7, v3  }
0xca: {  	v3 =	vor.u32 v3, v4  }
0xcb: {  	v4 =	vperm.xlane v3, v0;
	_ =	sdelay $0x1  }
0xcc: {  	v4 =	vadd.s32 v1, v4;
	_ =	sdelay $0x4  }
0xcd: {  	[tilespmem:s29], [sflag:$0x2] =	stream.indirect_vreg.gather [hbm4b:s2+s3], $0x80, v4, vm0, $0xb8;
	[tilespmem:$0x12080] =	vst v63  }
0xce: {  	s0 =	simm.s32 $0x9880  }
0xcf: {  	[tilespmem:s0], [sflag:$0x2] =	stream.indirect_vreg.gather [hbm4b:s4+s3], $0x80, v4, vm0, $0xb8;
	[tilespmem:$0x12080] =	vst v63  }
0xd0: {  	v3 =	vperm.xlane v3, v2;
	s0 =	simm.s32 $0xA080  }
0xd1: {  	[tilespmem:s0], [sflag:$0x2] =	stream.indirect_vreg.gather [hbm4b:s5+s3], $0x80, v4, vm0, $0xb8;
	[tilespmem:$0x12080] =	vst v63  }
0xd2: {  	v3 =	vadd.s32 v1, v3;
	s0 =	simm.s32 $0xA880  }
0xd3: {  	[tilespmem:s0], [sflag:$0x2] =	stream.indirect_vreg.gather [hbm4b:s6+s3], $0x80, v4, vm0, $0xb8;
	[tilespmem:$0x12080] =	vst v63  }
0xd4: {  	s0 =	simm.s32 $0xB080  }
0xd5: {  	[tilespmem:s0], [sflag:$0x2] =	stream.indirect_vreg.gather [hbm4b:s7+s3], $0x80, v4, vm1, $0xb8;
	[tilespmem:$0x12080] =	vst v63  }
0xd6: {  	s0 =	simm.s32 $0xB480  }
0xd7: {  	[tilespmem:s0], [sflag:$0x2] =	stream.indirect_vreg.gather [hbm4b:s2+s3], $0x80, v3, vm0, $0xb8;
	[tilespmem:$0x12080] =	vst v63  }
0xd8: {  	s0 =	simm.s32 $0xBC80  }
0xd9: {  	[tilespmem:s0], [sflag:$0x2] =	stream.indirect_vreg.gather [hbm4b:s4+s3], $0x80, v3, vm0, $0xb8;
	[tilespmem:$0x12080] =	vst v63  }
0xda: {  	s0 =	simm.s32 $0xC480  }
0xdb: {  	[tilespmem:s0], [sflag:$0x2] =	stream.indirect_vreg.gather [hbm4b:s5+s3], $0x80, v3, vm0, $0xb8;
	[tilespmem:$0x12080] =	vst v63  }
0xdc: {  	s0 =	simm.s32 $0xCC80  }
0xdd: {  	[tilespmem:s0], [sflag:$0x2] =	stream.indirect_vreg.gather [hbm4b:s6+s3], $0x80, v3, vm0, $0xb8;
	[tilespmem:$0x12080] =	vst v63  }
0xde: {  	s0 =	simm.s32 $0xD480  }
0xdf: {  	[tilespmem:s0], [sflag:$0x2] =	stream.indirect_vreg.gather [hbm4b:s7+s3], $0x80, v3, vm1, $0xb8;
	[tilespmem:$0x12080] =	vst v63  }
0xe0: {  	v3 =	vld [tilespmem:$0x70];
	_ =	sdelay $0x4  }
0xe1: {  	v63 =	vshrl.u32 v3, $0x3  }
0xe2: {  	v4 =	vmul.u32 $0x48, v63  }
0xe3: {  	v3 =	vand.u32 $0x7, v3  }
0xe4: {  	v3 =	vor.u32 v3, v4  }
0xe5: {  	v4 =	vperm.xlane v3, v0;
	_ =	sdelay $0x1  }
0xe6: {  	v4 =	vadd.s32 v1, v4;
	_ =	sdelay $0x3  }
0xe7: {  	s0 =	simm.s32 $0xD880  }
0xe8: {  	[tilespmem:s0], [sflag:$0x2] =	stream.indirect_vreg.gather [hbm4b:s2+s3], $0x80, v4, vm0, $0xb8;
	[tilespmem:$0x12080] =	vst v63  }
0xe9: {  	s0 =	simm.s32 $0xE080  }
0xea: {  	[tilespmem:s0], [sflag:$0x2] =	stream.indirect_vreg.gather [hbm4b:s4+s3], $0x80, v4, vm0, $0xb8;
	[tilespmem:$0x12080] =	vst v63  }
0xeb: {  	v3 =	vperm.xlane v3, v2;
	s0 =	simm.s32 $0xE880  }
0xec: {  	[tilespmem:s0], [sflag:$0x2] =	stream.indirect_vreg.gather [hbm4b:s5+s3], $0x80, v4, vm0, $0xb8;
	[tilespmem:$0x12080] =	vst v63  }
0xed: {  	v3 =	vadd.s32 v1, v3;
	s0 =	simm.s32 $0xF080  }
0xee: {  	[tilespmem:s0], [sflag:$0x2] =	stream.indirect_vreg.gather [hbm4b:s6+s3], $0x80, v4, vm0, $0xb8;
	[tilespmem:$0x12080] =	vst v63  }
0xef: {  	s0 =	simm.s32 $0xF880  }
0xf0: {  	[tilespmem:s0], [sflag:$0x2] =	stream.indirect_vreg.gather [hbm4b:s7+s3], $0x80, v4, vm1, $0xb8;
	[tilespmem:$0x12080] =	vst v63  }
0xf1: {  	s0 =	simm.s32 $0xFC80  }
0xf2: {  	[tilespmem:s0], [sflag:$0x2] =	stream.indirect_vreg.gather [hbm4b:s2+s3], $0x80, v3, vm0, $0xb8;
	[tilespmem:$0x12080] =	vst v63  }
0xf3: {  	s0 =	simm.s32 $0x10480  }
0xf4: {  	[tilespmem:s0], [sflag:$0x2] =	stream.indirect_vreg.gather [hbm4b:s4+s3], $0x80, v3, vm0, $0xb8;
	[tilespmem:$0x12080] =	vst v63  }
0xf5: {  	s0 =	simm.s32 $0x10C80  }
0xf6: {  	[tilespmem:s0], [sflag:$0x2] =	stream.indirect_vreg.gather [hbm4b:s5+s3], $0x80, v3, vm0, $0xb8;
	[tilespmem:$0x12080] =	vst v63  }
0xf7: {  	s0 =	simm.s32 $0x11480  }
0xf8: {  	[tilespmem:s0], [sflag:$0x2] =	stream.indirect_vreg.gather [hbm4b:s6+s3], $0x80, v3, vm0, $0xb8;
	[tilespmem:$0x12080] =	vst v63  }
0xf9: {  	s0 =	simm.s32 $0x11C80  }
0xfa: {  	[tilespmem:s0], [sflag:$0x2] =	stream.indirect_vreg.gather [hbm4b:s7+s3], $0x80, v3, vm1, $0xb8;
	[tilespmem:$0x12080] =	vst v63  }
0xfb: {  	_ =	swait.ge [sflag:s1], $0x9000  }
0xfc: {  	[sflag:s1] =	ssyncset.done $0x0  }
0xfd: {  	s31 =	simm.s32 $0x80;
	s0 =	rddreg [dreg:$0x6];
	[sflag:s1] =	ssyncadd.s32 $0xFFFF7000  }
0xfe: {  	[hbm4b:s0+s3] =	stream.linear.scatter [tilespmem:s31], [sflag:$0x3], $0x9000, $0x38;
	[tilespmem:$0x12080] =	vst v63  }
0xff: {  	_ =	swait.ge [sflag:s9], $0x9000  }
0x100: {  	[sflag:s9] =	ssyncset.done $0x0  }
0x101: {  	[sflag:s9] =	ssyncadd.s32 $0xFFFF7000  }
0x102: {  	_ =	swait.ge [sflag:s30], $0x9000  }
0x103: {  	p0 =	sne.s32 s8, $0x1;
	[sflag:s30] =	ssyncset.done $0x0  }
.Ltmp0:
0x104: {  	s31 =	rddreg [dreg:$0x7];
	[sflag:s30] =	ssyncadd.s32 $0xFFFF7000;
	(pc) =	sbr.rel @p0 .LBB2_1-.Ltmp0, $4  }
0x105: {  	[hbm4b:s31+s3] =	stream.linear.scatter [tilespmem:s29], [sflag:$0x3], $0x9000, $0x38;
	[tilespmem:$0x12080] =	vst v63  }
0x106: {  	_ =	swait.ge [sflag:s9], $0x9000  }
0x107: {  	[sflag:s9] =	ssyncset.done $0x0  }
0x108: {  	s8 =	sadd.s32 $0xFFFFFFFF, s8;
	[sflag:s9] =	ssyncadd.s32 $0xFFFF7000  }
0x109: {  	_ =	sfence.sel $0x180000  }
0x10a: {  	[bflag:$0x0] =	sbarrier.arrive $0xFFFF  }
0x10b: {  	_ =	strace $0x90000050  }
0x10c: {  	s0 =	stileid.u32;
	[bflag:$0x2] =	sbarrier.arrive $0xFFFF  }
0x10d: {  	p0 =	sne.s32 s0, $0x0;
	s0 =	rddreg [dreg:$0x2]  }
0x10e: {  	s0 =	sadd.s32 @!p0 $0x100000, s0  }
0x10f: {  	[sflag:s0] =	ssyncadd.tile.s32 @!p0 $0x1;
	_ =	shalt  }
.Lfunc_end2:
_tile_overlayer_lowered:
.L_overlay_start_2:
0x110: {  	(tag) =	ssettag $0x2  }
0x111: {  	s0 =	rddreg [dreg:$0x0];
	s2 =	stileid.u32  }
0x112: {  	s1 =	rddreg [dreg:$0x1];
	p0 =	sne.s32 s2, $0x0  }
0x113: {  	s3 =	rddreg [dreg:$0x2];
	[bflag:$0x3] =	sbarrier.arrive $0xFFFF;
	s2 =	simm.s32 @!p0 $0x1C03  }
0x114: {  	[timem:s3], [sflag:s2] =	dma.local @!p0 [hbm:s0], s1  }
0x115: {  	s0 =	simm.s32 @!p0 $0x3  }
0x116: {  	_ =	swait.ge @!p0 [sflag:s0], s1  }
0x117: {  	s1 =	ssub.s32 @!p0 $0x0, s1;
	[sflag:s0] =	ssyncset.done @!p0 $0x0  }
0x118: {  	[sflag:s0] =	ssyncadd.s32 @!p0 s1  }
0x119: {  	[bflag:$0x3] =	sbarrier.arrive $0xFFFF  }
0x11a: {  	_ =	shalt  }

</sc_bundles>
